<compile_context>
chip_gen: v7x
topology: tpu7x:2x2x1
jax: 0.10.2.dev20260603
libtpu: 0.0.44.dev20260713+nightly
codegen_flags: <defaults>
</compile_context>

<pallas_src>
import functools
import math

import jax
import jax.numpy as jnp
from jax import lax
from jax.experimental import pallas as pl
from jax.experimental.pallas import tpu as pltpu
from jax.experimental.pallas import tpu_sc as plsc

N_NODES = 10000
N_EDGES = 160000
D_ATTR = 128
HIDDEN = 128
D_V = 16
N_RADIAL = 8
CUTOFF = 1.0
AVG_NEIGH = 16.0

BE = 2000
_INV_SQRT2 = 1.0 / math.sqrt(2.0)
_INV_N = 1.0 / AVG_NEIGH
_F32 = jnp.float32


def _silu(x):
    return x * jax.nn.sigmoid(x)


def _dot(a, b):
    return jnp.dot(a, b, preferred_element_type=_F32)


def _fold_mat():
    r = jax.lax.broadcasted_iota(jnp.int32, (128, D_V), 0)
    c = jax.lax.broadcasted_iota(jnp.int32, (128, D_V), 1)
    return jnp.where(r % 16 == c, _INV_N, 0.0).astype(_F32)


def _tile_mat(scale):
    c = jax.lax.broadcasted_iota(jnp.int32, (D_V, 128), 0)
    l = jax.lax.broadcasted_iota(jnp.int32, (D_V, 128), 1)
    return jnp.where(l % 16 == c, scale, 0.0).astype(_F32)


def _expand_mat(p):
    k = jax.lax.broadcasted_iota(jnp.int32, (D_V, 128), 0)
    l = jax.lax.broadcasted_iota(jnp.int32, (D_V, 128), 1)
    return jnp.where(k == 8 * p + l // 16, 1.0, 0.0).astype(_F32)


def _geom_kernel(v_ref, g_ref):
    vx, vy, vz = v_ref[0, :, :], v_ref[1, :, :], v_ref[2, :, :]
    d = jnp.sqrt(vx * vx + vy * vy + vz * vz)
    xc = jnp.clip(d / CUTOFF, 1e-6, 1.0)
    rxc = jnp.sqrt(2.0 / CUTOFF) / xc
    th = jnp.pi * xc
    s1, c1 = jnp.sin(th), jnp.cos(th)
    c2 = 2.0 * c1
    g_ref[0, :, :] = s1 * rxc
    spp, sp = s1, c2 * s1 - 0.0
    g_ref[1, :, :] = sp * rxc
    for n in range(3, N_RADIAL + 1):
        sn = c2 * sp - spp
        g_ref[n - 1, :, :] = sn * rxc
        spp, sp = sp, sn
    xe = jnp.clip(d / CUTOFF, 0.0, 1.0)
    x6 = xe * xe * xe * xe * xe * xe
    cut = 1.0 - 28.0 * x6 + 48.0 * x6 * xe - 21.0 * x6 * xe * xe
    inv = 1.0 / jnp.maximum(d, 1e-6)
    ux, uy, uz = vx * inv, vy * inv, vz * inv
    sh = [jnp.ones_like(ux), ux, uy, uz, ux * uy, uy * uz,
          3.0 * uz * uz - 1.0, ux * uz, ux * ux - uy * uy,
          uy * (3.0 * ux * ux - uy * uy), ux * uy * uz,
          uy * (5.0 * uz * uz - 1.0), uz * (5.0 * uz * uz - 3.0),
          ux * (5.0 * uz * uz - 1.0), uz * (ux * ux - uy * uy),
          ux * (ux * ux - 3.0 * uy * uy)]
    for k in range(16):
        g_ref[8 + k, :, :] = sh[k]
    g_ref[24, :, :] = cut


def _tc_geom(vecs3):
    return pl.pallas_call(
        _geom_kernel,
        grid=(1,),
        in_specs=[pl.BlockSpec((3, _ROWS, 128), lambda e: (0, 0, 0))],
        out_specs=pl.BlockSpec((25, _ROWS, 128), lambda e: (0, 0, 0)),
        out_shape=jax.ShapeDtypeStruct((25, _ROWS, 128), _F32),
    )(vecs3)


def _embed_kernel(geo_ref, sr_ref, w1_ref, w2_ref, wvt_ref, e0_ref,
                  e1_ref, x_ref, v_ref, cut_ref):
    g = geo_ref[...]
    rb = g[:, 0:N_RADIAL]
    sh16 = g[:, N_RADIAL:N_RADIAL + 16]
    cut = g[:, 24:25]
    pre = (_dot(rb, w1_ref[0:N_RADIAL, :])
           + _dot(sr_ref[0, :, :], w1_ref[N_RADIAL:N_RADIAL + D_ATTR, :])
           + _dot(sr_ref[1, :, :], w1_ref[N_RADIAL + D_ATTR:, :]))
    x2 = _dot(_silu(pre), w2_ref[...]) * cut
    xvt = _dot(x2, wvt_ref[...])
    x_ref[...] = x2.astype(jnp.bfloat16)
    cut_ref[...] = cut
    v_ref[0, :, :] = _dot(sh16, e0_ref[...]) * xvt
    v_ref[1, :, :] = _dot(sh16, e1_ref[...]) * xvt


def _layer_kernel(x_ref, v_ref, venv_ref, cut_ref, wa1_ref, fwa_ref, wb_ref, wgt_ref,
                  xo_ref, vo_ref):
    x = x_ref[...].astype(_F32)
    cut = cut_ref[...]
    v0, v1 = v_ref[0, :, :], v_ref[1, :, :]
    e0, e1 = venv_ref[0, :, :], venv_ref[1, :, :]
    p_sum = v0 * e0 + v1 * e1
    pre = _dot(x, wa1_ref[...]) + _dot(p_sum, fwa_ref[...])
    xn = (_dot(_silu(pre), wb_ref[...]) * cut + x) * _INV_SQRT2
    xo_ref[...] = xn.astype(jnp.bfloat16)
    gt = _dot(xn, wgt_ref[...])
    vo_ref[0, :, :] = (v0 + e0 * gt) * _INV_SQRT2
    vo_ref[1, :, :] = (v1 + e1 * gt) * _INV_SQRT2


def _final_kernel(x_ref, v_ref, venv_ref, cut_ref, wa1_ref, fwa_ref, wb_ref, wo_ref,
                  out_ref):
    x = x_ref[...].astype(_F32)
    cut = cut_ref[...]
    p_sum = (v_ref[0, :, :] * venv_ref[0, :, :]
             + v_ref[1, :, :] * venv_ref[1, :, :])
    pre = _dot(x, wa1_ref[...]) + _dot(p_sum, fwa_ref[...])
    xn = (_dot(_silu(pre), wb_ref[...]) * cut + x) * _INV_SQRT2
    out_ref[...] = jnp.reshape(_dot(xn, wo_ref[...]) * cut, out_ref.shape)


def _eblk(bs):
    return pl.BlockSpec(bs, lambda e: (e,) + (0,) * (len(bs) - 1))


def _wblk(bs):
    return pl.BlockSpec(bs, lambda e: (0,) * len(bs))


def _vblk():
    return pl.BlockSpec((2, BE, 128), lambda e: (0, e, 0))


def _tc_embed(geo, SR, W_emb1, W_emb2, WvT, E0m, E1m):
    return pl.pallas_call(
        _embed_kernel,
        grid=(N_EDGES // BE,),
        in_specs=[
            _eblk((BE, 25)),
            pl.BlockSpec((2, BE, D_ATTR), lambda e: (0, e, 0)),
            _wblk((N_RADIAL + 2 * D_ATTR, HIDDEN)),
            _wblk((HIDDEN, HIDDEN)),
            _wblk((HIDDEN, 128)),
            _wblk((D_V, 128)),
            _wblk((D_V, 128)),
        ],
        out_specs=[
            _eblk((BE, HIDDEN)),
            _vblk(),
            _eblk((BE, 1)),
        ],
        out_shape=[
            jax.ShapeDtypeStruct((N_EDGES, HIDDEN), jnp.bfloat16),
            jax.ShapeDtypeStruct((2, N_EDGES, 128), _F32),
            jax.ShapeDtypeStruct((N_EDGES, 1), _F32),
        ],
    )(geo, SR, W_emb1, W_emb2, WvT, E0m, E1m)


def _tc_layer(x, V, Venv, cut, Wa1, FWa2, Wb, WgT):
    return pl.pallas_call(
        _layer_kernel,
        grid=(N_EDGES // BE,),
        in_specs=[
            _eblk((BE, HIDDEN)),
            _vblk(),
            _vblk(),
            _eblk((BE, 1)),
            _wblk((HIDDEN, HIDDEN)),
            _wblk((HIDDEN, HIDDEN)),
            _wblk((HIDDEN, HIDDEN)),
            _wblk((HIDDEN, 128)),
        ],
        out_specs=[
            _eblk((BE, HIDDEN)),
            _vblk(),
        ],
        out_shape=[
            jax.ShapeDtypeStruct((N_EDGES, HIDDEN), jnp.bfloat16),
            jax.ShapeDtypeStruct((2, N_EDGES, 128), _F32),
        ],
    )(x, V, Venv, cut, Wa1, FWa2, Wb, WgT)


def _tc_final(x, V, Venv, cut, Wa1, FWa2, Wb, Wo):
    be = 2048
    nb = pl.cdiv(N_EDGES, be)
    return pl.pallas_call(
        _final_kernel,
        grid=(nb,),
        in_specs=[
            pl.BlockSpec((be, HIDDEN), lambda e: (e, 0)),
            pl.BlockSpec((2, be, 128), lambda e: (0, e, 0)),
            pl.BlockSpec((2, be, 128), lambda e: (0, e, 0)),
            pl.BlockSpec((be, 1), lambda e: (e, 0)),
            _wblk((HIDDEN, HIDDEN)),
            _wblk((HIDDEN, HIDDEN)),
            _wblk((HIDDEN, HIDDEN)),
            _wblk((HIDDEN, 1)),
        ],
        out_specs=pl.BlockSpec((16, 128), lambda e: (e, 0)),
        out_shape=jax.ShapeDtypeStruct((_ROWS, 128), _F32),
    )(x, V, Venv, cut, Wa1, FWa2, Wb, Wo)



_ROWS = N_EDGES // 128
_SPAN = 80
_LAST = _ROWS - 15 * _SPAN
_ZSP = 624
_ZLAST = N_NODES - 15 * _ZSP

_SC_MESH = dict(core_axis_name="c", subcore_axis_name="s")


def _stage_idx(idx_src, start, idx_st):
    pltpu.sync_copy(idx_src.at[pl.ds(start, _SPAN)], idx_st)


def _sc_gather_sr(node_attrs, idx2):
    @functools.partial(
        pl.kernel,
        out_type=jax.ShapeDtypeStruct((2, N_EDGES, D_ATTR), _F32),
        mesh=plsc.VectorSubcoreMesh(**_SC_MESH),
        scratch_types=[
            pltpu.VMEM((_SPAN, 128), jnp.int32),
            pltpu.VMEM((128, D_ATTR), _F32),
            pltpu.VMEM((128, D_ATTR), _F32),
            pltpu.SemaphoreType.DMA,
            pltpu.SemaphoreType.DMA,
        ],
    )
    def k(attrs_hbm, idx_hbm, out_hbm, idx_st, b0, b1, s0, s1):
        c = lax.axis_index("c")
        s = lax.axis_index("s")
        start = s * _SPAN
        n = jnp.where(s < 15, _SPAN, _LAST)
        _stage_idx(idx_hbm.at[c], start, idx_st)

        def gsrc(j):
            return attrs_hbm.at[idx_st.at[j]]

        def gdst(j):
            return out_hbm.at[c, pl.ds((start + j) * 128, 128)]

        pltpu.async_copy(gsrc(0), b0, s0)
        pltpu.async_copy(gsrc(1), b1, s1)

        @pl.loop(0, n, step=2)
        def _(j):
            pltpu.make_async_copy(gsrc(j), b0, s0).wait()
            pltpu.sync_copy(b0, gdst(j))

            @pl.when(j + 2 < n)
            def _():
                pltpu.async_copy(gsrc(j + 2), b0, s0)

            pltpu.make_async_copy(gsrc(j + 1), b1, s1).wait()
            pltpu.sync_copy(b1, gdst(j + 1))

            @pl.when(j + 3 < n)
            def _():
                pltpu.async_copy(gsrc(j + 3), b1, s1)

    return k(node_attrs, idx2)


def _sc_env_gather(V3d, senders2d, zblk):
    @functools.partial(
        pl.kernel,
        out_type=jax.ShapeDtypeStruct((2, N_EDGES, 128), _F32),
        mesh=plsc.VectorSubcoreMesh(**_SC_MESH),
        scratch_types=[
            pltpu.VMEM_SHARED((N_NODES, 128), _F32),
            pltpu.VMEM((_SPAN, 128), jnp.int32),
            pltpu.VMEM((128, 128), _F32),
            pltpu.VMEM((128, 128), _F32),
            pltpu.SemaphoreType.DMA,
            pltpu.SemaphoreType.DMA,
        ],
    )
    def k(v_hbm, idx_hbm, z_hbm, venv_hbm, acc, idx_st, b0, b1, s0, s1):
        c = lax.axis_index("c")
        s = lax.axis_index("s")
        start = s * _SPAN
        n = jnp.where(s < 15, _SPAN, _LAST)
        _stage_idx(idx_hbm, start, idx_st)

        @pl.when(s < 15)
        def _():
            pltpu.sync_copy(z_hbm.at[pl.ds(0, _ZSP)],
                            acc.at[pl.ds(s * _ZSP, _ZSP)])

        @pl.when(s >= 15)
        def _():
            pltpu.sync_copy(z_hbm, acc.at[pl.ds(15 * _ZSP, _ZLAST)])

        plsc.subcore_barrier()

        def vsrc(j):
            return v_hbm.at[c, pl.ds((start + j) * 128, 128)]

        pltpu.async_copy(vsrc(0), b0, s0)
        pltpu.async_copy(vsrc(1), b1, s1)

        @pl.loop(0, n, step=2)
        def _(j):
            pltpu.make_async_copy(vsrc(j), b0, s0).wait()
            pltpu.sync_copy(b0, acc.at[idx_st.at[j]], add=True)

            @pl.when(j + 2 < n)
            def _():
                pltpu.async_copy(vsrc(j + 2), b0, s0)

            pltpu.make_async_copy(vsrc(j + 1), b1, s1).wait()
            pltpu.sync_copy(b1, acc.at[idx_st.at[j + 1]], add=True)

            @pl.when(j + 3 < n)
            def _():
                pltpu.async_copy(vsrc(j + 3), b1, s1)

        plsc.subcore_barrier()

        def esrc(j):
            return acc.at[idx_st.at[j]]

        def edst(j):
            return venv_hbm.at[c, pl.ds((start + j) * 128, 128)]

        pltpu.async_copy(esrc(0), b0, s0)
        pltpu.async_copy(esrc(1), b1, s1)

        @pl.loop(0, n, step=2)
        def _(j):
            pltpu.make_async_copy(esrc(j), b0, s0).wait()
            pltpu.sync_copy(b0, edst(j))

            @pl.when(j + 2 < n)
            def _():
                pltpu.async_copy(esrc(j + 2), b0, s0)

            pltpu.make_async_copy(esrc(j + 1), b1, s1).wait()
            pltpu.sync_copy(b1, edst(j + 1))

            @pl.when(j + 3 < n)
            def _():
                pltpu.async_copy(esrc(j + 3), b1, s1)

    return k(V3d, senders2d, zblk)


def kernel(node_attrs, vectors, senders, receivers, W_emb1, W_emb2, W_v,
           W0a, W0b, Wg0, W1a, W1b, Wg1, W_out):
    pad = ((0, 16 * _SPAN - _ROWS), (0, 0))
    senders2d = jnp.pad(senders.reshape(_ROWS, 128), pad)
    idx2 = jnp.stack([senders2d, jnp.pad(receivers.reshape(_ROWS, 128), pad)])
    zblk = jnp.zeros((_ZLAST, 128), _F32)
    F = _fold_mat()
    WvT = jnp.dot(W_v, _tile_mat(1.0))
    vecs3 = vectors.T.reshape(3, _ROWS, 128)
    geo = _tc_geom(vecs3).transpose(1, 2, 0).reshape(N_EDGES, 25)
    SR = _sc_gather_sr(node_attrs, idx2)
    x0, V0, cut = _tc_embed(geo, SR, W_emb1, W_emb2, WvT,
                            _expand_mat(0), _expand_mat(1))
    Venv0 = _sc_env_gather(V0, senders2d, zblk)
    x1, V1 = _tc_layer(x0, V0, Venv0, cut, W0a[:HIDDEN], jnp.dot(F, W0a[HIDDEN:]),
                       W0b, jnp.dot(Wg0, _tile_mat(_INV_N)))
    Venv1 = _sc_env_gather(V1, senders2d, zblk)
    out = _tc_final(x1, V1, Venv1, cut, W1a[:HIDDEN], jnp.dot(F, W1a[HIDDEN:]),
                    W1b, W_out)
    return out.reshape(N_EDGES, 1)

# --- scband reference (transcript-rebuilt; emitter-appended) ---
"""Pipeline reference for scband-allegro-26534307954738 (READ-ONLY COPY).

The authoritative reference and input builder live on the scoring server;
editing this copy changes nothing except your own understanding.
"""

import jax, jax.numpy as jnp
import numpy as np

N_NODES = 10000
N_EDGES = 160000
D_ATTR = 128
HIDDEN = 128
D_V = 16
N_RADIAL = 8
CUTOFF = 1.0
P = 6
AVG_NEIGH = 16.0

def _envelope(x, p):
    return 1.0 - (p + 1.0) * (p + 2.0) / 2.0 * x ** p + p * (p + 2.0) * x ** (p + 1) - p * (p + 1.0) / 2.0 * x ** (p + 2)

def _bessel(d, n, cutoff):
    x = jnp.clip(d / cutoff, 1e-6, 1.0)
    ns = jnp.arange(1, n + 1, dtype=jnp.float32)
    return jnp.sqrt(2.0 / cutoff) * jnp.sin(ns * jnp.pi * x[:, None]) / x[:, None]

def _sph(v):
    x, y, z = v[:, 0], v[:, 1], v[:, 2]
    o = jnp.ones_like(x)
    return jnp.stack([o, x, y, z, x * y, y * z, 3.0 * z * z - 1.0, x * z, x * x - y * y, y * (3.0 * x * x - y * y), x * y * z, y * (5.0 * z * z - 1.0), z * (5.0 * z * z - 3.0), x * (5.0 * z * z - 1.0), z * (x * x - y * y), x * (x * x - 3.0 * y * y)], axis=1)

def _w(k, i, o):
    return jax.random.normal(k, (i, o), dtype=jnp.float32) / np.sqrt(i)

def setup_inputs(seed: int = 0):
    key = jax.random.key(seed)
    ks = jax.random.split(key, 16)
    inp = {}
    inp['node_attrs'] = jax.random.normal(ks[0], (N_NODES, D_ATTR), dtype=jnp.float32)
    inp['vectors'] = jax.random.normal(ks[1], (N_EDGES, 3), dtype=jnp.float32)
    inp['senders'] = jax.random.randint(ks[2], (N_EDGES,), 0, N_NODES, dtype=jnp.int32)
    inp['receivers'] = jax.random.randint(ks[3], (N_EDGES,), 0, N_NODES, dtype=jnp.int32)
    d_in0 = N_RADIAL + 2 * D_ATTR
    inp['W_emb1'] = _w(ks[4], d_in0, HIDDEN)
    inp['W_emb2'] = _w(ks[5], HIDDEN, HIDDEN)
    inp['W_v'] = _w(ks[6], HIDDEN, D_V)
    inp['W0a'] = _w(ks[7], HIDDEN + D_V, HIDDEN)
    inp['W0b'] = _w(ks[8], HIDDEN, HIDDEN)
    inp['Wg0'] = _w(ks[9], HIDDEN, D_V)
    inp['W1a'] = _w(ks[10], HIDDEN + D_V, HIDDEN)
    inp['W1b'] = _w(ks[11], HIDDEN, HIDDEN)
    inp['Wg1'] = _w(ks[12], HIDDEN, D_V)
    inp['W_out'] = _w(ks[13], HIDDEN, 1)
    return inp

def reference(node_attrs, vectors, senders, receivers, W_emb1, W_emb2, W_v, W0a, W0b, Wg0, W1a, W1b, Wg1, W_out):
    d = jnp.linalg.norm(vectors, axis=1)
    unit = vectors / jnp.maximum(d, 1e-6)[:, None]
    rb = _bessel(d, N_RADIAL, CUTOFF)
    cut = _envelope(jnp.clip(d / CUTOFF, 0.0, 1.0), P)[:, None]
    h0 = jnp.concatenate([rb, node_attrs[senders], node_attrs[receivers]], axis=1)
    x = jax.nn.silu(h0 @ W_emb1)
    x = (x @ W_emb2) * cut
    sh = _sph(unit)
    V = sh[:, :, None] * (x @ W_v)[:, None, :]
    for Wa, Wb, Wg in ((W0a, W0b, Wg0), (W1a, W1b, Wg1)):
        node_env = jax.ops.segment_sum(V, senders, num_segments=N_NODES) / AVG_NEIGH
        V_env = node_env[senders]
        t = jnp.einsum('eic,eic->ec', V, V_env)
        h = jnp.concatenate([x, t], axis=1)
        x = ((jax.nn.silu(h @ Wa) @ Wb) * cut + x) / jnp.sqrt(2.0)
        V = (V + V_env * (x @ Wg)[:, None, :]) / jnp.sqrt(2.0)
    return (x @ W_out) * cut

if __name__ == "__main__":
    import jax
    _d = setup_inputs()
    print(jax.jit(kernel)(*tuple(_d.values())))

</pallas_src>

<mosaic_0001>
#map = affine_map<(d0, d1) -> (0, 0)>
#map1 = affine_map<(d0, d1) -> (0, 0, 0)>
module attributes {stable_mosaic.version = 14 : i64} {
  func.func @k(%arg0: i32, %arg1: i32, %arg2: memref<10000x128xf32, #tpu.memory_space<hbm>>, %arg3: memref<2x1280x128xi32, #tpu.memory_space<hbm>>, %arg4: memref<2x160000x128xf32, #tpu.memory_space<hbm>>, %arg5: memref<80x128xi32, #tpu.memory_space<vmem>>, %arg6: memref<128x128xf32, #tpu.memory_space<vmem>>, %arg7: memref<128x128xf32, #tpu.memory_space<vmem>>, %arg8: memref<!tpu.dma_semaphore, #tpu.memory_space<semaphore_mem>>, %arg9: memref<!tpu.dma_semaphore, #tpu.memory_space<semaphore_mem>>) attributes {dimension_semantics = [#tpu.dimension_semantics<core_parallel>, #tpu.dimension_semantics<subcore_parallel>], iteration_bounds = array<i64: 2, 16>, scalar_prefetch = 0 : i64, scratch_operands = 5 : i64, tpu.core_type = #tpu.core_type<sc_vector_subcore>, window_params = [{transform_indices = #map}, {transform_indices = #map1}, {transform_indices = #map1}]} {
    %mul3A = arith.constant 80 : i32
    %mul3A_0 = arith.muli %arg1, %mul3A : i32
    %lt3A = arith.constant 15 : i32
    %lt3A_1 = arith.cmpi slt, %arg1, %lt3A : i32
    %jit3A = arith.constant 80 : i32
    %jit3A_2 = arith.constant 50 : i32
    %select_n3A = arith.select %lt3A_1, %jit3A, %jit3A_2 : i32
    "tpu.region"() ({
      %run_scoped3A = tpu.sem_alloc : memref<!tpu.dma_semaphore, #tpu.memory_space<semaphore_mem>>
      %dma_start3A_31 = arith.constant 0 : i32
      %dma_start3A_32 = arith.constant 0 : i32
      %dma_start3A_33 = tpu.memref_slice %arg3[%arg0, %dma_start3A_31, %dma_start3A_32] : memref<2x1280x128xi32, #tpu.memory_space<hbm>> -> memref<1x1280x128xi32, #tpu.memory_space<hbm>>
      %dma_start3A_34 = tpu.memref_squeeze %dma_start3A_33 : memref<1x1280x128xi32, #tpu.memory_space<hbm>> -> memref<1280x128xi32, #tpu.memory_space<hbm>>
      %dma_start3A_35 = arith.constant 0 : i32
      %dma_start3A_36 = tpu.memref_slice %dma_start3A_34[%mul3A_0, %dma_start3A_35] : memref<1280x128xi32, #tpu.memory_space<hbm>> -> memref<80x128xi32, #tpu.memory_space<hbm>>
      %dma_start3A_37 = arith.constant 0 : i32
      %dma_start3A_38 = arith.constant 0 : i32
      %dma_start3A_39 = tpu.memref_slice %arg3[%arg0, %dma_start3A_37, %dma_start3A_38] : memref<2x1280x128xi32, #tpu.memory_space<hbm>> -> memref<1x1280x128xi32, #tpu.memory_space<hbm>>
      %dma_start3A_40 = tpu.memref_squeeze %dma_start3A_39 : memref<1x1280x128xi32, #tpu.memory_space<hbm>> -> memref<1280x128xi32, #tpu.memory_space<hbm>>
      %dma_start3A_41 = arith.constant 0 : i32
      %dma_start3A_42 = tpu.memref_slice %dma_start3A_40[%mul3A_0, %dma_start3A_41] : memref<1280x128xi32, #tpu.memory_space<hbm>> -> memref<80x128xi32, #tpu.memory_space<hbm>>
      tpu.enqueue_dma source(%dma_start3A_42 : memref<80x128xi32, #tpu.memory_space<hbm>>) target(%arg5 : memref<80x128xi32, #tpu.memory_space<vmem>>) target_semaphore(%run_scoped3A : memref<!tpu.dma_semaphore, #tpu.memory_space<semaphore_mem>>)
      %dma_wait3A = arith.constant 0 : i32
      %dma_wait3A_43 = arith.constant 0 : i32
      %dma_wait3A_44 = tpu.memref_slice %arg3[%arg0, %dma_wait3A, %dma_wait3A_43] : memref<2x1280x128xi32, #tpu.memory_space<hbm>> -> memref<1x1280x128xi32, #tpu.memory_space<hbm>>
      %dma_wait3A_45 = tpu.memref_squeeze %dma_wait3A_44 : memref<1x1280x128xi32, #tpu.memory_space<hbm>> -> memref<1280x128xi32, #tpu.memory_space<hbm>>
      %dma_wait3A_46 = arith.constant 0 : i32
      %dma_wait3A_47 = tpu.memref_slice %dma_wait3A_45[%mul3A_0, %dma_wait3A_46] : memref<1280x128xi32, #tpu.memory_space<hbm>> -> memref<80x128xi32, #tpu.memory_space<hbm>>
      %dma_wait3A_48 = arith.constant 0 : i32
      %dma_wait3A_49 = arith.constant 0 : i32
      %dma_wait3A_50 = tpu.memref_slice %arg3[%arg0, %dma_wait3A_48, %dma_wait3A_49] : memref<2x1280x128xi32, #tpu.memory_space<hbm>> -> memref<1x1280x128xi32, #tpu.memory_space<hbm>>
      %dma_wait3A_51 = tpu.memref_squeeze %dma_wait3A_50 : memref<1x1280x128xi32, #tpu.memory_space<hbm>> -> memref<1280x128xi32, #tpu.memory_space<hbm>>
      %dma_wait3A_52 = arith.constant 0 : i32
      %dma_wait3A_53 = tpu.memref_slice %dma_wait3A_51[%mul3A_0, %dma_wait3A_52] : memref<1280x128xi32, #tpu.memory_space<hbm>> -> memref<80x128xi32, #tpu.memory_space<hbm>>
      tpu.wait_dma2 semaphore(%run_scoped3A : memref<!tpu.dma_semaphore, #tpu.memory_space<semaphore_mem>>) src(%dma_wait3A_53 : memref<80x128xi32, #tpu.memory_space<hbm>>) dst(%arg5 : memref<80x128xi32, #tpu.memory_space<vmem>>)
      tpu.yield
    }) : () -> ()
    %dma_start3A = arith.constant 0 : i32
    %dma_start3A_3 = arith.constant 0 : i32
    %dma_start3A_4 = tpu.memref_slice %arg5[%dma_start3A, %dma_start3A_3] : memref<80x128xi32, #tpu.memory_space<vmem>> -> memref<1x128xi32, #tpu.memory_space<vmem>>
    %dma_start3A_5 = tpu.memref_squeeze %dma_start3A_4 : memref<1x128xi32, #tpu.memory_space<vmem>> -> memref<128xi32, #tpu.memory_space<vmem>>
    %dma_start3A_6 = arith.constant 0 : i32
    %dma_start3A_7 = arith.constant 0 : i32
    %dma_start3A_8 = tpu.memref_slice %arg2[%dma_start3A_6, %dma_start3A_7] : memref<10000x128xf32, #tpu.memory_space<hbm>> -> memref<10000x128xf32, #tpu.memory_space<hbm>>
    tpu.enqueue_indirect_dma source(%dma_start3A_8 : memref<10000x128xf32, #tpu.memory_space<hbm>>) target(%arg6 : memref<128x128xf32, #tpu.memory_space<vmem>>) offsets(%dma_start3A_5 : memref<128xi32, #tpu.memory_space<vmem>>) semaphore(%arg8 : memref<!tpu.dma_semaphore, #tpu.memory_space<semaphore_mem>>)
    %dma_start3A_9 = arith.constant 1 : i32
    %dma_start3A_10 = arith.constant 0 : i32
    %dma_start3A_11 = tpu.memref_slice %arg5[%dma_start3A_9, %dma_start3A_10] : memref<80x128xi32, #tpu.memory_space<vmem>> -> memref<1x128xi32, #tpu.memory_space<vmem>>
    %dma_start3A_12 = tpu.memref_squeeze %dma_start3A_11 : memref<1x128xi32, #tpu.memory_space<vmem>> -> memref<128xi32, #tpu.memory_space<vmem>>
    %dma_start3A_13 = arith.constant 0 : i32
    %dma_start3A_14 = arith.constant 0 : i32
    %dma_start3A_15 = tpu.memref_slice %arg2[%dma_start3A_13, %dma_start3A_14] : memref<10000x128xf32, #tpu.memory_space<hbm>> -> memref<10000x128xf32, #tpu.memory_space<hbm>>
    tpu.enqueue_indirect_dma source(%dma_start3A_15 : memref<10000x128xf32, #tpu.memory_space<hbm>>) target(%arg7 : memref<128x128xf32, #tpu.memory_space<vmem>>) offsets(%dma_start3A_12 : memref<128xi32, #tpu.memory_space<vmem>>) semaphore(%arg9 : memref<!tpu.dma_semaphore, #tpu.memory_space<semaphore_mem>>)
    %sub3A = arith.constant 0 : i32
    %sub3A_16 = arith.subi %select_n3A, %sub3A : i32
    %sub3A_17 = arith.constant 2 : i32
    %sub3A_18 = arith.constant 1 : i32
    %sub3A_19 = arith.subi %sub3A_17, %sub3A_18 : i32
    %add3A = arith.addi %sub3A_16, %sub3A_19 : i32
    %div3A = arith.constant 2 : i32
    %div3A_20 = arith.divsi %add3A, %div3A : i32
    %while3A = arith.constant 2 : i32
    %while3A_21 = arith.constant 0 : i32
    %while3A_22 = arith.constant 0 : i32
    %while3A_23 = arith.subi %div3A_20, %while3A_22 : i32
    %while3A_24 = arith.addi %while3A_22, %while3A_23 : i32
    %while3A_25 = arith.constant 1 : i32
    %while3A_26 = arith.divsi %while3A_23, %while3A_25 : i32
    %while3A_27 = arith.muli %while3A_26, %while3A_25 : i32
    %while3A_28 = arith.addi %while3A_22, %while3A_27 : i32
    %while3A_29 = arith.constant 1 : i32
    scf.for %while3A_31 = %while3A_22 to %while3A_28 step %while3A_29  : i32 {
      %mul3A_32 = arith.muli %while3A_31, %while3A : i32
      %add3A_33 = arith.addi %while3A_21, %mul3A_32 : i32
      %dma_wait3A = arith.constant 0 : i32
      %dma_wait3A_34 = tpu.memref_slice %arg5[%add3A_33, %dma_wait3A] : memref<80x128xi32, #tpu.memory_space<vmem>> -> memref<1x128xi32, #tpu.memory_space<vmem>>
      %dma_wait3A_35 = tpu.memref_squeeze %dma_wait3A_34 : memref<1x128xi32, #tpu.memory_space<vmem>> -> memref<128xi32, #tpu.memory_space<vmem>>
      %dma_wait3A_36 = arith.constant 0 : i32
      %dma_wait3A_37 = arith.constant 0 : i32
      %dma_wait3A_38 = tpu.memref_slice %arg2[%dma_wait3A_36, %dma_wait3A_37] : memref<10000x128xf32, #tpu.memory_space<hbm>> -> memref<10000x128xf32, #tpu.memory_space<hbm>>
      tpu.wait_indirect_dma semaphore(%arg8 : memref<!tpu.dma_semaphore, #tpu.memory_space<semaphore_mem>>) src(%dma_wait3A_38 : memref<10000x128xf32, #tpu.memory_space<hbm>>) dst(%arg6 : memref<128x128xf32, #tpu.memory_space<vmem>>)
      %add3A_39 = arith.addi %mul3A_0, %add3A_33 : i32
      %mul3A_40 = arith.constant 128 : i32
      %mul3A_41 = arith.muli %add3A_39, %mul3A_40 : i32
      "tpu.region"() ({
        %run_scoped3A = tpu.sem_alloc : memref<!tpu.dma_semaphore, #tpu.memory_space<semaphore_mem>>
        %dma_start3A_65 = arith.constant 0 : i32
        %dma_start3A_66 = tpu.memref_slice %arg4[%arg0, %mul3A_41, %dma_start3A_65] : memref<2x160000x128xf32, #tpu.memory_space<hbm>> -> memref<1x128x128xf32, #tpu.memory_space<hbm>>
        %dma_start3A_67 = tpu.memref_squeeze %dma_start3A_66 : memref<1x128x128xf32, #tpu.memory_space<hbm>> -> memref<128x128xf32, #tpu.memory_space<hbm>>
        %dma_start3A_68 = arith.constant 0 : i32
        %dma_start3A_69 = tpu.memref_slice %arg4[%arg0, %mul3A_41, %dma_start3A_68] : memref<2x160000x128xf32, #tpu.memory_space<hbm>> -> memref<1x128x128xf32, #tpu.memory_space<hbm>>
        %dma_start3A_70 = tpu.memref_squeeze %dma_start3A_69 : memref<1x128x128xf32, #tpu.memory_space<hbm>> -> memref<128x128xf32, #tpu.memory_space<hbm>>
        tpu.enqueue_dma source(%arg6 : memref<128x128xf32, #tpu.memory_space<vmem>>) target(%dma_start3A_70 : memref<128x128xf32, #tpu.memory_space<hbm>>) target_semaphore(%run_scoped3A : memref<!tpu.dma_semaphore, #tpu.memory_space<semaphore_mem>>)
        %dma_wait3A_71 = arith.constant 0 : i32
        %dma_wait3A_72 = tpu.memref_slice %arg4[%arg0, %mul3A_41, %dma_wait3A_71] : memref<2x160000x128xf32, #tpu.memory_space<hbm>> -> memref<1x128x128xf32, #tpu.memory_space<hbm>>
        %dma_wait3A_73 = tpu.memref_squeeze %dma_wait3A_72 : memref<1x128x128xf32, #tpu.memory_space<hbm>> -> memref<128x128xf32, #tpu.memory_space<hbm>>
        %dma_wait3A_74 = arith.constant 0 : i32
        %dma_wait3A_75 = tpu.memref_slice %arg4[%arg0, %mul3A_41, %dma_wait3A_74] : memref<2x160000x128xf32, #tpu.memory_space<hbm>> -> memref<1x128x128xf32, #tpu.memory_space<hbm>>
        %dma_wait3A_76 = tpu.memref_squeeze %dma_wait3A_75 : memref<1x128x128xf32, #tpu.memory_space<hbm>> -> memref<128x128xf32, #tpu.memory_space<hbm>>
        tpu.wait_dma2 semaphore(%run_scoped3A : memref<!tpu.dma_semaphore, #tpu.memory_space<semaphore_mem>>) src(%arg6 : memref<128x128xf32, #tpu.memory_space<vmem>>) dst(%dma_wait3A_76 : memref<128x128xf32, #tpu.memory_space<hbm>>)
        tpu.yield
      }) : () -> ()
      %add3A_42 = arith.constant 2 : i32
      %add3A_43 = arith.addi %add3A_33, %add3A_42 : i32
      %lt3A_44 = arith.cmpi slt, %add3A_43, %select_n3A : i32
      %convert_element_type3A = arith.extui %lt3A_44 : i1 to i32
      %cond3A = arith.constant 0 : i32
      %cond3A_45 = arith.cmpi ne, %convert_element_type3A, %cond3A : i32
      scf.if %cond3A_45 {
        %add3A_65 = arith.constant 2 : i32
        %add3A_66 = arith.addi %add3A_33, %add3A_65 : i32
        %dma_start3A_67 = arith.constant 0 : i32
        %dma_start3A_68 = tpu.memref_slice %arg5[%add3A_66, %dma_start3A_67] : memref<80x128xi32, #tpu.memory_space<vmem>> -> memref<1x128xi32, #tpu.memory_space<vmem>>
        %dma_start3A_69 = tpu.memref_squeeze %dma_start3A_68 : memref<1x128xi32, #tpu.memory_space<vmem>> -> memref<128xi32, #tpu.memory_space<vmem>>
        %dma_start3A_70 = arith.constant 0 : i32
        %dma_start3A_71 = arith.constant 0 : i32
        %dma_start3A_72 = tpu.memref_slice %arg2[%dma_start3A_70, %dma_start3A_71] : memref<10000x128xf32, #tpu.memory_space<hbm>> -> memref<10000x128xf32, #tpu.memory_space<hbm>>
        tpu.enqueue_indirect_dma source(%dma_start3A_72 : memref<10000x128xf32, #tpu.memory_space<hbm>>) target(%arg6 : memref<128x128xf32, #tpu.memory_space<vmem>>) offsets(%dma_start3A_69 : memref<128xi32, #tpu.memory_space<vmem>>) semaphore(%arg8 : memref<!tpu.dma_semaphore, #tpu.memory_space<semaphore_mem>>)
      } else {
      }
      %add3A_46 = arith.constant 1 : i32
      %add3A_47 = arith.addi %add3A_33, %add3A_46 : i32
      %dma_wait3A_48 = arith.constant 0 : i32
      %dma_wait3A_49 = tpu.memref_slice %arg5[%add3A_47, %dma_wait3A_48] : memref<80x128xi32, #tpu.memory_space<vmem>> -> memref<1x128xi32, #tpu.memory_space<vmem>>
      %dma_wait3A_50 = tpu.memref_squeeze %dma_wait3A_49 : memref<1x128xi32, #tpu.memory_space<vmem>> -> memref<128xi32, #tpu.memory_space<vmem>>
      %dma_wait3A_51 = arith.constant 0 : i32
      %dma_wait3A_52 = arith.constant 0 : i32
      %dma_wait3A_53 = tpu.memref_slice %arg2[%dma_wait3A_51, %dma_wait3A_52] : memref<10000x128xf32, #tpu.memory_space<hbm>> -> memref<10000x128xf32, #tpu.memory_space<hbm>>
      tpu.wait_indirect_dma semaphore(%arg9 : memref<!tpu.dma_semaphore, #tpu.memory_space<semaphore_mem>>) src(%dma_wait3A_53 : memref<10000x128xf32, #tpu.memory_space<hbm>>) dst(%arg7 : memref<128x128xf32, #tpu.memory_space<vmem>>)
      %add3A_54 = arith.constant 1 : i32
      %add3A_55 = arith.addi %add3A_33, %add3A_54 : i32
      %add3A_56 = arith.addi %mul3A_0, %add3A_55 : i32
      %mul3A_57 = arith.constant 128 : i32
      %mul3A_58 = arith.muli %add3A_56, %mul3A_57 : i32
      "tpu.region"() ({
        %run_scoped3A = tpu.sem_alloc : memref<!tpu.dma_semaphore, #tpu.memory_space<semaphore_mem>>
        %dma_start3A_65 = arith.constant 0 : i32
        %dma_start3A_66 = tpu.memref_slice %arg4[%arg0, %mul3A_58, %dma_start3A_65] : memref<2x160000x128xf32, #tpu.memory_space<hbm>> -> memref<1x128x128xf32, #tpu.memory_space<hbm>>
        %dma_start3A_67 = tpu.memref_squeeze %dma_start3A_66 : memref<1x128x128xf32, #tpu.memory_space<hbm>> -> memref<128x128xf32, #tpu.memory_space<hbm>>
        %dma_start3A_68 = arith.constant 0 : i32
        %dma_start3A_69 = tpu.memref_slice %arg4[%arg0, %mul3A_58, %dma_start3A_68] : memref<2x160000x128xf32, #tpu.memory_space<hbm>> -> memref<1x128x128xf32, #tpu.memory_space<hbm>>
        %dma_start3A_70 = tpu.memref_squeeze %dma_start3A_69 : memref<1x128x128xf32, #tpu.memory_space<hbm>> -> memref<128x128xf32, #tpu.memory_space<hbm>>
        tpu.enqueue_dma source(%arg7 : memref<128x128xf32, #tpu.memory_space<vmem>>) target(%dma_start3A_70 : memref<128x128xf32, #tpu.memory_space<hbm>>) target_semaphore(%run_scoped3A : memref<!tpu.dma_semaphore, #tpu.memory_space<semaphore_mem>>)
        %dma_wait3A_71 = arith.constant 0 : i32
        %dma_wait3A_72 = tpu.memref_slice %arg4[%arg0, %mul3A_58, %dma_wait3A_71] : memref<2x160000x128xf32, #tpu.memory_space<hbm>> -> memref<1x128x128xf32, #tpu.memory_space<hbm>>
        %dma_wait3A_73 = tpu.memref_squeeze %dma_wait3A_72 : memref<1x128x128xf32, #tpu.memory_space<hbm>> -> memref<128x128xf32, #tpu.memory_space<hbm>>
        %dma_wait3A_74 = arith.constant 0 : i32
        %dma_wait3A_75 = tpu.memref_slice %arg4[%arg0, %mul3A_58, %dma_wait3A_74] : memref<2x160000x128xf32, #tpu.memory_space<hbm>> -> memref<1x128x128xf32, #tpu.memory_space<hbm>>
        %dma_wait3A_76 = tpu.memref_squeeze %dma_wait3A_75 : memref<1x128x128xf32, #tpu.memory_space<hbm>> -> memref<128x128xf32, #tpu.memory_space<hbm>>
        tpu.wait_dma2 semaphore(%run_scoped3A : memref<!tpu.dma_semaphore, #tpu.memory_space<semaphore_mem>>) src(%arg7 : memref<128x128xf32, #tpu.memory_space<vmem>>) dst(%dma_wait3A_76 : memref<128x128xf32, #tpu.memory_space<hbm>>)
        tpu.yield
      }) : () -> ()
      %add3A_59 = arith.constant 3 : i32
      %add3A_60 = arith.addi %add3A_33, %add3A_59 : i32
      %lt3A_61 = arith.cmpi slt, %add3A_60, %select_n3A : i32
      %convert_element_type3A_62 = arith.extui %lt3A_61 : i1 to i32
      %cond3A_63 = arith.constant 0 : i32
      %cond3A_64 = arith.cmpi ne, %convert_element_type3A_62, %cond3A_63 : i32
      scf.if %cond3A_64 {
        %add3A_65 = arith.constant 3 : i32
        %add3A_66 = arith.addi %add3A_33, %add3A_65 : i32
        %dma_start3A_67 = arith.constant 0 : i32
        %dma_start3A_68 = tpu.memref_slice %arg5[%add3A_66, %dma_start3A_67] : memref<80x128xi32, #tpu.memory_space<vmem>> -> memref<1x128xi32, #tpu.memory_space<vmem>>
        %dma_start3A_69 = tpu.memref_squeeze %dma_start3A_68 : memref<1x128xi32, #tpu.memory_space<vmem>> -> memref<128xi32, #tpu.memory_space<vmem>>
        %dma_start3A_70 = arith.constant 0 : i32
        %dma_start3A_71 = arith.constant 0 : i32
        %dma_start3A_72 = tpu.memref_slice %arg2[%dma_start3A_70, %dma_start3A_71] : memref<10000x128xf32, #tpu.memory_space<hbm>> -> memref<10000x128xf32, #tpu.memory_space<hbm>>
        tpu.enqueue_indirect_dma source(%dma_start3A_72 : memref<10000x128xf32, #tpu.memory_space<hbm>>) target(%arg7 : memref<128x128xf32, #tpu.memory_space<vmem>>) offsets(%dma_start3A_69 : memref<128xi32, #tpu.memory_space<vmem>>) semaphore(%arg9 : memref<!tpu.dma_semaphore, #tpu.memory_space<semaphore_mem>>)
      } else {
      }
    }
    %while3A_30 = arith.constant 1 : i32
    scf.for %while3A_31 = %while3A_28 to %while3A_24 step %while3A_30  : i32 {
      %mul3A_32 = arith.muli %while3A_31, %while3A : i32
      %add3A_33 = arith.addi %while3A_21, %mul3A_32 : i32
      %dma_wait3A = arith.constant 0 : i32
      %dma_wait3A_34 = tpu.memref_slice %arg5[%add3A_33, %dma_wait3A] : memref<80x128xi32, #tpu.memory_space<vmem>> -> memref<1x128xi32, #tpu.memory_space<vmem>>
      %dma_wait3A_35 = tpu.memref_squeeze %dma_wait3A_34 : memref<1x128xi32, #tpu.memory_space<vmem>> -> memref<128xi32, #tpu.memory_space<vmem>>
      %dma_wait3A_36 = arith.constant 0 : i32
      %dma_wait3A_37 = arith.constant 0 : i32
      %dma_wait3A_38 = tpu.memref_slice %arg2[%dma_wait3A_36, %dma_wait3A_37] : memref<10000x128xf32, #tpu.memory_space<hbm>> -> memref<10000x128xf32, #tpu.memory_space<hbm>>
      tpu.wait_indirect_dma semaphore(%arg8 : memref<!tpu.dma_semaphore, #tpu.memory_space<semaphore_mem>>) src(%dma_wait3A_38 : memref<10000x128xf32, #tpu.memory_space<hbm>>) dst(%arg6 : memref<128x128xf32, #tpu.memory_space<vmem>>)
      %add3A_39 = arith.addi %mul3A_0, %add3A_33 : i32
      %mul3A_40 = arith.constant 128 : i32
      %mul3A_41 = arith.muli %add3A_39, %mul3A_40 : i32
      "tpu.region"() ({
        %run_scoped3A = tpu.sem_alloc : memref<!tpu.dma_semaphore, #tpu.memory_space<semaphore_mem>>
        %dma_start3A_65 = arith.constant 0 : i32
        %dma_start3A_66 = tpu.memref_slice %arg4[%arg0, %mul3A_41, %dma_start3A_65] : memref<2x160000x128xf32, #tpu.memory_space<hbm>> -> memref<1x128x128xf32, #tpu.memory_space<hbm>>
        %dma_start3A_67 = tpu.memref_squeeze %dma_start3A_66 : memref<1x128x128xf32, #tpu.memory_space<hbm>> -> memref<128x128xf32, #tpu.memory_space<hbm>>
        %dma_start3A_68 = arith.constant 0 : i32
        %dma_start3A_69 = tpu.memref_slice %arg4[%arg0, %mul3A_41, %dma_start3A_68] : memref<2x160000x128xf32, #tpu.memory_space<hbm>> -> memref<1x128x128xf32, #tpu.memory_space<hbm>>
        %dma_start3A_70 = tpu.memref_squeeze %dma_start3A_69 : memref<1x128x128xf32, #tpu.memory_space<hbm>> -> memref<128x128xf32, #tpu.memory_space<hbm>>
        tpu.enqueue_dma source(%arg6 : memref<128x128xf32, #tpu.memory_space<vmem>>) target(%dma_start3A_70 : memref<128x128xf32, #tpu.memory_space<hbm>>) target_semaphore(%run_scoped3A : memref<!tpu.dma_semaphore, #tpu.memory_space<semaphore_mem>>)
        %dma_wait3A_71 = arith.constant 0 : i32
        %dma_wait3A_72 = tpu.memref_slice %arg4[%arg0, %mul3A_41, %dma_wait3A_71] : memref<2x160000x128xf32, #tpu.memory_space<hbm>> -> memref<1x128x128xf32, #tpu.memory_space<hbm>>
        %dma_wait3A_73 = tpu.memref_squeeze %dma_wait3A_72 : memref<1x128x128xf32, #tpu.memory_space<hbm>> -> memref<128x128xf32, #tpu.memory_space<hbm>>
        %dma_wait3A_74 = arith.constant 0 : i32
        %dma_wait3A_75 = tpu.memref_slice %arg4[%arg0, %mul3A_41, %dma_wait3A_74] : memref<2x160000x128xf32, #tpu.memory_space<hbm>> -> memref<1x128x128xf32, #tpu.memory_space<hbm>>
        %dma_wait3A_76 = tpu.memref_squeeze %dma_wait3A_75 : memref<1x128x128xf32, #tpu.memory_space<hbm>> -> memref<128x128xf32, #tpu.memory_space<hbm>>
        tpu.wait_dma2 semaphore(%run_scoped3A : memref<!tpu.dma_semaphore, #tpu.memory_space<semaphore_mem>>) src(%arg6 : memref<128x128xf32, #tpu.memory_space<vmem>>) dst(%dma_wait3A_76 : memref<128x128xf32, #tpu.memory_space<hbm>>)
        tpu.yield
      }) : () -> ()
      %add3A_42 = arith.constant 2 : i32
      %add3A_43 = arith.addi %add3A_33, %add3A_42 : i32
      %lt3A_44 = arith.cmpi slt, %add3A_43, %select_n3A : i32
      %convert_element_type3A = arith.extui %lt3A_44 : i1 to i32
      %cond3A = arith.constant 0 : i32
      %cond3A_45 = arith.cmpi ne, %convert_element_type3A, %cond3A : i32
      scf.if %cond3A_45 {
        %add3A_65 = arith.constant 2 : i32
        %add3A_66 = arith.addi %add3A_33, %add3A_65 : i32
        %dma_start3A_67 = arith.constant 0 : i32
        %dma_start3A_68 = tpu.memref_slice %arg5[%add3A_66, %dma_start3A_67] : memref<80x128xi32, #tpu.memory_space<vmem>> -> memref<1x128xi32, #tpu.memory_space<vmem>>
        %dma_start3A_69 = tpu.memref_squeeze %dma_start3A_68 : memref<1x128xi32, #tpu.memory_space<vmem>> -> memref<128xi32, #tpu.memory_space<vmem>>
        %dma_start3A_70 = arith.constant 0 : i32
        %dma_start3A_71 = arith.constant 0 : i32
        %dma_start3A_72 = tpu.memref_slice %arg2[%dma_start3A_70, %dma_start3A_71] : memref<10000x128xf32, #tpu.memory_space<hbm>> -> memref<10000x128xf32, #tpu.memory_space<hbm>>
        tpu.enqueue_indirect_dma source(%dma_start3A_72 : memref<10000x128xf32, #tpu.memory_space<hbm>>) target(%arg6 : memref<128x128xf32, #tpu.memory_space<vmem>>) offsets(%dma_start3A_69 : memref<128xi32, #tpu.memory_space<vmem>>) semaphore(%arg8 : memref<!tpu.dma_semaphore, #tpu.memory_space<semaphore_mem>>)
      } else {
      }
      %add3A_46 = arith.constant 1 : i32
      %add3A_47 = arith.addi %add3A_33, %add3A_46 : i32
      %dma_wait3A_48 = arith.constant 0 : i32
      %dma_wait3A_49 = tpu.memref_slice %arg5[%add3A_47, %dma_wait3A_48] : memref<80x128xi32, #tpu.memory_space<vmem>> -> memref<1x128xi32, #tpu.memory_space<vmem>>
      %dma_wait3A_50 = tpu.memref_squeeze %dma_wait3A_49 : memref<1x128xi32, #tpu.memory_space<vmem>> -> memref<128xi32, #tpu.memory_space<vmem>>
      %dma_wait3A_51 = arith.constant 0 : i32
      %dma_wait3A_52 = arith.constant 0 : i32
      %dma_wait3A_53 = tpu.memref_slice %arg2[%dma_wait3A_51, %dma_wait3A_52] : memref<10000x128xf32, #tpu.memory_space<hbm>> -> memref<10000x128xf32, #tpu.memory_space<hbm>>
      tpu.wait_indirect_dma semaphore(%arg9 : memref<!tpu.dma_semaphore, #tpu.memory_space<semaphore_mem>>) src(%dma_wait3A_53 : memref<10000x128xf32, #tpu.memory_space<hbm>>) dst(%arg7 : memref<128x128xf32, #tpu.memory_space<vmem>>)
      %add3A_54 = arith.constant 1 : i32
      %add3A_55 = arith.addi %add3A_33, %add3A_54 : i32
      %add3A_56 = arith.addi %mul3A_0, %add3A_55 : i32
      %mul3A_57 = arith.constant 128 : i32
      %mul3A_58 = arith.muli %add3A_56, %mul3A_57 : i32
      "tpu.region"() ({
        %run_scoped3A = tpu.sem_alloc : memref<!tpu.dma_semaphore, #tpu.memory_space<semaphore_mem>>
        %dma_start3A_65 = arith.constant 0 : i32
        %dma_start3A_66 = tpu.memref_slice %arg4[%arg0, %mul3A_58, %dma_start3A_65] : memref<2x160000x128xf32, #tpu.memory_space<hbm>> -> memref<1x128x128xf32, #tpu.memory_space<hbm>>
        %dma_start3A_67 = tpu.memref_squeeze %dma_start3A_66 : memref<1x128x128xf32, #tpu.memory_space<hbm>> -> memref<128x128xf32, #tpu.memory_space<hbm>>
        %dma_start3A_68 = arith.constant 0 : i32
        %dma_start3A_69 = tpu.memref_slice %arg4[%arg0, %mul3A_58, %dma_start3A_68] : memref<2x160000x128xf32, #tpu.memory_space<hbm>> -> memref<1x128x128xf32, #tpu.memory_space<hbm>>
        %dma_start3A_70 = tpu.memref_squeeze %dma_start3A_69 : memref<1x128x128xf32, #tpu.memory_space<hbm>> -> memref<128x128xf32, #tpu.memory_space<hbm>>
        tpu.enqueue_dma source(%arg7 : memref<128x128xf32, #tpu.memory_space<vmem>>) target(%dma_start3A_70 : memref<128x128xf32, #tpu.memory_space<hbm>>) target_semaphore(%run_scoped3A : memref<!tpu.dma_semaphore, #tpu.memory_space<semaphore_mem>>)
        %dma_wait3A_71 = arith.constant 0 : i32
        %dma_wait3A_72 = tpu.memref_slice %arg4[%arg0, %mul3A_58, %dma_wait3A_71] : memref<2x160000x128xf32, #tpu.memory_space<hbm>> -> memref<1x128x128xf32, #tpu.memory_space<hbm>>
        %dma_wait3A_73 = tpu.memref_squeeze %dma_wait3A_72 : memref<1x128x128xf32, #tpu.memory_space<hbm>> -> memref<128x128xf32, #tpu.memory_space<hbm>>
        %dma_wait3A_74 = arith.constant 0 : i32
        %dma_wait3A_75 = tpu.memref_slice %arg4[%arg0, %mul3A_58, %dma_wait3A_74] : memref<2x160000x128xf32, #tpu.memory_space<hbm>> -> memref<1x128x128xf32, #tpu.memory_space<hbm>>
        %dma_wait3A_76 = tpu.memref_squeeze %dma_wait3A_75 : memref<1x128x128xf32, #tpu.memory_space<hbm>> -> memref<128x128xf32, #tpu.memory_space<hbm>>
        tpu.wait_dma2 semaphore(%run_scoped3A : memref<!tpu.dma_semaphore, #tpu.memory_space<semaphore_mem>>) src(%arg7 : memref<128x128xf32, #tpu.memory_space<vmem>>) dst(%dma_wait3A_76 : memref<128x128xf32, #tpu.memory_space<hbm>>)
        tpu.yield
      }) : () -> ()
      %add3A_59 = arith.constant 3 : i32
      %add3A_60 = arith.addi %add3A_33, %add3A_59 : i32
      %lt3A_61 = arith.cmpi slt, %add3A_60, %select_n3A : i32
      %convert_element_type3A_62 = arith.extui %lt3A_61 : i1 to i32
      %cond3A_63 = arith.constant 0 : i32
      %cond3A_64 = arith.cmpi ne, %convert_element_type3A_62, %cond3A_63 : i32
      scf.if %cond3A_64 {
        %add3A_65 = arith.constant 3 : i32
        %add3A_66 = arith.addi %add3A_33, %add3A_65 : i32
        %dma_start3A_67 = arith.constant 0 : i32
        %dma_start3A_68 = tpu.memref_slice %arg5[%add3A_66, %dma_start3A_67] : memref<80x128xi32, #tpu.memory_space<vmem>> -> memref<1x128xi32, #tpu.memory_space<vmem>>
        %dma_start3A_69 = tpu.memref_squeeze %dma_start3A_68 : memref<1x128xi32, #tpu.memory_space<vmem>> -> memref<128xi32, #tpu.memory_space<vmem>>
        %dma_start3A_70 = arith.constant 0 : i32
        %dma_start3A_71 = arith.constant 0 : i32
        %dma_start3A_72 = tpu.memref_slice %arg2[%dma_start3A_70, %dma_start3A_71] : memref<10000x128xf32, #tpu.memory_space<hbm>> -> memref<10000x128xf32, #tpu.memory_space<hbm>>
        tpu.enqueue_indirect_dma source(%dma_start3A_72 : memref<10000x128xf32, #tpu.memory_space<hbm>>) target(%arg7 : memref<128x128xf32, #tpu.memory_space<vmem>>) offsets(%dma_start3A_69 : memref<128xi32, #tpu.memory_space<vmem>>) semaphore(%arg9 : memref<!tpu.dma_semaphore, #tpu.memory_space<semaphore_mem>>)
      } else {
      }
    }
    return
  }
}

#map = affine_map<(d0, d1) -> (0, 0, 0)>
#map1 = affine_map<(d0, d1) -> (0, 0)>
module attributes {stable_mosaic.version = 14 : i64} {
  func.func @k(%arg0: i32, %arg1: i32, %arg2: memref<2x160000x128xf32, #tpu.memory_space<hbm>>, %arg3: memref<1280x128xi32, #tpu.memory_space<hbm>>, %arg4: memref<640x128xf32, #tpu.memory_space<hbm>>, %arg5: memref<2x160000x128xf32, #tpu.memory_space<hbm>>, %arg6: memref<10000x128xf32, #tpu.memory_space<vmem_shared>>, %arg7: memref<80x128xi32, #tpu.memory_space<vmem>>, %arg8: memref<128x128xf32, #tpu.memory_space<vmem>>, %arg9: memref<128x128xf32, #tpu.memory_space<vmem>>, %arg10: memref<!tpu.dma_semaphore, #tpu.memory_space<semaphore_mem>>, %arg11: memref<!tpu.dma_semaphore, #tpu.memory_space<semaphore_mem>>) attributes {dimension_semantics = [#tpu.dimension_semantics<core_parallel>, #tpu.dimension_semantics<subcore_parallel>], iteration_bounds = array<i64: 2, 16>, scalar_prefetch = 0 : i64, scratch_operands = 6 : i64, tpu.core_type = #tpu.core_type<sc_vector_subcore>, window_params = [{transform_indices = #map}, {transform_indices = #map1}, {transform_indices = #map1}, {transform_indices = #map}]} {
    %mul3A = arith.constant 80 : i32
    %mul3A_0 = arith.muli %arg1, %mul3A : i32
    %lt3A = arith.constant 15 : i32
    %lt3A_1 = arith.cmpi slt, %arg1, %lt3A : i32
    %jit3A = arith.constant 80 : i32
    %jit3A_2 = arith.constant 50 : i32
    %select_n3A = arith.select %lt3A_1, %jit3A, %jit3A_2 : i32
    "tpu.region"() ({
      %run_scoped3A = tpu.sem_alloc : memref<!tpu.dma_semaphore, #tpu.memory_space<semaphore_mem>>
      %dma_start3A_78 = arith.constant 0 : i32
      %dma_start3A_79 = tpu.memref_slice %arg3[%mul3A_0, %dma_start3A_78] : memref<1280x128xi32, #tpu.memory_space<hbm>> -> memref<80x128xi32, #tpu.memory_space<hbm>>
      %dma_start3A_80 = arith.constant 0 : i32
      %dma_start3A_81 = tpu.memref_slice %arg3[%mul3A_0, %dma_start3A_80] : memref<1280x128xi32, #tpu.memory_space<hbm>> -> memref<80x128xi32, #tpu.memory_space<hbm>>
      tpu.enqueue_dma source(%dma_start3A_81 : memref<80x128xi32, #tpu.memory_space<hbm>>) target(%arg7 : memref<80x128xi32, #tpu.memory_space<vmem>>) target_semaphore(%run_scoped3A : memref<!tpu.dma_semaphore, #tpu.memory_space<semaphore_mem>>)
      %dma_wait3A = arith.constant 0 : i32
      %dma_wait3A_82 = tpu.memref_slice %arg3[%mul3A_0, %dma_wait3A] : memref<1280x128xi32, #tpu.memory_space<hbm>> -> memref<80x128xi32, #tpu.memory_space<hbm>>
      %dma_wait3A_83 = arith.constant 0 : i32
      %dma_wait3A_84 = tpu.memref_slice %arg3[%mul3A_0, %dma_wait3A_83] : memref<1280x128xi32, #tpu.memory_space<hbm>> -> memref<80x128xi32, #tpu.memory_space<hbm>>
      tpu.wait_dma2 semaphore(%run_scoped3A : memref<!tpu.dma_semaphore, #tpu.memory_space<semaphore_mem>>) src(%dma_wait3A_84 : memref<80x128xi32, #tpu.memory_space<hbm>>) dst(%arg7 : memref<80x128xi32, #tpu.memory_space<vmem>>)
      tpu.yield
    }) : () -> ()
    %lt3A_3 = arith.constant 15 : i32
    %lt3A_4 = arith.cmpi slt, %arg1, %lt3A_3 : i32
    %convert_element_type3A = arith.extui %lt3A_4 : i1 to i32
    %cond3A = arith.constant 0 : i32
    %cond3A_5 = arith.cmpi ne, %convert_element_type3A, %cond3A : i32
    scf.if %cond3A_5 {
      %mul3A_78 = arith.constant 624 : i32
      %mul3A_79 = arith.muli %arg1, %mul3A_78 : i32
      "tpu.region"() ({
        %run_scoped3A = tpu.sem_alloc : memref<!tpu.dma_semaphore, #tpu.memory_space<semaphore_mem>>
        %dma_start3A_80 = arith.constant 0 : i32
        %dma_start3A_81 = tpu.memref_slice %arg6[%mul3A_79, %dma_start3A_80] : memref<10000x128xf32, #tpu.memory_space<vmem_shared>> -> memref<624x128xf32, #tpu.memory_space<vmem_shared>>
        %dma_start3A_82 = arith.constant 0 : i32
        %dma_start3A_83 = arith.constant 0 : i32
        %dma_start3A_84 = tpu.memref_slice %arg4[%dma_start3A_82, %dma_start3A_83] : memref<640x128xf32, #tpu.memory_space<hbm>> -> memref<624x128xf32, #tpu.memory_space<hbm>>
        tpu.enqueue_dma source(%dma_start3A_84 : memref<624x128xf32, #tpu.memory_space<hbm>>) target(%dma_start3A_81 : memref<624x128xf32, #tpu.memory_space<vmem_shared>>) target_semaphore(%run_scoped3A : memref<!tpu.dma_semaphore, #tpu.memory_space<semaphore_mem>>)
        %dma_wait3A = arith.constant 0 : i32
        %dma_wait3A_85 = tpu.memref_slice %arg6[%mul3A_79, %dma_wait3A] : memref<10000x128xf32, #tpu.memory_space<vmem_shared>> -> memref<624x128xf32, #tpu.memory_space<vmem_shared>>
        %dma_wait3A_86 = arith.constant 0 : i32
        %dma_wait3A_87 = arith.constant 0 : i32
        %dma_wait3A_88 = tpu.memref_slice %arg4[%dma_wait3A_86, %dma_wait3A_87] : memref<640x128xf32, #tpu.memory_space<hbm>> -> memref<624x128xf32, #tpu.memory_space<hbm>>
        tpu.wait_dma2 semaphore(%run_scoped3A : memref<!tpu.dma_semaphore, #tpu.memory_space<semaphore_mem>>) src(%dma_wait3A_88 : memref<624x128xf32, #tpu.memory_space<hbm>>) dst(%dma_wait3A_85 : memref<624x128xf32, #tpu.memory_space<vmem_shared>>)
        tpu.yield
      }) : () -> ()
    } else {
    }
    %ge3A = arith.constant 15 : i32
    %ge3A_6 = arith.cmpi sge, %arg1, %ge3A : i32
    %convert_element_type3A_7 = arith.extui %ge3A_6 : i1 to i32
    %cond3A_8 = arith.constant 0 : i32
    %cond3A_9 = arith.cmpi ne, %convert_element_type3A_7, %cond3A_8 : i32
    scf.if %cond3A_9 {
      "tpu.region"() ({
        %run_scoped3A = tpu.sem_alloc : memref<!tpu.dma_semaphore, #tpu.memory_space<semaphore_mem>>
        %dma_start3A_78 = arith.constant 9360 : i32
        %dma_start3A_79 = arith.constant 0 : i32
        %dma_start3A_80 = tpu.memref_slice %arg6[%dma_start3A_78, %dma_start3A_79] : memref<10000x128xf32, #tpu.memory_space<vmem_shared>> -> memref<640x128xf32, #tpu.memory_space<vmem_shared>>
        tpu.enqueue_dma source(%arg4 : memref<640x128xf32, #tpu.memory_space<hbm>>) target(%dma_start3A_80 : memref<640x128xf32, #tpu.memory_space<vmem_shared>>) target_semaphore(%run_scoped3A : memref<!tpu.dma_semaphore, #tpu.memory_space<semaphore_mem>>)
        %dma_wait3A = arith.constant 9360 : i32
        %dma_wait3A_81 = arith.constant 0 : i32
        %dma_wait3A_82 = tpu.memref_slice %arg6[%dma_wait3A, %dma_wait3A_81] : memref<10000x128xf32, #tpu.memory_space<vmem_shared>> -> memref<640x128xf32, #tpu.memory_space<vmem_shared>>
        tpu.wait_dma2 semaphore(%run_scoped3A : memref<!tpu.dma_semaphore, #tpu.memory_space<semaphore_mem>>) src(%arg4 : memref<640x128xf32, #tpu.memory_space<hbm>>) dst(%dma_wait3A_82 : memref<640x128xf32, #tpu.memory_space<vmem_shared>>)
        tpu.yield
      }) : () -> ()
    } else {
    }
    %barrier3A = arith.constant 0 : index
    tpu.barrier barrier_id(%barrier3A)
    %add3A = arith.constant 0 : i32
    %add3A_10 = arith.addi %mul3A_0, %add3A : i32
    %mul3A_11 = arith.constant 128 : i32
    %mul3A_12 = arith.muli %add3A_10, %mul3A_11 : i32
    %dma_start3A = arith.constant 0 : i32
    %dma_start3A_13 = tpu.memref_slice %arg2[%arg0, %mul3A_12, %dma_start3A] : memref<2x160000x128xf32, #tpu.memory_space<hbm>> -> memref<1x128x128xf32, #tpu.memory_space<hbm>>
    %dma_start3A_14 = tpu.memref_squeeze %dma_start3A_13 : memref<1x128x128xf32, #tpu.memory_space<hbm>> -> memref<128x128xf32, #tpu.memory_space<hbm>>
    %dma_start3A_15 = arith.constant 0 : i32
    %dma_start3A_16 = tpu.memref_slice %arg2[%arg0, %mul3A_12, %dma_start3A_15] : memref<2x160000x128xf32, #tpu.memory_space<hbm>> -> memref<1x128x128xf32, #tpu.memory_space<hbm>>
    %dma_start3A_17 = tpu.memref_squeeze %dma_start3A_16 : memref<1x128x128xf32, #tpu.memory_space<hbm>> -> memref<128x128xf32, #tpu.memory_space<hbm>>
    tpu.enqueue_dma source(%dma_start3A_17 : memref<128x128xf32, #tpu.memory_space<hbm>>) target(%arg8 : memref<128x128xf32, #tpu.memory_space<vmem>>) target_semaphore(%arg10 : memref<!tpu.dma_semaphore, #tpu.memory_space<semaphore_mem>>)
    %add3A_18 = arith.constant 1 : i32
    %add3A_19 = arith.addi %mul3A_0, %add3A_18 : i32
    %mul3A_20 = arith.constant 128 : i32
    %mul3A_21 = arith.muli %add3A_19, %mul3A_20 : i32
    %dma_start3A_22 = arith.constant 0 : i32
    %dma_start3A_23 = tpu.memref_slice %arg2[%arg0, %mul3A_21, %dma_start3A_22] : memref<2x160000x128xf32, #tpu.memory_space<hbm>> -> memref<1x128x128xf32, #tpu.memory_space<hbm>>
    %dma_start3A_24 = tpu.memref_squeeze %dma_start3A_23 : memref<1x128x128xf32, #tpu.memory_space<hbm>> -> memref<128x128xf32, #tpu.memory_space<hbm>>
    %dma_start3A_25 = arith.constant 0 : i32
    %dma_start3A_26 = tpu.memref_slice %arg2[%arg0, %mul3A_21, %dma_start3A_25] : memref<2x160000x128xf32, #tpu.memory_space<hbm>> -> memref<1x128x128xf32, #tpu.memory_space<hbm>>
    %dma_start3A_27 = tpu.memref_squeeze %dma_start3A_26 : memref<1x128x128xf32, #tpu.memory_space<hbm>> -> memref<128x128xf32, #tpu.memory_space<hbm>>
    tpu.enqueue_dma source(%dma_start3A_27 : memref<128x128xf32, #tpu.memory_space<hbm>>) target(%arg9 : memref<128x128xf32, #tpu.memory_space<vmem>>) target_semaphore(%arg11 : memref<!tpu.dma_semaphore, #tpu.memory_space<semaphore_mem>>)
    %sub3A = arith.constant 0 : i32
    %sub3A_28 = arith.subi %select_n3A, %sub3A : i32
    %sub3A_29 = arith.constant 2 : i32
    %sub3A_30 = arith.constant 1 : i32
    %sub3A_31 = arith.subi %sub3A_29, %sub3A_30 : i32
    %add3A_32 = arith.addi %sub3A_28, %sub3A_31 : i32
    %div3A = arith.constant 2 : i32
    %div3A_33 = arith.divsi %add3A_32, %div3A : i32
    %while3A = arith.constant 2 : i32
    %while3A_34 = arith.constant 0 : i32
    %while3A_35 = arith.constant 0 : i32
    %while3A_36 = arith.subi %div3A_33, %while3A_35 : i32
    %while3A_37 = arith.addi %while3A_35, %while3A_36 : i32
    %while3A_38 = arith.constant 1 : i32
    %while3A_39 = arith.divsi %while3A_36, %while3A_38 : i32
    %while3A_40 = arith.muli %while3A_39, %while3A_38 : i32
    %while3A_41 = arith.addi %while3A_35, %while3A_40 : i32
    %while3A_42 = arith.constant 1 : i32
    scf.for %while3A_78 = %while3A_35 to %while3A_41 step %while3A_42  : i32 {
      %mul3A_79 = arith.muli %while3A_78, %while3A : i32
      %add3A_80 = arith.addi %while3A_34, %mul3A_79 : i32
      %add3A_81 = arith.addi %mul3A_0, %add3A_80 : i32
      %mul3A_82 = arith.constant 128 : i32
      %mul3A_83 = arith.muli %add3A_81, %mul3A_82 : i32
      %dma_wait3A = arith.constant 0 : i32
      %dma_wait3A_84 = tpu.memref_slice %arg2[%arg0, %mul3A_83, %dma_wait3A] : memref<2x160000x128xf32, #tpu.memory_space<hbm>> -> memref<1x128x128xf32, #tpu.memory_space<hbm>>
      %dma_wait3A_85 = tpu.memref_squeeze %dma_wait3A_84 : memref<1x128x128xf32, #tpu.memory_space<hbm>> -> memref<128x128xf32, #tpu.memory_space<hbm>>
      %dma_wait3A_86 = arith.constant 0 : i32
      %dma_wait3A_87 = tpu.memref_slice %arg2[%arg0, %mul3A_83, %dma_wait3A_86] : memref<2x160000x128xf32, #tpu.memory_space<hbm>> -> memref<1x128x128xf32, #tpu.memory_space<hbm>>
      %dma_wait3A_88 = tpu.memref_squeeze %dma_wait3A_87 : memref<1x128x128xf32, #tpu.memory_space<hbm>> -> memref<128x128xf32, #tpu.memory_space<hbm>>
      tpu.wait_dma2 semaphore(%arg10 : memref<!tpu.dma_semaphore, #tpu.memory_space<semaphore_mem>>) src(%dma_wait3A_88 : memref<128x128xf32, #tpu.memory_space<hbm>>) dst(%arg8 : memref<128x128xf32, #tpu.memory_space<vmem>>)
      "tpu.region"() ({
        %run_scoped3A = tpu.sem_alloc : memref<!tpu.dma_semaphore, #tpu.memory_space<semaphore_mem>>
        %dma_start3A_114 = arith.constant 0 : i32
        %dma_start3A_115 = tpu.memref_slice %arg7[%add3A_80, %dma_start3A_114] : memref<80x128xi32, #tpu.memory_space<vmem>> -> memref<1x128xi32, #tpu.memory_space<vmem>>
        %dma_start3A_116 = tpu.memref_squeeze %dma_start3A_115 : memref<1x128xi32, #tpu.memory_space<vmem>> -> memref<128xi32, #tpu.memory_space<vmem>>
        %dma_start3A_117 = arith.constant 0 : i32
        %dma_start3A_118 = arith.constant 0 : i32
        %dma_start3A_119 = tpu.memref_slice %arg6[%dma_start3A_117, %dma_start3A_118] : memref<10000x128xf32, #tpu.memory_space<vmem_shared>> -> memref<10000x128xf32, #tpu.memory_space<vmem_shared>>
        tpu.enqueue_indirect_dma source(%arg8 : memref<128x128xf32, #tpu.memory_space<vmem>>) target(%dma_start3A_119 : memref<10000x128xf32, #tpu.memory_space<vmem_shared>>) offsets(%dma_start3A_116 : memref<128xi32, #tpu.memory_space<vmem>>) semaphore(%run_scoped3A : memref<!tpu.dma_semaphore, #tpu.memory_space<semaphore_mem>>) {add = true}
        %dma_wait3A_120 = arith.constant 0 : i32
        %dma_wait3A_121 = tpu.memref_slice %arg7[%add3A_80, %dma_wait3A_120] : memref<80x128xi32, #tpu.memory_space<vmem>> -> memref<1x128xi32, #tpu.memory_space<vmem>>
        %dma_wait3A_122 = tpu.memref_squeeze %dma_wait3A_121 : memref<1x128xi32, #tpu.memory_space<vmem>> -> memref<128xi32, #tpu.memory_space<vmem>>
        %dma_wait3A_123 = arith.constant 0 : i32
        %dma_wait3A_124 = arith.constant 0 : i32
        %dma_wait3A_125 = tpu.memref_slice %arg6[%dma_wait3A_123, %dma_wait3A_124] : memref<10000x128xf32, #tpu.memory_space<vmem_shared>> -> memref<10000x128xf32, #tpu.memory_space<vmem_shared>>
        tpu.wait_indirect_dma semaphore(%run_scoped3A : memref<!tpu.dma_semaphore, #tpu.memory_space<semaphore_mem>>) src(%arg8 : memref<128x128xf32, #tpu.memory_space<vmem>>) dst(%dma_wait3A_125 : memref<10000x128xf32, #tpu.memory_space<vmem_shared>>)
        tpu.yield
      }) : () -> ()
      %add3A_89 = arith.constant 2 : i32
      %add3A_90 = arith.addi %add3A_80, %add3A_89 : i32
      %lt3A_91 = arith.cmpi slt, %add3A_90, %select_n3A : i32
      %convert_element_type3A_92 = arith.extui %lt3A_91 : i1 to i32
      %cond3A_93 = arith.constant 0 : i32
      %cond3A_94 = arith.cmpi ne, %convert_element_type3A_92, %cond3A_93 : i32
      scf.if %cond3A_94 {
        %add3A_114 = arith.constant 2 : i32
        %add3A_115 = arith.addi %add3A_80, %add3A_114 : i32
        %add3A_116 = arith.addi %mul3A_0, %add3A_115 : i32
        %mul3A_117 = arith.constant 128 : i32
        %mul3A_118 = arith.muli %add3A_116, %mul3A_117 : i32
        %dma_start3A_119 = arith.constant 0 : i32
        %dma_start3A_120 = tpu.memref_slice %arg2[%arg0, %mul3A_118, %dma_start3A_119] : memref<2x160000x128xf32, #tpu.memory_space<hbm>> -> memref<1x128x128xf32, #tpu.memory_space<hbm>>
        %dma_start3A_121 = tpu.memref_squeeze %dma_start3A_120 : memref<1x128x128xf32, #tpu.memory_space<hbm>> -> memref<128x128xf32, #tpu.memory_space<hbm>>
        %dma_start3A_122 = arith.constant 0 : i32
        %dma_start3A_123 = tpu.memref_slice %arg2[%arg0, %mul3A_118, %dma_start3A_122] : memref<2x160000x128xf32, #tpu.memory_space<hbm>> -> memref<1x128x128xf32, #tpu.memory_space<hbm>>
        %dma_start3A_124 = tpu.memref_squeeze %dma_start3A_123 : memref<1x128x128xf32, #tpu.memory_space<hbm>> -> memref<128x128xf32, #tpu.memory_space<hbm>>
        tpu.enqueue_dma source(%dma_start3A_124 : memref<128x128xf32, #tpu.memory_space<hbm>>) target(%arg8 : memref<128x128xf32, #tpu.memory_space<vmem>>) target_semaphore(%arg10 : memref<!tpu.dma_semaphore, #tpu.memory_space<semaphore_mem>>)
      } else {
      }
      %add3A_95 = arith.constant 1 : i32
      %add3A_96 = arith.addi %add3A_80, %add3A_95 : i32
      %add3A_97 = arith.addi %mul3A_0, %add3A_96 : i32
      %mul3A_98 = arith.constant 128 : i32
      %mul3A_99 = arith.muli %add3A_97, %mul3A_98 : i32
      %dma_wait3A_100 = arith.constant 0 : i32
      %dma_wait3A_101 = tpu.memref_slice %arg2[%arg0, %mul3A_99, %dma_wait3A_100] : memref<2x160000x128xf32, #tpu.memory_space<hbm>> -> memref<1x128x128xf32, #tpu.memory_space<hbm>>
      %dma_wait3A_102 = tpu.memref_squeeze %dma_wait3A_101 : memref<1x128x128xf32, #tpu.memory_space<hbm>> -> memref<128x128xf32, #tpu.memory_space<hbm>>
      %dma_wait3A_103 = arith.constant 0 : i32
      %dma_wait3A_104 = tpu.memref_slice %arg2[%arg0, %mul3A_99, %dma_wait3A_103] : memref<2x160000x128xf32, #tpu.memory_space<hbm>> -> memref<1x128x128xf32, #tpu.memory_space<hbm>>
      %dma_wait3A_105 = tpu.memref_squeeze %dma_wait3A_104 : memref<1x128x128xf32, #tpu.memory_space<hbm>> -> memref<128x128xf32, #tpu.memory_space<hbm>>
      tpu.wait_dma2 semaphore(%arg11 : memref<!tpu.dma_semaphore, #tpu.memory_space<semaphore_mem>>) src(%dma_wait3A_105 : memref<128x128xf32, #tpu.memory_space<hbm>>) dst(%arg9 : memref<128x128xf32, #tpu.memory_space<vmem>>)
      %add3A_106 = arith.constant 1 : i32
      %add3A_107 = arith.addi %add3A_80, %add3A_106 : i32
      "tpu.region"() ({
        %run_scoped3A = tpu.sem_alloc : memref<!tpu.dma_semaphore, #tpu.memory_space<semaphore_mem>>
        %dma_start3A_114 = arith.constant 0 : i32
        %dma_start3A_115 = tpu.memref_slice %arg7[%add3A_107, %dma_start3A_114] : memref<80x128xi32, #tpu.memory_space<vmem>> -> memref<1x128xi32, #tpu.memory_space<vmem>>
        %dma_start3A_116 = tpu.memref_squeeze %dma_start3A_115 : memref<1x128xi32, #tpu.memory_space<vmem>> -> memref<128xi32, #tpu.memory_space<vmem>>
        %dma_start3A_117 = arith.constant 0 : i32
        %dma_start3A_118 = arith.constant 0 : i32
        %dma_start3A_119 = tpu.memref_slice %arg6[%dma_start3A_117, %dma_start3A_118] : memref<10000x128xf32, #tpu.memory_space<vmem_shared>> -> memref<10000x128xf32, #tpu.memory_space<vmem_shared>>
        tpu.enqueue_indirect_dma source(%arg9 : memref<128x128xf32, #tpu.memory_space<vmem>>) target(%dma_start3A_119 : memref<10000x128xf32, #tpu.memory_space<vmem_shared>>) offsets(%dma_start3A_116 : memref<128xi32, #tpu.memory_space<vmem>>) semaphore(%run_scoped3A : memref<!tpu.dma_semaphore, #tpu.memory_space<semaphore_mem>>) {add = true}
        %dma_wait3A_120 = arith.constant 0 : i32
        %dma_wait3A_121 = tpu.memref_slice %arg7[%add3A_107, %dma_wait3A_120] : memref<80x128xi32, #tpu.memory_space<vmem>> -> memref<1x128xi32, #tpu.memory_space<vmem>>
        %dma_wait3A_122 = tpu.memref_squeeze %dma_wait3A_121 : memref<1x128xi32, #tpu.memory_space<vmem>> -> memref<128xi32, #tpu.memory_space<vmem>>
        %dma_wait3A_123 = arith.constant 0 : i32
        %dma_wait3A_124 = arith.constant 0 : i32
        %dma_wait3A_125 = tpu.memref_slice %arg6[%dma_wait3A_123, %dma_wait3A_124] : memref<10000x128xf32, #tpu.memory_space<vmem_shared>> -> memref<10000x128xf32, #tpu.memory_space<vmem_shared>>
        tpu.wait_indirect_dma semaphore(%run_scoped3A : memref<!tpu.dma_semaphore, #tpu.memory_space<semaphore_mem>>) src(%arg9 : memref<128x128xf32, #tpu.memory_space<vmem>>) dst(%dma_wait3A_125 : memref<10000x128xf32, #tpu.memory_space<vmem_shared>>)
        tpu.yield
      }) : () -> ()
      %add3A_108 = arith.constant 3 : i32
      %add3A_109 = arith.addi %add3A_80, %add3A_108 : i32
      %lt3A_110 = arith.cmpi slt, %add3A_109, %select_n3A : i32
      %convert_element_type3A_111 = arith.extui %lt3A_110 : i1 to i32
      %cond3A_112 = arith.constant 0 : i32
      %cond3A_113 = arith.cmpi ne, %convert_element_type3A_111, %cond3A_112 : i32
      scf.if %cond3A_113 {
        %add3A_114 = arith.constant 3 : i32
        %add3A_115 = arith.addi %add3A_80, %add3A_114 : i32
        %add3A_116 = arith.addi %mul3A_0, %add3A_115 : i32
        %mul3A_117 = arith.constant 128 : i32
        %mul3A_118 = arith.muli %add3A_116, %mul3A_117 : i32
        %dma_start3A_119 = arith.constant 0 : i32
        %dma_start3A_120 = tpu.memref_slice %arg2[%arg0, %mul3A_118, %dma_start3A_119] : memref<2x160000x128xf32, #tpu.memory_space<hbm>> -> memref<1x128x128xf32, #tpu.memory_space<hbm>>
        %dma_start3A_121 = tpu.memref_squeeze %dma_start3A_120 : memref<1x128x128xf32, #tpu.memory_space<hbm>> -> memref<128x128xf32, #tpu.memory_space<hbm>>
        %dma_start3A_122 = arith.constant 0 : i32
        %dma_start3A_123 = tpu.memref_slice %arg2[%arg0, %mul3A_118, %dma_start3A_122] : memref<2x160000x128xf32, #tpu.memory_space<hbm>> -> memref<1x128x128xf32, #tpu.memory_space<hbm>>
        %dma_start3A_124 = tpu.memref_squeeze %dma_start3A_123 : memref<1x128x128xf32, #tpu.memory_space<hbm>> -> memref<128x128xf32, #tpu.memory_space<hbm>>
        tpu.enqueue_dma source(%dma_start3A_124 : memref<128x128xf32, #tpu.memory_space<hbm>>) target(%arg9 : memref<128x128xf32, #tpu.memory_space<vmem>>) target_semaphore(%arg11 : memref<!tpu.dma_semaphore, #tpu.memory_space<semaphore_mem>>)
      } else {
      }
    }
    %while3A_43 = arith.constant 1 : i32
    scf.for %while3A_78 = %while3A_41 to %while3A_37 step %while3A_43  : i32 {
      %mul3A_79 = arith.muli %while3A_78, %while3A : i32
      %add3A_80 = arith.addi %while3A_34, %mul3A_79 : i32
      %add3A_81 = arith.addi %mul3A_0, %add3A_80 : i32
      %mul3A_82 = arith.constant 128 : i32
      %mul3A_83 = arith.muli %add3A_81, %mul3A_82 : i32
      %dma_wait3A = arith.constant 0 : i32
      %dma_wait3A_84 = tpu.memref_slice %arg2[%arg0, %mul3A_83, %dma_wait3A] : memref<2x160000x128xf32, #tpu.memory_space<hbm>> -> memref<1x128x128xf32, #tpu.memory_space<hbm>>
      %dma_wait3A_85 = tpu.memref_squeeze %dma_wait3A_84 : memref<1x128x128xf32, #tpu.memory_space<hbm>> -> memref<128x128xf32, #tpu.memory_space<hbm>>
      %dma_wait3A_86 = arith.constant 0 : i32
      %dma_wait3A_87 = tpu.memref_slice %arg2[%arg0, %mul3A_83, %dma_wait3A_86] : memref<2x160000x128xf32, #tpu.memory_space<hbm>> -> memref<1x128x128xf32, #tpu.memory_space<hbm>>
      %dma_wait3A_88 = tpu.memref_squeeze %dma_wait3A_87 : memref<1x128x128xf32, #tpu.memory_space<hbm>> -> memref<128x128xf32, #tpu.memory_space<hbm>>
      tpu.wait_dma2 semaphore(%arg10 : memref<!tpu.dma_semaphore, #tpu.memory_space<semaphore_mem>>) src(%dma_wait3A_88 : memref<128x128xf32, #tpu.memory_space<hbm>>) dst(%arg8 : memref<128x128xf32, #tpu.memory_space<vmem>>)
      "tpu.region"() ({
        %run_scoped3A = tpu.sem_alloc : memref<!tpu.dma_semaphore, #tpu.memory_space<semaphore_mem>>
        %dma_start3A_114 = arith.constant 0 : i32
        %dma_start3A_115 = tpu.memref_slice %arg7[%add3A_80, %dma_start3A_114] : memref<80x128xi32, #tpu.memory_space<vmem>> -> memref<1x128xi32, #tpu.memory_space<vmem>>
        %dma_start3A_116 = tpu.memref_squeeze %dma_start3A_115 : memref<1x128xi32, #tpu.memory_space<vmem>> -> memref<128xi32, #tpu.memory_space<vmem>>
        %dma_start3A_117 = arith.constant 0 : i32
        %dma_start3A_118 = arith.constant 0 : i32
        %dma_start3A_119 = tpu.memref_slice %arg6[%dma_start3A_117, %dma_start3A_118] : memref<10000x128xf32, #tpu.memory_space<vmem_shared>> -> memref<10000x128xf32, #tpu.memory_space<vmem_shared>>
        tpu.enqueue_indirect_dma source(%arg8 : memref<128x128xf32, #tpu.memory_space<vmem>>) target(%dma_start3A_119 : memref<10000x128xf32, #tpu.memory_space<vmem_shared>>) offsets(%dma_start3A_116 : memref<128xi32, #tpu.memory_space<vmem>>) semaphore(%run_scoped3A : memref<!tpu.dma_semaphore, #tpu.memory_space<semaphore_mem>>) {add = true}
        %dma_wait3A_120 = arith.constant 0 : i32
        %dma_wait3A_121 = tpu.memref_slice %arg7[%add3A_80, %dma_wait3A_120] : memref<80x128xi32, #tpu.memory_space<vmem>> -> memref<1x128xi32, #tpu.memory_space<vmem>>
        %dma_wait3A_122 = tpu.memref_squeeze %dma_wait3A_121 : memref<1x128xi32, #tpu.memory_space<vmem>> -> memref<128xi32, #tpu.memory_space<vmem>>
        %dma_wait3A_123 = arith.constant 0 : i32
        %dma_wait3A_124 = arith.constant 0 : i32
        %dma_wait3A_125 = tpu.memref_slice %arg6[%dma_wait3A_123, %dma_wait3A_124] : memref<10000x128xf32, #tpu.memory_space<vmem_shared>> -> memref<10000x128xf32, #tpu.memory_space<vmem_shared>>
        tpu.wait_indirect_dma semaphore(%run_scoped3A : memref<!tpu.dma_semaphore, #tpu.memory_space<semaphore_mem>>) src(%arg8 : memref<128x128xf32, #tpu.memory_space<vmem>>) dst(%dma_wait3A_125 : memref<10000x128xf32, #tpu.memory_space<vmem_shared>>)
        tpu.yield
      }) : () -> ()
      %add3A_89 = arith.constant 2 : i32
      %add3A_90 = arith.addi %add3A_80, %add3A_89 : i32
      %lt3A_91 = arith.cmpi slt, %add3A_90, %select_n3A : i32
      %convert_element_type3A_92 = arith.extui %lt3A_91 : i1 to i32
      %cond3A_93 = arith.constant 0 : i32
      %cond3A_94 = arith.cmpi ne, %convert_element_type3A_92, %cond3A_93 : i32
      scf.if %cond3A_94 {
        %add3A_114 = arith.constant 2 : i32
        %add3A_115 = arith.addi %add3A_80, %add3A_114 : i32
        %add3A_116 = arith.addi %mul3A_0, %add3A_115 : i32
        %mul3A_117 = arith.constant 128 : i32
        %mul3A_118 = arith.muli %add3A_116, %mul3A_117 : i32
        %dma_start3A_119 = arith.constant 0 : i32
        %dma_start3A_120 = tpu.memref_slice %arg2[%arg0, %mul3A_118, %dma_start3A_119] : memref<2x160000x128xf32, #tpu.memory_space<hbm>> -> memref<1x128x128xf32, #tpu.memory_space<hbm>>
        %dma_start3A_121 = tpu.memref_squeeze %dma_start3A_120 : memref<1x128x128xf32, #tpu.memory_space<hbm>> -> memref<128x128xf32, #tpu.memory_space<hbm>>
        %dma_start3A_122 = arith.constant 0 : i32
        %dma_start3A_123 = tpu.memref_slice %arg2[%arg0, %mul3A_118, %dma_start3A_122] : memref<2x160000x128xf32, #tpu.memory_space<hbm>> -> memref<1x128x128xf32, #tpu.memory_space<hbm>>
        %dma_start3A_124 = tpu.memref_squeeze %dma_start3A_123 : memref<1x128x128xf32, #tpu.memory_space<hbm>> -> memref<128x128xf32, #tpu.memory_space<hbm>>
        tpu.enqueue_dma source(%dma_start3A_124 : memref<128x128xf32, #tpu.memory_space<hbm>>) target(%arg8 : memref<128x128xf32, #tpu.memory_space<vmem>>) target_semaphore(%arg10 : memref<!tpu.dma_semaphore, #tpu.memory_space<semaphore_mem>>)
      } else {
      }
      %add3A_95 = arith.constant 1 : i32
      %add3A_96 = arith.addi %add3A_80, %add3A_95 : i32
      %add3A_97 = arith.addi %mul3A_0, %add3A_96 : i32
      %mul3A_98 = arith.constant 128 : i32
      %mul3A_99 = arith.muli %add3A_97, %mul3A_98 : i32
      %dma_wait3A_100 = arith.constant 0 : i32
      %dma_wait3A_101 = tpu.memref_slice %arg2[%arg0, %mul3A_99, %dma_wait3A_100] : memref<2x160000x128xf32, #tpu.memory_space<hbm>> -> memref<1x128x128xf32, #tpu.memory_space<hbm>>
      %dma_wait3A_102 = tpu.memref_squeeze %dma_wait3A_101 : memref<1x128x128xf32, #tpu.memory_space<hbm>> -> memref<128x128xf32, #tpu.memory_space<hbm>>
      %dma_wait3A_103 = arith.constant 0 : i32
      %dma_wait3A_104 = tpu.memref_slice %arg2[%arg0, %mul3A_99, %dma_wait3A_103] : memref<2x160000x128xf32, #tpu.memory_space<hbm>> -> memref<1x128x128xf32, #tpu.memory_space<hbm>>
      %dma_wait3A_105 = tpu.memref_squeeze %dma_wait3A_104 : memref<1x128x128xf32, #tpu.memory_space<hbm>> -> memref<128x128xf32, #tpu.memory_space<hbm>>
      tpu.wait_dma2 semaphore(%arg11 : memref<!tpu.dma_semaphore, #tpu.memory_space<semaphore_mem>>) src(%dma_wait3A_105 : memref<128x128xf32, #tpu.memory_space<hbm>>) dst(%arg9 : memref<128x128xf32, #tpu.memory_space<vmem>>)
      %add3A_106 = arith.constant 1 : i32
      %add3A_107 = arith.addi %add3A_80, %add3A_106 : i32
      "tpu.region"() ({
        %run_scoped3A = tpu.sem_alloc : memref<!tpu.dma_semaphore, #tpu.memory_space<semaphore_mem>>
        %dma_start3A_114 = arith.constant 0 : i32
        %dma_start3A_115 = tpu.memref_slice %arg7[%add3A_107, %dma_start3A_114] : memref<80x128xi32, #tpu.memory_space<vmem>> -> memref<1x128xi32, #tpu.memory_space<vmem>>
        %dma_start3A_116 = tpu.memref_squeeze %dma_start3A_115 : memref<1x128xi32, #tpu.memory_space<vmem>> -> memref<128xi32, #tpu.memory_space<vmem>>
        %dma_start3A_117 = arith.constant 0 : i32
        %dma_start3A_118 = arith.constant 0 : i32
        %dma_start3A_119 = tpu.memref_slice %arg6[%dma_start3A_117, %dma_start3A_118] : memref<10000x128xf32, #tpu.memory_space<vmem_shared>> -> memref<10000x128xf32, #tpu.memory_space<vmem_shared>>
        tpu.enqueue_indirect_dma source(%arg9 : memref<128x128xf32, #tpu.memory_space<vmem>>) target(%dma_start3A_119 : memref<10000x128xf32, #tpu.memory_space<vmem_shared>>) offsets(%dma_start3A_116 : memref<128xi32, #tpu.memory_space<vmem>>) semaphore(%run_scoped3A : memref<!tpu.dma_semaphore, #tpu.memory_space<semaphore_mem>>) {add = true}
        %dma_wait3A_120 = arith.constant 0 : i32
        %dma_wait3A_121 = tpu.memref_slice %arg7[%add3A_107, %dma_wait3A_120] : memref<80x128xi32, #tpu.memory_space<vmem>> -> memref<1x128xi32, #tpu.memory_space<vmem>>
        %dma_wait3A_122 = tpu.memref_squeeze %dma_wait3A_121 : memref<1x128xi32, #tpu.memory_space<vmem>> -> memref<128xi32, #tpu.memory_space<vmem>>
        %dma_wait3A_123 = arith.constant 0 : i32
        %dma_wait3A_124 = arith.constant 0 : i32
        %dma_wait3A_125 = tpu.memref_slice %arg6[%dma_wait3A_123, %dma_wait3A_124] : memref<10000x128xf32, #tpu.memory_space<vmem_shared>> -> memref<10000x128xf32, #tpu.memory_space<vmem_shared>>
        tpu.wait_indirect_dma semaphore(%run_scoped3A : memref<!tpu.dma_semaphore, #tpu.memory_space<semaphore_mem>>) src(%arg9 : memref<128x128xf32, #tpu.memory_space<vmem>>) dst(%dma_wait3A_125 : memref<10000x128xf32, #tpu.memory_space<vmem_shared>>)
        tpu.yield
      }) : () -> ()
      %add3A_108 = arith.constant 3 : i32
      %add3A_109 = arith.addi %add3A_80, %add3A_108 : i32
      %lt3A_110 = arith.cmpi slt, %add3A_109, %select_n3A : i32
      %convert_element_type3A_111 = arith.extui %lt3A_110 : i1 to i32
      %cond3A_112 = arith.constant 0 : i32
      %cond3A_113 = arith.cmpi ne, %convert_element_type3A_111, %cond3A_112 : i32
      scf.if %cond3A_113 {
        %add3A_114 = arith.constant 3 : i32
        %add3A_115 = arith.addi %add3A_80, %add3A_114 : i32
        %add3A_116 = arith.addi %mul3A_0, %add3A_115 : i32
        %mul3A_117 = arith.constant 128 : i32
        %mul3A_118 = arith.muli %add3A_116, %mul3A_117 : i32
        %dma_start3A_119 = arith.constant 0 : i32
        %dma_start3A_120 = tpu.memref_slice %arg2[%arg0, %mul3A_118, %dma_start3A_119] : memref<2x160000x128xf32, #tpu.memory_space<hbm>> -> memref<1x128x128xf32, #tpu.memory_space<hbm>>
        %dma_start3A_121 = tpu.memref_squeeze %dma_start3A_120 : memref<1x128x128xf32, #tpu.memory_space<hbm>> -> memref<128x128xf32, #tpu.memory_space<hbm>>
        %dma_start3A_122 = arith.constant 0 : i32
        %dma_start3A_123 = tpu.memref_slice %arg2[%arg0, %mul3A_118, %dma_start3A_122] : memref<2x160000x128xf32, #tpu.memory_space<hbm>> -> memref<1x128x128xf32, #tpu.memory_space<hbm>>
        %dma_start3A_124 = tpu.memref_squeeze %dma_start3A_123 : memref<1x128x128xf32, #tpu.memory_space<hbm>> -> memref<128x128xf32, #tpu.memory_space<hbm>>
        tpu.enqueue_dma source(%dma_start3A_124 : memref<128x128xf32, #tpu.memory_space<hbm>>) target(%arg9 : memref<128x128xf32, #tpu.memory_space<vmem>>) target_semaphore(%arg11 : memref<!tpu.dma_semaphore, #tpu.memory_space<semaphore_mem>>)
      } else {
      }
    }
    %barrier3A_44 = arith.constant 0 : index
    tpu.barrier barrier_id(%barrier3A_44)
    %dma_start3A_45 = arith.constant 0 : i32
    %dma_start3A_46 = arith.constant 0 : i32
    %dma_start3A_47 = tpu.memref_slice %arg7[%dma_start3A_45, %dma_start3A_46] : memref<80x128xi32, #tpu.memory_space<vmem>> -> memref<1x128xi32, #tpu.memory_space<vmem>>
    %dma_start3A_48 = tpu.memref_squeeze %dma_start3A_47 : memref<1x128xi32, #tpu.memory_space<vmem>> -> memref<128xi32, #tpu.memory_space<vmem>>
    %dma_start3A_49 = arith.constant 0 : i32
    %dma_start3A_50 = arith.constant 0 : i32
    %dma_start3A_51 = tpu.memref_slice %arg6[%dma_start3A_49, %dma_start3A_50] : memref<10000x128xf32, #tpu.memory_space<vmem_shared>> -> memref<10000x128xf32, #tpu.memory_space<vmem_shared>>
    tpu.enqueue_indirect_dma source(%dma_start3A_51 : memref<10000x128xf32, #tpu.memory_space<vmem_shared>>) target(%arg8 : memref<128x128xf32, #tpu.memory_space<vmem>>) offsets(%dma_start3A_48 : memref<128xi32, #tpu.memory_space<vmem>>) semaphore(%arg10 : memref<!tpu.dma_semaphore, #tpu.memory_space<semaphore_mem>>)
    %dma_start3A_52 = arith.constant 1 : i32
    %dma_start3A_53 = arith.constant 0 : i32
    %dma_start3A_54 = tpu.memref_slice %arg7[%dma_start3A_52, %dma_start3A_53] : memref<80x128xi32, #tpu.memory_space<vmem>> -> memref<1x128xi32, #tpu.memory_space<vmem>>
    %dma_start3A_55 = tpu.memref_squeeze %dma_start3A_54 : memref<1x128xi32, #tpu.memory_space<vmem>> -> memref<128xi32, #tpu.memory_space<vmem>>
    %dma_start3A_56 = arith.constant 0 : i32
    %dma_start3A_57 = arith.constant 0 : i32
    %dma_start3A_58 = tpu.memref_slice %arg6[%dma_start3A_56, %dma_start3A_57] : memref<10000x128xf32, #tpu.memory_space<vmem_shared>> -> memref<10000x128xf32, #tpu.memory_space<vmem_shared>>
    tpu.enqueue_indirect_dma source(%dma_start3A_58 : memref<10000x128xf32, #tpu.memory_space<vmem_shared>>) target(%arg9 : memref<128x128xf32, #tpu.memory_space<vmem>>) offsets(%dma_start3A_55 : memref<128xi32, #tpu.memory_space<vmem>>) semaphore(%arg11 : memref<!tpu.dma_semaphore, #tpu.memory_space<semaphore_mem>>)
    %sub3A_59 = arith.constant 0 : i32
    %sub3A_60 = arith.subi %select_n3A, %sub3A_59 : i32
    %sub3A_61 = arith.constant 2 : i32
    %sub3A_62 = arith.constant 1 : i32
    %sub3A_63 = arith.subi %sub3A_61, %sub3A_62 : i32
    %add3A_64 = arith.addi %sub3A_60, %sub3A_63 : i32
    %div3A_65 = arith.constant 2 : i32
    %div3A_66 = arith.divsi %add3A_64, %div3A_65 : i32
    %while3A_67 = arith.constant 2 : i32
    %while3A_68 = arith.constant 0 : i32
    %while3A_69 = arith.constant 0 : i32
    %while3A_70 = arith.subi %div3A_66, %while3A_69 : i32
    %while3A_71 = arith.addi %while3A_69, %while3A_70 : i32
    %while3A_72 = arith.constant 1 : i32
    %while3A_73 = arith.divsi %while3A_70, %while3A_72 : i32
    %while3A_74 = arith.muli %while3A_73, %while3A_72 : i32
    %while3A_75 = arith.addi %while3A_69, %while3A_74 : i32
    %while3A_76 = arith.constant 1 : i32
    scf.for %while3A_78 = %while3A_69 to %while3A_75 step %while3A_76  : i32 {
      %mul3A_79 = arith.muli %while3A_78, %while3A_67 : i32
      %add3A_80 = arith.addi %while3A_68, %mul3A_79 : i32
      %dma_wait3A = arith.constant 0 : i32
      %dma_wait3A_81 = tpu.memref_slice %arg7[%add3A_80, %dma_wait3A] : memref<80x128xi32, #tpu.memory_space<vmem>> -> memref<1x128xi32, #tpu.memory_space<vmem>>
      %dma_wait3A_82 = tpu.memref_squeeze %dma_wait3A_81 : memref<1x128xi32, #tpu.memory_space<vmem>> -> memref<128xi32, #tpu.memory_space<vmem>>
      %dma_wait3A_83 = arith.constant 0 : i32
      %dma_wait3A_84 = arith.constant 0 : i32
      %dma_wait3A_85 = tpu.memref_slice %arg6[%dma_wait3A_83, %dma_wait3A_84] : memref<10000x128xf32, #tpu.memory_space<vmem_shared>> -> memref<10000x128xf32, #tpu.memory_space<vmem_shared>>
      tpu.wait_indirect_dma semaphore(%arg10 : memref<!tpu.dma_semaphore, #tpu.memory_space<semaphore_mem>>) src(%dma_wait3A_85 : memref<10000x128xf32, #tpu.memory_space<vmem_shared>>) dst(%arg8 : memref<128x128xf32, #tpu.memory_space<vmem>>)
      %add3A_86 = arith.addi %mul3A_0, %add3A_80 : i32
      %mul3A_87 = arith.constant 128 : i32
      %mul3A_88 = arith.muli %add3A_86, %mul3A_87 : i32
      "tpu.region"() ({
        %run_scoped3A = tpu.sem_alloc : memref<!tpu.dma_semaphore, #tpu.memory_space<semaphore_mem>>
        %dma_start3A_114 = arith.constant 0 : i32
        %dma_start3A_115 = tpu.memref_slice %arg5[%arg0, %mul3A_88, %dma_start3A_114] : memref<2x160000x128xf32, #tpu.memory_space<hbm>> -> memref<1x128x128xf32, #tpu.memory_space<hbm>>
        %dma_start3A_116 = tpu.memref_squeeze %dma_start3A_115 : memref<1x128x128xf32, #tpu.memory_space<hbm>> -> memref<128x128xf32, #tpu.memory_space<hbm>>
        %dma_start3A_117 = arith.constant 0 : i32
        %dma_start3A_118 = tpu.memref_slice %arg5[%arg0, %mul3A_88, %dma_start3A_117] : memref<2x160000x128xf32, #tpu.memory_space<hbm>> -> memref<1x128x128xf32, #tpu.memory_space<hbm>>
        %dma_start3A_119 = tpu.memref_squeeze %dma_start3A_118 : memref<1x128x128xf32, #tpu.memory_space<hbm>> -> memref<128x128xf32, #tpu.memory_space<hbm>>
        tpu.enqueue_dma source(%arg8 : memref<128x128xf32, #tpu.memory_space<vmem>>) target(%dma_start3A_119 : memref<128x128xf32, #tpu.memory_space<hbm>>) target_semaphore(%run_scoped3A : memref<!tpu.dma_semaphore, #tpu.memory_space<semaphore_mem>>)
        %dma_wait3A_120 = arith.constant 0 : i32
        %dma_wait3A_121 = tpu.memref_slice %arg5[%arg0, %mul3A_88, %dma_wait3A_120] : memref<2x160000x128xf32, #tpu.memory_space<hbm>> -> memref<1x128x128xf32, #tpu.memory_space<hbm>>
        %dma_wait3A_122 = tpu.memref_squeeze %dma_wait3A_121 : memref<1x128x128xf32, #tpu.memory_space<hbm>> -> memref<128x128xf32, #tpu.memory_space<hbm>>
        %dma_wait3A_123 = arith.constant 0 : i32
        %dma_wait3A_124 = tpu.memref_slice %arg5[%arg0, %mul3A_88, %dma_wait3A_123] : memref<2x160000x128xf32, #tpu.memory_space<hbm>> -> memref<1x128x128xf32, #tpu.memory_space<hbm>>
        %dma_wait3A_125 = tpu.memref_squeeze %dma_wait3A_124 : memref<1x128x128xf32, #tpu.memory_space<hbm>> -> memref<128x128xf32, #tpu.memory_space<hbm>>
        tpu.wait_dma2 semaphore(%run_scoped3A : memref<!tpu.dma_semaphore, #tpu.memory_space<semaphore_mem>>) src(%arg8 : memref<128x128xf32, #tpu.memory_space<vmem>>) dst(%dma_wait3A_125 : memref<128x128xf32, #tpu.memory_space<hbm>>)
        tpu.yield
      }) : () -> ()
      %add3A_89 = arith.constant 2 : i32
      %add3A_90 = arith.addi %add3A_80, %add3A_89 : i32
      %lt3A_91 = arith.cmpi slt, %add3A_90, %select_n3A : i32
      %convert_element_type3A_92 = arith.extui %lt3A_91 : i1 to i32
      %cond3A_93 = arith.constant 0 : i32
      %cond3A_94 = arith.cmpi ne, %convert_element_type3A_92, %cond3A_93 : i32
      scf.if %cond3A_94 {
        %add3A_114 = arith.constant 2 : i32
        %add3A_115 = arith.addi %add3A_80, %add3A_114 : i32
        %dma_start3A_116 = arith.constant 0 : i32
        %dma_start3A_117 = tpu.memref_slice %arg7[%add3A_115, %dma_start3A_116] : memref<80x128xi32, #tpu.memory_space<vmem>> -> memref<1x128xi32, #tpu.memory_space<vmem>>
        %dma_start3A_118 = tpu.memref_squeeze %dma_start3A_117 : memref<1x128xi32, #tpu.memory_space<vmem>> -> memref<128xi32, #tpu.memory_space<vmem>>
        %dma_start3A_119 = arith.constant 0 : i32
        %dma_start3A_120 = arith.constant 0 : i32
        %dma_start3A_121 = tpu.memref_slice %arg6[%dma_start3A_119, %dma_start3A_120] : memref<10000x128xf32, #tpu.memory_space<vmem_shared>> -> memref<10000x128xf32, #tpu.memory_space<vmem_shared>>
        tpu.enqueue_indirect_dma source(%dma_start3A_121 : memref<10000x128xf32, #tpu.memory_space<vmem_shared>>) target(%arg8 : memref<128x128xf32, #tpu.memory_space<vmem>>) offsets(%dma_start3A_118 : memref<128xi32, #tpu.memory_space<vmem>>) semaphore(%arg10 : memref<!tpu.dma_semaphore, #tpu.memory_space<semaphore_mem>>)
      } else {
      }
      %add3A_95 = arith.constant 1 : i32
      %add3A_96 = arith.addi %add3A_80, %add3A_95 : i32
      %dma_wait3A_97 = arith.constant 0 : i32
      %dma_wait3A_98 = tpu.memref_slice %arg7[%add3A_96, %dma_wait3A_97] : memref<80x128xi32, #tpu.memory_space<vmem>> -> memref<1x128xi32, #tpu.memory_space<vmem>>
      %dma_wait3A_99 = tpu.memref_squeeze %dma_wait3A_98 : memref<1x128xi32, #tpu.memory_space<vmem>> -> memref<128xi32, #tpu.memory_space<vmem>>
      %dma_wait3A_100 = arith.constant 0 : i32
      %dma_wait3A_101 = arith.constant 0 : i32
      %dma_wait3A_102 = tpu.memref_slice %arg6[%dma_wait3A_100, %dma_wait3A_101] : memref<10000x128xf32, #tpu.memory_space<vmem_shared>> -> memref<10000x128xf32, #tpu.memory_space<vmem_shared>>
      tpu.wait_indirect_dma semaphore(%arg11 : memref<!tpu.dma_semaphore, #tpu.memory_space<semaphore_mem>>) src(%dma_wait3A_102 : memref<10000x128xf32, #tpu.memory_space<vmem_shared>>) dst(%arg9 : memref<128x128xf32, #tpu.memory_space<vmem>>)
      %add3A_103 = arith.constant 1 : i32
      %add3A_104 = arith.addi %add3A_80, %add3A_103 : i32
      %add3A_105 = arith.addi %mul3A_0, %add3A_104 : i32
      %mul3A_106 = arith.constant 128 : i32
      %mul3A_107 = arith.muli %add3A_105, %mul3A_106 : i32
      "tpu.region"() ({
        %run_scoped3A = tpu.sem_alloc : memref<!tpu.dma_semaphore, #tpu.memory_space<semaphore_mem>>
        %dma_start3A_114 = arith.constant 0 : i32
        %dma_start3A_115 = tpu.memref_slice %arg5[%arg0, %mul3A_107, %dma_start3A_114] : memref<2x160000x128xf32, #tpu.memory_space<hbm>> -> memref<1x128x128xf32, #tpu.memory_space<hbm>>
        %dma_start3A_116 = tpu.memref_squeeze %dma_start3A_115 : memref<1x128x128xf32, #tpu.memory_space<hbm>> -> memref<128x128xf32, #tpu.memory_space<hbm>>
        %dma_start3A_117 = arith.constant 0 : i32
        %dma_start3A_118 = tpu.memref_slice %arg5[%arg0, %mul3A_107, %dma_start3A_117] : memref<2x160000x128xf32, #tpu.memory_space<hbm>> -> memref<1x128x128xf32, #tpu.memory_space<hbm>>
        %dma_start3A_119 = tpu.memref_squeeze %dma_start3A_118 : memref<1x128x128xf32, #tpu.memory_space<hbm>> -> memref<128x128xf32, #tpu.memory_space<hbm>>
        tpu.enqueue_dma source(%arg9 : memref<128x128xf32, #tpu.memory_space<vmem>>) target(%dma_start3A_119 : memref<128x128xf32, #tpu.memory_space<hbm>>) target_semaphore(%run_scoped3A : memref<!tpu.dma_semaphore, #tpu.memory_space<semaphore_mem>>)
        %dma_wait3A_120 = arith.constant 0 : i32
        %dma_wait3A_121 = tpu.memref_slice %arg5[%arg0, %mul3A_107, %dma_wait3A_120] : memref<2x160000x128xf32, #tpu.memory_space<hbm>> -> memref<1x128x128xf32, #tpu.memory_space<hbm>>
        %dma_wait3A_122 = tpu.memref_squeeze %dma_wait3A_121 : memref<1x128x128xf32, #tpu.memory_space<hbm>> -> memref<128x128xf32, #tpu.memory_space<hbm>>
        %dma_wait3A_123 = arith.constant 0 : i32
        %dma_wait3A_124 = tpu.memref_slice %arg5[%arg0, %mul3A_107, %dma_wait3A_123] : memref<2x160000x128xf32, #tpu.memory_space<hbm>> -> memref<1x128x128xf32, #tpu.memory_space<hbm>>
        %dma_wait3A_125 = tpu.memref_squeeze %dma_wait3A_124 : memref<1x128x128xf32, #tpu.memory_space<hbm>> -> memref<128x128xf32, #tpu.memory_space<hbm>>
        tpu.wait_dma2 semaphore(%run_scoped3A : memref<!tpu.dma_semaphore, #tpu.memory_space<semaphore_mem>>) src(%arg9 : memref<128x128xf32, #tpu.memory_space<vmem>>) dst(%dma_wait3A_125 : memref<128x128xf32, #tpu.memory_space<hbm>>)
        tpu.yield
      }) : () -> ()
      %add3A_108 = arith.constant 3 : i32
      %add3A_109 = arith.addi %add3A_80, %add3A_108 : i32
      %lt3A_110 = arith.cmpi slt, %add3A_109, %select_n3A : i32
      %convert_element_type3A_111 = arith.extui %lt3A_110 : i1 to i32
      %cond3A_112 = arith.constant 0 : i32
      %cond3A_113 = arith.cmpi ne, %convert_element_type3A_111, %cond3A_112 : i32
      scf.if %cond3A_113 {
        %add3A_114 = arith.constant 3 : i32
        %add3A_115 = arith.addi %add3A_80, %add3A_114 : i32
        %dma_start3A_116 = arith.constant 0 : i32
        %dma_start3A_117 = tpu.memref_slice %arg7[%add3A_115, %dma_start3A_116] : memref<80x128xi32, #tpu.memory_space<vmem>> -> memref<1x128xi32, #tpu.memory_space<vmem>>
        %dma_start3A_118 = tpu.memref_squeeze %dma_start3A_117 : memref<1x128xi32, #tpu.memory_space<vmem>> -> memref<128xi32, #tpu.memory_space<vmem>>
        %dma_start3A_119 = arith.constant 0 : i32
        %dma_start3A_120 = arith.constant 0 : i32
        %dma_start3A_121 = tpu.memref_slice %arg6[%dma_start3A_119, %dma_start3A_120] : memref<10000x128xf32, #tpu.memory_space<vmem_shared>> -> memref<10000x128xf32, #tpu.memory_space<vmem_shared>>
        tpu.enqueue_indirect_dma source(%dma_start3A_121 : memref<10000x128xf32, #tpu.memory_space<vmem_shared>>) target(%arg9 : memref<128x128xf32, #tpu.memory_space<vmem>>) offsets(%dma_start3A_118 : memref<128xi32, #tpu.memory_space<vmem>>) semaphore(%arg11 : memref<!tpu.dma_semaphore, #tpu.memory_space<semaphore_mem>>)
      } else {
      }
    }
    %while3A_77 = arith.constant 1 : i32
    scf.for %while3A_78 = %while3A_75 to %while3A_71 step %while3A_77  : i32 {
      %mul3A_79 = arith.muli %while3A_78, %while3A_67 : i32
      %add3A_80 = arith.addi %while3A_68, %mul3A_79 : i32
      %dma_wait3A = arith.constant 0 : i32
      %dma_wait3A_81 = tpu.memref_slice %arg7[%add3A_80, %dma_wait3A] : memref<80x128xi32, #tpu.memory_space<vmem>> -> memref<1x128xi32, #tpu.memory_space<vmem>>
      %dma_wait3A_82 = tpu.memref_squeeze %dma_wait3A_81 : memref<1x128xi32, #tpu.memory_space<vmem>> -> memref<128xi32, #tpu.memory_space<vmem>>
      %dma_wait3A_83 = arith.constant 0 : i32
      %dma_wait3A_84 = arith.constant 0 : i32
      %dma_wait3A_85 = tpu.memref_slice %arg6[%dma_wait3A_83, %dma_wait3A_84] : memref<10000x128xf32, #tpu.memory_space<vmem_shared>> -> memref<10000x128xf32, #tpu.memory_space<vmem_shared>>
      tpu.wait_indirect_dma semaphore(%arg10 : memref<!tpu.dma_semaphore, #tpu.memory_space<semaphore_mem>>) src(%dma_wait3A_85 : memref<10000x128xf32, #tpu.memory_space<vmem_shared>>) dst(%arg8 : memref<128x128xf32, #tpu.memory_space<vmem>>)
      %add3A_86 = arith.addi %mul3A_0, %add3A_80 : i32
      %mul3A_87 = arith.constant 128 : i32
      %mul3A_88 = arith.muli %add3A_86, %mul3A_87 : i32
      "tpu.region"() ({
        %run_scoped3A = tpu.sem_alloc : memref<!tpu.dma_semaphore, #tpu.memory_space<semaphore_mem>>
        %dma_start3A_114 = arith.constant 0 : i32
        %dma_start3A_115 = tpu.memref_slice %arg5[%arg0, %mul3A_88, %dma_start3A_114] : memref<2x160000x128xf32, #tpu.memory_space<hbm>> -> memref<1x128x128xf32, #tpu.memory_space<hbm>>
        %dma_start3A_116 = tpu.memref_squeeze %dma_start3A_115 : memref<1x128x128xf32, #tpu.memory_space<hbm>> -> memref<128x128xf32, #tpu.memory_space<hbm>>
        %dma_start3A_117 = arith.constant 0 : i32
        %dma_start3A_118 = tpu.memref_slice %arg5[%arg0, %mul3A_88, %dma_start3A_117] : memref<2x160000x128xf32, #tpu.memory_space<hbm>> -> memref<1x128x128xf32, #tpu.memory_space<hbm>>
        %dma_start3A_119 = tpu.memref_squeeze %dma_start3A_118 : memref<1x128x128xf32, #tpu.memory_space<hbm>> -> memref<128x128xf32, #tpu.memory_space<hbm>>
        tpu.enqueue_dma source(%arg8 : memref<128x128xf32, #tpu.memory_space<vmem>>) target(%dma_start3A_119 : memref<128x128xf32, #tpu.memory_space<hbm>>) target_semaphore(%run_scoped3A : memref<!tpu.dma_semaphore, #tpu.memory_space<semaphore_mem>>)
        %dma_wait3A_120 = arith.constant 0 : i32
        %dma_wait3A_121 = tpu.memref_slice %arg5[%arg0, %mul3A_88, %dma_wait3A_120] : memref<2x160000x128xf32, #tpu.memory_space<hbm>> -> memref<1x128x128xf32, #tpu.memory_space<hbm>>
        %dma_wait3A_122 = tpu.memref_squeeze %dma_wait3A_121 : memref<1x128x128xf32, #tpu.memory_space<hbm>> -> memref<128x128xf32, #tpu.memory_space<hbm>>
        %dma_wait3A_123 = arith.constant 0 : i32
        %dma_wait3A_124 = tpu.memref_slice %arg5[%arg0, %mul3A_88, %dma_wait3A_123] : memref<2x160000x128xf32, #tpu.memory_space<hbm>> -> memref<1x128x128xf32, #tpu.memory_space<hbm>>
        %dma_wait3A_125 = tpu.memref_squeeze %dma_wait3A_124 : memref<1x128x128xf32, #tpu.memory_space<hbm>> -> memref<128x128xf32, #tpu.memory_space<hbm>>
        tpu.wait_dma2 semaphore(%run_scoped3A : memref<!tpu.dma_semaphore, #tpu.memory_space<semaphore_mem>>) src(%arg8 : memref<128x128xf32, #tpu.memory_space<vmem>>) dst(%dma_wait3A_125 : memref<128x128xf32, #tpu.memory_space<hbm>>)
        tpu.yield
      }) : () -> ()
      %add3A_89 = arith.constant 2 : i32
      %add3A_90 = arith.addi %add3A_80, %add3A_89 : i32
      %lt3A_91 = arith.cmpi slt, %add3A_90, %select_n3A : i32
      %convert_element_type3A_92 = arith.extui %lt3A_91 : i1 to i32
      %cond3A_93 = arith.constant 0 : i32
      %cond3A_94 = arith.cmpi ne, %convert_element_type3A_92, %cond3A_93 : i32
      scf.if %cond3A_94 {
        %add3A_114 = arith.constant 2 : i32
        %add3A_115 = arith.addi %add3A_80, %add3A_114 : i32
        %dma_start3A_116 = arith.constant 0 : i32
        %dma_start3A_117 = tpu.memref_slice %arg7[%add3A_115, %dma_start3A_116] : memref<80x128xi32, #tpu.memory_space<vmem>> -> memref<1x128xi32, #tpu.memory_space<vmem>>
        %dma_start3A_118 = tpu.memref_squeeze %dma_start3A_117 : memref<1x128xi32, #tpu.memory_space<vmem>> -> memref<128xi32, #tpu.memory_space<vmem>>
        %dma_start3A_119 = arith.constant 0 : i32
        %dma_start3A_120 = arith.constant 0 : i32
        %dma_start3A_121 = tpu.memref_slice %arg6[%dma_start3A_119, %dma_start3A_120] : memref<10000x128xf32, #tpu.memory_space<vmem_shared>> -> memref<10000x128xf32, #tpu.memory_space<vmem_shared>>
        tpu.enqueue_indirect_dma source(%dma_start3A_121 : memref<10000x128xf32, #tpu.memory_space<vmem_shared>>) target(%arg8 : memref<128x128xf32, #tpu.memory_space<vmem>>) offsets(%dma_start3A_118 : memref<128xi32, #tpu.memory_space<vmem>>) semaphore(%arg10 : memref<!tpu.dma_semaphore, #tpu.memory_space<semaphore_mem>>)
      } else {
      }
      %add3A_95 = arith.constant 1 : i32
      %add3A_96 = arith.addi %add3A_80, %add3A_95 : i32
      %dma_wait3A_97 = arith.constant 0 : i32
      %dma_wait3A_98 = tpu.memref_slice %arg7[%add3A_96, %dma_wait3A_97] : memref<80x128xi32, #tpu.memory_space<vmem>> -> memref<1x128xi32, #tpu.memory_space<vmem>>
      %dma_wait3A_99 = tpu.memref_squeeze %dma_wait3A_98 : memref<1x128xi32, #tpu.memory_space<vmem>> -> memref<128xi32, #tpu.memory_space<vmem>>
      %dma_wait3A_100 = arith.constant 0 : i32
      %dma_wait3A_101 = arith.constant 0 : i32
      %dma_wait3A_102 = tpu.memref_slice %arg6[%dma_wait3A_100, %dma_wait3A_101] : memref<10000x128xf32, #tpu.memory_space<vmem_shared>> -> memref<10000x128xf32, #tpu.memory_space<vmem_shared>>
      tpu.wait_indirect_dma semaphore(%arg11 : memref<!tpu.dma_semaphore, #tpu.memory_space<semaphore_mem>>) src(%dma_wait3A_102 : memref<10000x128xf32, #tpu.memory_space<vmem_shared>>) dst(%arg9 : memref<128x128xf32, #tpu.memory_space<vmem>>)
      %add3A_103 = arith.constant 1 : i32
      %add3A_104 = arith.addi %add3A_80, %add3A_103 : i32
      %add3A_105 = arith.addi %mul3A_0, %add3A_104 : i32
      %mul3A_106 = arith.constant 128 : i32
      %mul3A_107 = arith.muli %add3A_105, %mul3A_106 : i32
      "tpu.region"() ({
        %run_scoped3A = tpu.sem_alloc : memref<!tpu.dma_semaphore, #tpu.memory_space<semaphore_mem>>
        %dma_start3A_114 = arith.constant 0 : i32
        %dma_start3A_115 = tpu.memref_slice %arg5[%arg0, %mul3A_107, %dma_start3A_114] : memref<2x160000x128xf32, #tpu.memory_space<hbm>> -> memref<1x128x128xf32, #tpu.memory_space<hbm>>
        %dma_start3A_116 = tpu.memref_squeeze %dma_start3A_115 : memref<1x128x128xf32, #tpu.memory_space<hbm>> -> memref<128x128xf32, #tpu.memory_space<hbm>>
        %dma_start3A_117 = arith.constant 0 : i32
        %dma_start3A_118 = tpu.memref_slice %arg5[%arg0, %mul3A_107, %dma_start3A_117] : memref<2x160000x128xf32, #tpu.memory_space<hbm>> -> memref<1x128x128xf32, #tpu.memory_space<hbm>>
        %dma_start3A_119 = tpu.memref_squeeze %dma_start3A_118 : memref<1x128x128xf32, #tpu.memory_space<hbm>> -> memref<128x128xf32, #tpu.memory_space<hbm>>
        tpu.enqueue_dma source(%arg9 : memref<128x128xf32, #tpu.memory_space<vmem>>) target(%dma_start3A_119 : memref<128x128xf32, #tpu.memory_space<hbm>>) target_semaphore(%run_scoped3A : memref<!tpu.dma_semaphore, #tpu.memory_space<semaphore_mem>>)
        %dma_wait3A_120 = arith.constant 0 : i32
        %dma_wait3A_121 = tpu.memref_slice %arg5[%arg0, %mul3A_107, %dma_wait3A_120] : memref<2x160000x128xf32, #tpu.memory_space<hbm>> -> memref<1x128x128xf32, #tpu.memory_space<hbm>>
        %dma_wait3A_122 = tpu.memref_squeeze %dma_wait3A_121 : memref<1x128x128xf32, #tpu.memory_space<hbm>> -> memref<128x128xf32, #tpu.memory_space<hbm>>
        %dma_wait3A_123 = arith.constant 0 : i32
        %dma_wait3A_124 = tpu.memref_slice %arg5[%arg0, %mul3A_107, %dma_wait3A_123] : memref<2x160000x128xf32, #tpu.memory_space<hbm>> -> memref<1x128x128xf32, #tpu.memory_space<hbm>>
        %dma_wait3A_125 = tpu.memref_squeeze %dma_wait3A_124 : memref<1x128x128xf32, #tpu.memory_space<hbm>> -> memref<128x128xf32, #tpu.memory_space<hbm>>
        tpu.wait_dma2 semaphore(%run_scoped3A : memref<!tpu.dma_semaphore, #tpu.memory_space<semaphore_mem>>) src(%arg9 : memref<128x128xf32, #tpu.memory_space<vmem>>) dst(%dma_wait3A_125 : memref<128x128xf32, #tpu.memory_space<hbm>>)
        tpu.yield
      }) : () -> ()
      %add3A_108 = arith.constant 3 : i32
      %add3A_109 = arith.addi %add3A_80, %add3A_108 : i32
      %lt3A_110 = arith.cmpi slt, %add3A_109, %select_n3A : i32
      %convert_element_type3A_111 = arith.extui %lt3A_110 : i1 to i32
      %cond3A_112 = arith.constant 0 : i32
      %cond3A_113 = arith.cmpi ne, %convert_element_type3A_111, %cond3A_112 : i32
      scf.if %cond3A_113 {
        %add3A_114 = arith.constant 3 : i32
        %add3A_115 = arith.addi %add3A_80, %add3A_114 : i32
        %dma_start3A_116 = arith.constant 0 : i32
        %dma_start3A_117 = tpu.memref_slice %arg7[%add3A_115, %dma_start3A_116] : memref<80x128xi32, #tpu.memory_space<vmem>> -> memref<1x128xi32, #tpu.memory_space<vmem>>
        %dma_start3A_118 = tpu.memref_squeeze %dma_start3A_117 : memref<1x128xi32, #tpu.memory_space<vmem>> -> memref<128xi32, #tpu.memory_space<vmem>>
        %dma_start3A_119 = arith.constant 0 : i32
        %dma_start3A_120 = arith.constant 0 : i32
        %dma_start3A_121 = tpu.memref_slice %arg6[%dma_start3A_119, %dma_start3A_120] : memref<10000x128xf32, #tpu.memory_space<vmem_shared>> -> memref<10000x128xf32, #tpu.memory_space<vmem_shared>>
        tpu.enqueue_indirect_dma source(%dma_start3A_121 : memref<10000x128xf32, #tpu.memory_space<vmem_shared>>) target(%arg9 : memref<128x128xf32, #tpu.memory_space<vmem>>) offsets(%dma_start3A_118 : memref<128xi32, #tpu.memory_space<vmem>>) semaphore(%arg11 : memref<!tpu.dma_semaphore, #tpu.memory_space<semaphore_mem>>)
      } else {
      }
    }
    return
  }
}

#map = affine_map<(d0, d1) -> (0, 0, 0)>
#map1 = affine_map<(d0, d1) -> (0, 0)>
module attributes {stable_mosaic.version = 14 : i64} {
  func.func @k(%arg0: i32, %arg1: i32, %arg2: memref<2x160000x128xf32, #tpu.memory_space<hbm>>, %arg3: memref<1280x128xi32, #tpu.memory_space<hbm>>, %arg4: memref<640x128xf32, #tpu.memory_space<hbm>>, %arg5: memref<2x160000x128xf32, #tpu.memory_space<hbm>>, %arg6: memref<10000x128xf32, #tpu.memory_space<vmem_shared>>, %arg7: memref<80x128xi32, #tpu.memory_space<vmem>>, %arg8: memref<128x128xf32, #tpu.memory_space<vmem>>, %arg9: memref<128x128xf32, #tpu.memory_space<vmem>>, %arg10: memref<!tpu.dma_semaphore, #tpu.memory_space<semaphore_mem>>, %arg11: memref<!tpu.dma_semaphore, #tpu.memory_space<semaphore_mem>>) attributes {dimension_semantics = [#tpu.dimension_semantics<core_parallel>, #tpu.dimension_semantics<subcore_parallel>], iteration_bounds = array<i64: 2, 16>, scalar_prefetch = 0 : i64, scratch_operands = 6 : i64, tpu.core_type = #tpu.core_type<sc_vector_subcore>, window_params = [{transform_indices = #map}, {transform_indices = #map1}, {transform_indices = #map1}, {transform_indices = #map}]} {
    %mul3A = arith.constant 80 : i32
    %mul3A_0 = arith.muli %arg1, %mul3A : i32
    %lt3A = arith.constant 15 : i32
    %lt3A_1 = arith.cmpi slt, %arg1, %lt3A : i32
    %jit3A = arith.constant 80 : i32
    %jit3A_2 = arith.constant 50 : i32
    %select_n3A = arith.select %lt3A_1, %jit3A, %jit3A_2 : i32
    "tpu.region"() ({
      %run_scoped3A = tpu.sem_alloc : memref<!tpu.dma_semaphore, #tpu.memory_space<semaphore_mem>>
      %dma_start3A_78 = arith.constant 0 : i32
      %dma_start3A_79 = tpu.memref_slice %arg3[%mul3A_0, %dma_start3A_78] : memref<1280x128xi32, #tpu.memory_space<hbm>> -> memref<80x128xi32, #tpu.memory_space<hbm>>
      %dma_start3A_80 = arith.constant 0 : i32
      %dma_start3A_81 = tpu.memref_slice %arg3[%mul3A_0, %dma_start3A_80] : memref<1280x128xi32, #tpu.memory_space<hbm>> -> memref<80x128xi32, #tpu.memory_space<hbm>>
      tpu.enqueue_dma source(%dma_start3A_81 : memref<80x128xi32, #tpu.memory_space<hbm>>) target(%arg7 : memref<80x128xi32, #tpu.memory_space<vmem>>) target_semaphore(%run_scoped3A : memref<!tpu.dma_semaphore, #tpu.memory_space<semaphore_mem>>)
      %dma_wait3A = arith.constant 0 : i32
      %dma_wait3A_82 = tpu.memref_slice %arg3[%mul3A_0, %dma_wait3A] : memref<1280x128xi32, #tpu.memory_space<hbm>> -> memref<80x128xi32, #tpu.memory_space<hbm>>
      %dma_wait3A_83 = arith.constant 0 : i32
      %dma_wait3A_84 = tpu.memref_slice %arg3[%mul3A_0, %dma_wait3A_83] : memref<1280x128xi32, #tpu.memory_space<hbm>> -> memref<80x128xi32, #tpu.memory_space<hbm>>
      tpu.wait_dma2 semaphore(%run_scoped3A : memref<!tpu.dma_semaphore, #tpu.memory_space<semaphore_mem>>) src(%dma_wait3A_84 : memref<80x128xi32, #tpu.memory_space<hbm>>) dst(%arg7 : memref<80x128xi32, #tpu.memory_space<vmem>>)
      tpu.yield
    }) : () -> ()
    %lt3A_3 = arith.constant 15 : i32
    %lt3A_4 = arith.cmpi slt, %arg1, %lt3A_3 : i32
    %convert_element_type3A = arith.extui %lt3A_4 : i1 to i32
    %cond3A = arith.constant 0 : i32
    %cond3A_5 = arith.cmpi ne, %convert_element_type3A, %cond3A : i32
    scf.if %cond3A_5 {
      %mul3A_78 = arith.constant 624 : i32
      %mul3A_79 = arith.muli %arg1, %mul3A_78 : i32
      "tpu.region"() ({
        %run_scoped3A = tpu.sem_alloc : memref<!tpu.dma_semaphore, #tpu.memory_space<semaphore_mem>>
        %dma_start3A_80 = arith.constant 0 : i32
        %dma_start3A_81 = tpu.memref_slice %arg6[%mul3A_79, %dma_start3A_80] : memref<10000x128xf32, #tpu.memory_space<vmem_shared>> -> memref<624x128xf32, #tpu.memory_space<vmem_shared>>
        %dma_start3A_82 = arith.constant 0 : i32
        %dma_start3A_83 = arith.constant 0 : i32
        %dma_start3A_84 = tpu.memref_slice %arg4[%dma_start3A_82, %dma_start3A_83] : memref<640x128xf32, #tpu.memory_space<hbm>> -> memref<624x128xf32, #tpu.memory_space<hbm>>
        tpu.enqueue_dma source(%dma_start3A_84 : memref<624x128xf32, #tpu.memory_space<hbm>>) target(%dma_start3A_81 : memref<624x128xf32, #tpu.memory_space<vmem_shared>>) target_semaphore(%run_scoped3A : memref<!tpu.dma_semaphore, #tpu.memory_space<semaphore_mem>>)
        %dma_wait3A = arith.constant 0 : i32
        %dma_wait3A_85 = tpu.memref_slice %arg6[%mul3A_79, %dma_wait3A] : memref<10000x128xf32, #tpu.memory_space<vmem_shared>> -> memref<624x128xf32, #tpu.memory_space<vmem_shared>>
        %dma_wait3A_86 = arith.constant 0 : i32
        %dma_wait3A_87 = arith.constant 0 : i32
        %dma_wait3A_88 = tpu.memref_slice %arg4[%dma_wait3A_86, %dma_wait3A_87] : memref<640x128xf32, #tpu.memory_space<hbm>> -> memref<624x128xf32, #tpu.memory_space<hbm>>
        tpu.wait_dma2 semaphore(%run_scoped3A : memref<!tpu.dma_semaphore, #tpu.memory_space<semaphore_mem>>) src(%dma_wait3A_88 : memref<624x128xf32, #tpu.memory_space<hbm>>) dst(%dma_wait3A_85 : memref<624x128xf32, #tpu.memory_space<vmem_shared>>)
        tpu.yield
      }) : () -> ()
    } else {
    }
    %ge3A = arith.constant 15 : i32
    %ge3A_6 = arith.cmpi sge, %arg1, %ge3A : i32
    %convert_element_type3A_7 = arith.extui %ge3A_6 : i1 to i32
    %cond3A_8 = arith.constant 0 : i32
    %cond3A_9 = arith.cmpi ne, %convert_element_type3A_7, %cond3A_8 : i32
    scf.if %cond3A_9 {
      "tpu.region"() ({
        %run_scoped3A = tpu.sem_alloc : memref<!tpu.dma_semaphore, #tpu.memory_space<semaphore_mem>>
        %dma_start3A_78 = arith.constant 9360 : i32
        %dma_start3A_79 = arith.constant 0 : i32
        %dma_start3A_80 = tpu.memref_slice %arg6[%dma_start3A_78, %dma_start3A_79] : memref<10000x128xf32, #tpu.memory_space<vmem_shared>> -> memref<640x128xf32, #tpu.memory_space<vmem_shared>>
        tpu.enqueue_dma source(%arg4 : memref<640x128xf32, #tpu.memory_space<hbm>>) target(%dma_start3A_80 : memref<640x128xf32, #tpu.memory_space<vmem_shared>>) target_semaphore(%run_scoped3A : memref<!tpu.dma_semaphore, #tpu.memory_space<semaphore_mem>>)
        %dma_wait3A = arith.constant 9360 : i32
        %dma_wait3A_81 = arith.constant 0 : i32
        %dma_wait3A_82 = tpu.memref_slice %arg6[%dma_wait3A, %dma_wait3A_81] : memref<10000x128xf32, #tpu.memory_space<vmem_shared>> -> memref<640x128xf32, #tpu.memory_space<vmem_shared>>
        tpu.wait_dma2 semaphore(%run_scoped3A : memref<!tpu.dma_semaphore, #tpu.memory_space<semaphore_mem>>) src(%arg4 : memref<640x128xf32, #tpu.memory_space<hbm>>) dst(%dma_wait3A_82 : memref<640x128xf32, #tpu.memory_space<vmem_shared>>)
        tpu.yield
      }) : () -> ()
    } else {
    }
    %barrier3A = arith.constant 0 : index
    tpu.barrier barrier_id(%barrier3A)
    %add3A = arith.constant 0 : i32
    %add3A_10 = arith.addi %mul3A_0, %add3A : i32
    %mul3A_11 = arith.constant 128 : i32
    %mul3A_12 = arith.muli %add3A_10, %mul3A_11 : i32
    %dma_start3A = arith.constant 0 : i32
    %dma_start3A_13 = tpu.memref_slice %arg2[%arg0, %mul3A_12, %dma_start3A] : memref<2x160000x128xf32, #tpu.memory_space<hbm>> -> memref<1x128x128xf32, #tpu.memory_space<hbm>>
    %dma_start3A_14 = tpu.memref_squeeze %dma_start3A_13 : memref<1x128x128xf32, #tpu.memory_space<hbm>> -> memref<128x128xf32, #tpu.memory_space<hbm>>
    %dma_start3A_15 = arith.constant 0 : i32
    %dma_start3A_16 = tpu.memref_slice %arg2[%arg0, %mul3A_12, %dma_start3A_15] : memref<2x160000x128xf32, #tpu.memory_space<hbm>> -> memref<1x128x128xf32, #tpu.memory_space<hbm>>
    %dma_start3A_17 = tpu.memref_squeeze %dma_start3A_16 : memref<1x128x128xf32, #tpu.memory_space<hbm>> -> memref<128x128xf32, #tpu.memory_space<hbm>>
    tpu.enqueue_dma source(%dma_start3A_17 : memref<128x128xf32, #tpu.memory_space<hbm>>) target(%arg8 : memref<128x128xf32, #tpu.memory_space<vmem>>) target_semaphore(%arg10 : memref<!tpu.dma_semaphore, #tpu.memory_space<semaphore_mem>>)
    %add3A_18 = arith.constant 1 : i32
    %add3A_19 = arith.addi %mul3A_0, %add3A_18 : i32
    %mul3A_20 = arith.constant 128 : i32
    %mul3A_21 = arith.muli %add3A_19, %mul3A_20 : i32
    %dma_start3A_22 = arith.constant 0 : i32
    %dma_start3A_23 = tpu.memref_slice %arg2[%arg0, %mul3A_21, %dma_start3A_22] : memref<2x160000x128xf32, #tpu.memory_space<hbm>> -> memref<1x128x128xf32, #tpu.memory_space<hbm>>
    %dma_start3A_24 = tpu.memref_squeeze %dma_start3A_23 : memref<1x128x128xf32, #tpu.memory_space<hbm>> -> memref<128x128xf32, #tpu.memory_space<hbm>>
    %dma_start3A_25 = arith.constant 0 : i32
    %dma_start3A_26 = tpu.memref_slice %arg2[%arg0, %mul3A_21, %dma_start3A_25] : memref<2x160000x128xf32, #tpu.memory_space<hbm>> -> memref<1x128x128xf32, #tpu.memory_space<hbm>>
    %dma_start3A_27 = tpu.memref_squeeze %dma_start3A_26 : memref<1x128x128xf32, #tpu.memory_space<hbm>> -> memref<128x128xf32, #tpu.memory_space<hbm>>
    tpu.enqueue_dma source(%dma_start3A_27 : memref<128x128xf32, #tpu.memory_space<hbm>>) target(%arg9 : memref<128x128xf32, #tpu.memory_space<vmem>>) target_semaphore(%arg11 : memref<!tpu.dma_semaphore, #tpu.memory_space<semaphore_mem>>)
    %sub3A = arith.constant 0 : i32
    %sub3A_28 = arith.subi %select_n3A, %sub3A : i32
    %sub3A_29 = arith.constant 2 : i32
    %sub3A_30 = arith.constant 1 : i32
    %sub3A_31 = arith.subi %sub3A_29, %sub3A_30 : i32
    %add3A_32 = arith.addi %sub3A_28, %sub3A_31 : i32
    %div3A = arith.constant 2 : i32
    %div3A_33 = arith.divsi %add3A_32, %div3A : i32
    %while3A = arith.constant 2 : i32
    %while3A_34 = arith.constant 0 : i32
    %while3A_35 = arith.constant 0 : i32
    %while3A_36 = arith.subi %div3A_33, %while3A_35 : i32
    %while3A_37 = arith.addi %while3A_35, %while3A_36 : i32
    %while3A_38 = arith.constant 1 : i32
    %while3A_39 = arith.divsi %while3A_36, %while3A_38 : i32
    %while3A_40 = arith.muli %while3A_39, %while3A_38 : i32
    %while3A_41 = arith.addi %while3A_35, %while3A_40 : i32
    %while3A_42 = arith.constant 1 : i32
    scf.for %while3A_78 = %while3A_35 to %while3A_41 step %while3A_42  : i32 {
      %mul3A_79 = arith.muli %while3A_78, %while3A : i32
      %add3A_80 = arith.addi %while3A_34, %mul3A_79 : i32
      %add3A_81 = arith.addi %mul3A_0, %add3A_80 : i32
      %mul3A_82 = arith.constant 128 : i32
      %mul3A_83 = arith.muli %add3A_81, %mul3A_82 : i32
      %dma_wait3A = arith.constant 0 : i32
      %dma_wait3A_84 = tpu.memref_slice %arg2[%arg0, %mul3A_83, %dma_wait3A] : memref<2x160000x128xf32, #tpu.memory_space<hbm>> -> memref<1x128x128xf32, #tpu.memory_space<hbm>>
      %dma_wait3A_85 = tpu.memref_squeeze %dma_wait3A_84 : memref<1x128x128xf32, #tpu.memory_space<hbm>> -> memref<128x128xf32, #tpu.memory_space<hbm>>
      %dma_wait3A_86 = arith.constant 0 : i32
      %dma_wait3A_87 = tpu.memref_slice %arg2[%arg0, %mul3A_83, %dma_wait3A_86] : memref<2x160000x128xf32, #tpu.memory_space<hbm>> -> memref<1x128x128xf32, #tpu.memory_space<hbm>>
      %dma_wait3A_88 = tpu.memref_squeeze %dma_wait3A_87 : memref<1x128x128xf32, #tpu.memory_space<hbm>> -> memref<128x128xf32, #tpu.memory_space<hbm>>
      tpu.wait_dma2 semaphore(%arg10 : memref<!tpu.dma_semaphore, #tpu.memory_space<semaphore_mem>>) src(%dma_wait3A_88 : memref<128x128xf32, #tpu.memory_space<hbm>>) dst(%arg8 : memref<128x128xf32, #tpu.memory_space<vmem>>)
      "tpu.region"() ({
        %run_scoped3A = tpu.sem_alloc : memref<!tpu.dma_semaphore, #tpu.memory_space<semaphore_mem>>
        %dma_start3A_114 = arith.constant 0 : i32
        %dma_start3A_115 = tpu.memref_slice %arg7[%add3A_80, %dma_start3A_114] : memref<80x128xi32, #tpu.memory_space<vmem>> -> memref<1x128xi32, #tpu.memory_space<vmem>>
        %dma_start3A_116 = tpu.memref_squeeze %dma_start3A_115 : memref<1x128xi32, #tpu.memory_space<vmem>> -> memref<128xi32, #tpu.memory_space<vmem>>
        %dma_start3A_117 = arith.constant 0 : i32
        %dma_start3A_118 = arith.constant 0 : i32
        %dma_start3A_119 = tpu.memref_slice %arg6[%dma_start3A_117, %dma_start3A_118] : memref<10000x128xf32, #tpu.memory_space<vmem_shared>> -> memref<10000x128xf32, #tpu.memory_space<vmem_shared>>
        tpu.enqueue_indirect_dma source(%arg8 : memref<128x128xf32, #tpu.memory_space<vmem>>) target(%dma_start3A_119 : memref<10000x128xf32, #tpu.memory_space<vmem_shared>>) offsets(%dma_start3A_116 : memref<128xi32, #tpu.memory_space<vmem>>) semaphore(%run_scoped3A : memref<!tpu.dma_semaphore, #tpu.memory_space<semaphore_mem>>) {add = true}
        %dma_wait3A_120 = arith.constant 0 : i32
        %dma_wait3A_121 = tpu.memref_slice %arg7[%add3A_80, %dma_wait3A_120] : memref<80x128xi32, #tpu.memory_space<vmem>> -> memref<1x128xi32, #tpu.memory_space<vmem>>
        %dma_wait3A_122 = tpu.memref_squeeze %dma_wait3A_121 : memref<1x128xi32, #tpu.memory_space<vmem>> -> memref<128xi32, #tpu.memory_space<vmem>>
        %dma_wait3A_123 = arith.constant 0 : i32
        %dma_wait3A_124 = arith.constant 0 : i32
        %dma_wait3A_125 = tpu.memref_slice %arg6[%dma_wait3A_123, %dma_wait3A_124] : memref<10000x128xf32, #tpu.memory_space<vmem_shared>> -> memref<10000x128xf32, #tpu.memory_space<vmem_shared>>
        tpu.wait_indirect_dma semaphore(%run_scoped3A : memref<!tpu.dma_semaphore, #tpu.memory_space<semaphore_mem>>) src(%arg8 : memref<128x128xf32, #tpu.memory_space<vmem>>) dst(%dma_wait3A_125 : memref<10000x128xf32, #tpu.memory_space<vmem_shared>>)
        tpu.yield
      }) : () -> ()
      %add3A_89 = arith.constant 2 : i32
      %add3A_90 = arith.addi %add3A_80, %add3A_89 : i32
      %lt3A_91 = arith.cmpi slt, %add3A_90, %select_n3A : i32
      %convert_element_type3A_92 = arith.extui %lt3A_91 : i1 to i32
      %cond3A_93 = arith.constant 0 : i32
      %cond3A_94 = arith.cmpi ne, %convert_element_type3A_92, %cond3A_93 : i32
      scf.if %cond3A_94 {
        %add3A_114 = arith.constant 2 : i32
        %add3A_115 = arith.addi %add3A_80, %add3A_114 : i32
        %add3A_116 = arith.addi %mul3A_0, %add3A_115 : i32
        %mul3A_117 = arith.constant 128 : i32
        %mul3A_118 = arith.muli %add3A_116, %mul3A_117 : i32
        %dma_start3A_119 = arith.constant 0 : i32
        %dma_start3A_120 = tpu.memref_slice %arg2[%arg0, %mul3A_118, %dma_start3A_119] : memref<2x160000x128xf32, #tpu.memory_space<hbm>> -> memref<1x128x128xf32, #tpu.memory_space<hbm>>
        %dma_start3A_121 = tpu.memref_squeeze %dma_start3A_120 : memref<1x128x128xf32, #tpu.memory_space<hbm>> -> memref<128x128xf32, #tpu.memory_space<hbm>>
        %dma_start3A_122 = arith.constant 0 : i32
        %dma_start3A_123 = tpu.memref_slice %arg2[%arg0, %mul3A_118, %dma_start3A_122] : memref<2x160000x128xf32, #tpu.memory_space<hbm>> -> memref<1x128x128xf32, #tpu.memory_space<hbm>>
        %dma_start3A_124 = tpu.memref_squeeze %dma_start3A_123 : memref<1x128x128xf32, #tpu.memory_space<hbm>> -> memref<128x128xf32, #tpu.memory_space<hbm>>
        tpu.enqueue_dma source(%dma_start3A_124 : memref<128x128xf32, #tpu.memory_space<hbm>>) target(%arg8 : memref<128x128xf32, #tpu.memory_space<vmem>>) target_semaphore(%arg10 : memref<!tpu.dma_semaphore, #tpu.memory_space<semaphore_mem>>)
      } else {
      }
      %add3A_95 = arith.constant 1 : i32
      %add3A_96 = arith.addi %add3A_80, %add3A_95 : i32
      %add3A_97 = arith.addi %mul3A_0, %add3A_96 : i32
      %mul3A_98 = arith.constant 128 : i32
      %mul3A_99 = arith.muli %add3A_97, %mul3A_98 : i32
      %dma_wait3A_100 = arith.constant 0 : i32
      %dma_wait3A_101 = tpu.memref_slice %arg2[%arg0, %mul3A_99, %dma_wait3A_100] : memref<2x160000x128xf32, #tpu.memory_space<hbm>> -> memref<1x128x128xf32, #tpu.memory_space<hbm>>
      %dma_wait3A_102 = tpu.memref_squeeze %dma_wait3A_101 : memref<1x128x128xf32, #tpu.memory_space<hbm>> -> memref<128x128xf32, #tpu.memory_space<hbm>>
      %dma_wait3A_103 = arith.constant 0 : i32
      %dma_wait3A_104 = tpu.memref_slice %arg2[%arg0, %mul3A_99, %dma_wait3A_103] : memref<2x160000x128xf32, #tpu.memory_space<hbm>> -> memref<1x128x128xf32, #tpu.memory_space<hbm>>
      %dma_wait3A_105 = tpu.memref_squeeze %dma_wait3A_104 : memref<1x128x128xf32, #tpu.memory_space<hbm>> -> memref<128x128xf32, #tpu.memory_space<hbm>>
      tpu.wait_dma2 semaphore(%arg11 : memref<!tpu.dma_semaphore, #tpu.memory_space<semaphore_mem>>) src(%dma_wait3A_105 : memref<128x128xf32, #tpu.memory_space<hbm>>) dst(%arg9 : memref<128x128xf32, #tpu.memory_space<vmem>>)
      %add3A_106 = arith.constant 1 : i32
      %add3A_107 = arith.addi %add3A_80, %add3A_106 : i32
      "tpu.region"() ({
        %run_scoped3A = tpu.sem_alloc : memref<!tpu.dma_semaphore, #tpu.memory_space<semaphore_mem>>
        %dma_start3A_114 = arith.constant 0 : i32
        %dma_start3A_115 = tpu.memref_slice %arg7[%add3A_107, %dma_start3A_114] : memref<80x128xi32, #tpu.memory_space<vmem>> -> memref<1x128xi32, #tpu.memory_space<vmem>>
        %dma_start3A_116 = tpu.memref_squeeze %dma_start3A_115 : memref<1x128xi32, #tpu.memory_space<vmem>> -> memref<128xi32, #tpu.memory_space<vmem>>
        %dma_start3A_117 = arith.constant 0 : i32
        %dma_start3A_118 = arith.constant 0 : i32
        %dma_start3A_119 = tpu.memref_slice %arg6[%dma_start3A_117, %dma_start3A_118] : memref<10000x128xf32, #tpu.memory_space<vmem_shared>> -> memref<10000x128xf32, #tpu.memory_space<vmem_shared>>
        tpu.enqueue_indirect_dma source(%arg9 : memref<128x128xf32, #tpu.memory_space<vmem>>) target(%dma_start3A_119 : memref<10000x128xf32, #tpu.memory_space<vmem_shared>>) offsets(%dma_start3A_116 : memref<128xi32, #tpu.memory_space<vmem>>) semaphore(%run_scoped3A : memref<!tpu.dma_semaphore, #tpu.memory_space<semaphore_mem>>) {add = true}
        %dma_wait3A_120 = arith.constant 0 : i32
        %dma_wait3A_121 = tpu.memref_slice %arg7[%add3A_107, %dma_wait3A_120] : memref<80x128xi32, #tpu.memory_space<vmem>> -> memref<1x128xi32, #tpu.memory_space<vmem>>
        %dma_wait3A_122 = tpu.memref_squeeze %dma_wait3A_121 : memref<1x128xi32, #tpu.memory_space<vmem>> -> memref<128xi32, #tpu.memory_space<vmem>>
        %dma_wait3A_123 = arith.constant 0 : i32
        %dma_wait3A_124 = arith.constant 0 : i32
        %dma_wait3A_125 = tpu.memref_slice %arg6[%dma_wait3A_123, %dma_wait3A_124] : memref<10000x128xf32, #tpu.memory_space<vmem_shared>> -> memref<10000x128xf32, #tpu.memory_space<vmem_shared>>
        tpu.wait_indirect_dma semaphore(%run_scoped3A : memref<!tpu.dma_semaphore, #tpu.memory_space<semaphore_mem>>) src(%arg9 : memref<128x128xf32, #tpu.memory_space<vmem>>) dst(%dma_wait3A_125 : memref<10000x128xf32, #tpu.memory_space<vmem_shared>>)
        tpu.yield
      }) : () -> ()
      %add3A_108 = arith.constant 3 : i32
      %add3A_109 = arith.addi %add3A_80, %add3A_108 : i32
      %lt3A_110 = arith.cmpi slt, %add3A_109, %select_n3A : i32
      %convert_element_type3A_111 = arith.extui %lt3A_110 : i1 to i32
      %cond3A_112 = arith.constant 0 : i32
      %cond3A_113 = arith.cmpi ne, %convert_element_type3A_111, %cond3A_112 : i32
      scf.if %cond3A_113 {
        %add3A_114 = arith.constant 3 : i32
        %add3A_115 = arith.addi %add3A_80, %add3A_114 : i32
        %add3A_116 = arith.addi %mul3A_0, %add3A_115 : i32
        %mul3A_117 = arith.constant 128 : i32
        %mul3A_118 = arith.muli %add3A_116, %mul3A_117 : i32
        %dma_start3A_119 = arith.constant 0 : i32
        %dma_start3A_120 = tpu.memref_slice %arg2[%arg0, %mul3A_118, %dma_start3A_119] : memref<2x160000x128xf32, #tpu.memory_space<hbm>> -> memref<1x128x128xf32, #tpu.memory_space<hbm>>
        %dma_start3A_121 = tpu.memref_squeeze %dma_start3A_120 : memref<1x128x128xf32, #tpu.memory_space<hbm>> -> memref<128x128xf32, #tpu.memory_space<hbm>>
        %dma_start3A_122 = arith.constant 0 : i32
        %dma_start3A_123 = tpu.memref_slice %arg2[%arg0, %mul3A_118, %dma_start3A_122] : memref<2x160000x128xf32, #tpu.memory_space<hbm>> -> memref<1x128x128xf32, #tpu.memory_space<hbm>>
        %dma_start3A_124 = tpu.memref_squeeze %dma_start3A_123 : memref<1x128x128xf32, #tpu.memory_space<hbm>> -> memref<128x128xf32, #tpu.memory_space<hbm>>
        tpu.enqueue_dma source(%dma_start3A_124 : memref<128x128xf32, #tpu.memory_space<hbm>>) target(%arg9 : memref<128x128xf32, #tpu.memory_space<vmem>>) target_semaphore(%arg11 : memref<!tpu.dma_semaphore, #tpu.memory_space<semaphore_mem>>)
      } else {
      }
    }
    %while3A_43 = arith.constant 1 : i32
    scf.for %while3A_78 = %while3A_41 to %while3A_37 step %while3A_43  : i32 {
      %mul3A_79 = arith.muli %while3A_78, %while3A : i32
      %add3A_80 = arith.addi %while3A_34, %mul3A_79 : i32
      %add3A_81 = arith.addi %mul3A_0, %add3A_80 : i32
      %mul3A_82 = arith.constant 128 : i32
      %mul3A_83 = arith.muli %add3A_81, %mul3A_82 : i32
      %dma_wait3A = arith.constant 0 : i32
      %dma_wait3A_84 = tpu.memref_slice %arg2[%arg0, %mul3A_83, %dma_wait3A] : memref<2x160000x128xf32, #tpu.memory_space<hbm>> -> memref<1x128x128xf32, #tpu.memory_space<hbm>>
      %dma_wait3A_85 = tpu.memref_squeeze %dma_wait3A_84 : memref<1x128x128xf32, #tpu.memory_space<hbm>> -> memref<128x128xf32, #tpu.memory_space<hbm>>
      %dma_wait3A_86 = arith.constant 0 : i32
      %dma_wait3A_87 = tpu.memref_slice %arg2[%arg0, %mul3A_83, %dma_wait3A_86] : memref<2x160000x128xf32, #tpu.memory_space<hbm>> -> memref<1x128x128xf32, #tpu.memory_space<hbm>>
      %dma_wait3A_88 = tpu.memref_squeeze %dma_wait3A_87 : memref<1x128x128xf32, #tpu.memory_space<hbm>> -> memref<128x128xf32, #tpu.memory_space<hbm>>
      tpu.wait_dma2 semaphore(%arg10 : memref<!tpu.dma_semaphore, #tpu.memory_space<semaphore_mem>>) src(%dma_wait3A_88 : memref<128x128xf32, #tpu.memory_space<hbm>>) dst(%arg8 : memref<128x128xf32, #tpu.memory_space<vmem>>)
      "tpu.region"() ({
        %run_scoped3A = tpu.sem_alloc : memref<!tpu.dma_semaphore, #tpu.memory_space<semaphore_mem>>
        %dma_start3A_114 = arith.constant 0 : i32
        %dma_start3A_115 = tpu.memref_slice %arg7[%add3A_80, %dma_start3A_114] : memref<80x128xi32, #tpu.memory_space<vmem>> -> memref<1x128xi32, #tpu.memory_space<vmem>>
        %dma_start3A_116 = tpu.memref_squeeze %dma_start3A_115 : memref<1x128xi32, #tpu.memory_space<vmem>> -> memref<128xi32, #tpu.memory_space<vmem>>
        %dma_start3A_117 = arith.constant 0 : i32
        %dma_start3A_118 = arith.constant 0 : i32
        %dma_start3A_119 = tpu.memref_slice %arg6[%dma_start3A_117, %dma_start3A_118] : memref<10000x128xf32, #tpu.memory_space<vmem_shared>> -> memref<10000x128xf32, #tpu.memory_space<vmem_shared>>
        tpu.enqueue_indirect_dma source(%arg8 : memref<128x128xf32, #tpu.memory_space<vmem>>) target(%dma_start3A_119 : memref<10000x128xf32, #tpu.memory_space<vmem_shared>>) offsets(%dma_start3A_116 : memref<128xi32, #tpu.memory_space<vmem>>) semaphore(%run_scoped3A : memref<!tpu.dma_semaphore, #tpu.memory_space<semaphore_mem>>) {add = true}
        %dma_wait3A_120 = arith.constant 0 : i32
        %dma_wait3A_121 = tpu.memref_slice %arg7[%add3A_80, %dma_wait3A_120] : memref<80x128xi32, #tpu.memory_space<vmem>> -> memref<1x128xi32, #tpu.memory_space<vmem>>
        %dma_wait3A_122 = tpu.memref_squeeze %dma_wait3A_121 : memref<1x128xi32, #tpu.memory_space<vmem>> -> memref<128xi32, #tpu.memory_space<vmem>>
        %dma_wait3A_123 = arith.constant 0 : i32
        %dma_wait3A_124 = arith.constant 0 : i32
        %dma_wait3A_125 = tpu.memref_slice %arg6[%dma_wait3A_123, %dma_wait3A_124] : memref<10000x128xf32, #tpu.memory_space<vmem_shared>> -> memref<10000x128xf32, #tpu.memory_space<vmem_shared>>
        tpu.wait_indirect_dma semaphore(%run_scoped3A : memref<!tpu.dma_semaphore, #tpu.memory_space<semaphore_mem>>) src(%arg8 : memref<128x128xf32, #tpu.memory_space<vmem>>) dst(%dma_wait3A_125 : memref<10000x128xf32, #tpu.memory_space<vmem_shared>>)
        tpu.yield
      }) : () -> ()
      %add3A_89 = arith.constant 2 : i32
      %add3A_90 = arith.addi %add3A_80, %add3A_89 : i32
      %lt3A_91 = arith.cmpi slt, %add3A_90, %select_n3A : i32
      %convert_element_type3A_92 = arith.extui %lt3A_91 : i1 to i32
      %cond3A_93 = arith.constant 0 : i32
      %cond3A_94 = arith.cmpi ne, %convert_element_type3A_92, %cond3A_93 : i32
      scf.if %cond3A_94 {
        %add3A_114 = arith.constant 2 : i32
        %add3A_115 = arith.addi %add3A_80, %add3A_114 : i32
        %add3A_116 = arith.addi %mul3A_0, %add3A_115 : i32
        %mul3A_117 = arith.constant 128 : i32
        %mul3A_118 = arith.muli %add3A_116, %mul3A_117 : i32
        %dma_start3A_119 = arith.constant 0 : i32
        %dma_start3A_120 = tpu.memref_slice %arg2[%arg0, %mul3A_118, %dma_start3A_119] : memref<2x160000x128xf32, #tpu.memory_space<hbm>> -> memref<1x128x128xf32, #tpu.memory_space<hbm>>
        %dma_start3A_121 = tpu.memref_squeeze %dma_start3A_120 : memref<1x128x128xf32, #tpu.memory_space<hbm>> -> memref<128x128xf32, #tpu.memory_space<hbm>>
        %dma_start3A_122 = arith.constant 0 : i32
        %dma_start3A_123 = tpu.memref_slice %arg2[%arg0, %mul3A_118, %dma_start3A_122] : memref<2x160000x128xf32, #tpu.memory_space<hbm>> -> memref<1x128x128xf32, #tpu.memory_space<hbm>>
        %dma_start3A_124 = tpu.memref_squeeze %dma_start3A_123 : memref<1x128x128xf32, #tpu.memory_space<hbm>> -> memref<128x128xf32, #tpu.memory_space<hbm>>
        tpu.enqueue_dma source(%dma_start3A_124 : memref<128x128xf32, #tpu.memory_space<hbm>>) target(%arg8 : memref<128x128xf32, #tpu.memory_space<vmem>>) target_semaphore(%arg10 : memref<!tpu.dma_semaphore, #tpu.memory_space<semaphore_mem>>)
      } else {
      }
      %add3A_95 = arith.constant 1 : i32
      %add3A_96 = arith.addi %add3A_80, %add3A_95 : i32
      %add3A_97 = arith.addi %mul3A_0, %add3A_96 : i32
      %mul3A_98 = arith.constant 128 : i32
      %mul3A_99 = arith.muli %add3A_97, %mul3A_98 : i32
      %dma_wait3A_100 = arith.constant 0 : i32
      %dma_wait3A_101 = tpu.memref_slice %arg2[%arg0, %mul3A_99, %dma_wait3A_100] : memref<2x160000x128xf32, #tpu.memory_space<hbm>> -> memref<1x128x128xf32, #tpu.memory_space<hbm>>
      %dma_wait3A_102 = tpu.memref_squeeze %dma_wait3A_101 : memref<1x128x128xf32, #tpu.memory_space<hbm>> -> memref<128x128xf32, #tpu.memory_space<hbm>>
      %dma_wait3A_103 = arith.constant 0 : i32
      %dma_wait3A_104 = tpu.memref_slice %arg2[%arg0, %mul3A_99, %dma_wait3A_103] : memref<2x160000x128xf32, #tpu.memory_space<hbm>> -> memref<1x128x128xf32, #tpu.memory_space<hbm>>
      %dma_wait3A_105 = tpu.memref_squeeze %dma_wait3A_104 : memref<1x128x128xf32, #tpu.memory_space<hbm>> -> memref<128x128xf32, #tpu.memory_space<hbm>>
      tpu.wait_dma2 semaphore(%arg11 : memref<!tpu.dma_semaphore, #tpu.memory_space<semaphore_mem>>) src(%dma_wait3A_105 : memref<128x128xf32, #tpu.memory_space<hbm>>) dst(%arg9 : memref<128x128xf32, #tpu.memory_space<vmem>>)
      %add3A_106 = arith.constant 1 : i32
      %add3A_107 = arith.addi %add3A_80, %add3A_106 : i32
      "tpu.region"() ({
        %run_scoped3A = tpu.sem_alloc : memref<!tpu.dma_semaphore, #tpu.memory_space<semaphore_mem>>
        %dma_start3A_114 = arith.constant 0 : i32
        %dma_start3A_115 = tpu.memref_slice %arg7[%add3A_107, %dma_start3A_114] : memref<80x128xi32, #tpu.memory_space<vmem>> -> memref<1x128xi32, #tpu.memory_space<vmem>>
        %dma_start3A_116 = tpu.memref_squeeze %dma_start3A_115 : memref<1x128xi32, #tpu.memory_space<vmem>> -> memref<128xi32, #tpu.memory_space<vmem>>
        %dma_start3A_117 = arith.constant 0 : i32
        %dma_start3A_118 = arith.constant 0 : i32
        %dma_start3A_119 = tpu.memref_slice %arg6[%dma_start3A_117, %dma_start3A_118] : memref<10000x128xf32, #tpu.memory_space<vmem_shared>> -> memref<10000x128xf32, #tpu.memory_space<vmem_shared>>
        tpu.enqueue_indirect_dma source(%arg9 : memref<128x128xf32, #tpu.memory_space<vmem>>) target(%dma_start3A_119 : memref<10000x128xf32, #tpu.memory_space<vmem_shared>>) offsets(%dma_start3A_116 : memref<128xi32, #tpu.memory_space<vmem>>) semaphore(%run_scoped3A : memref<!tpu.dma_semaphore, #tpu.memory_space<semaphore_mem>>) {add = true}
        %dma_wait3A_120 = arith.constant 0 : i32
        %dma_wait3A_121 = tpu.memref_slice %arg7[%add3A_107, %dma_wait3A_120] : memref<80x128xi32, #tpu.memory_space<vmem>> -> memref<1x128xi32, #tpu.memory_space<vmem>>
        %dma_wait3A_122 = tpu.memref_squeeze %dma_wait3A_121 : memref<1x128xi32, #tpu.memory_space<vmem>> -> memref<128xi32, #tpu.memory_space<vmem>>
        %dma_wait3A_123 = arith.constant 0 : i32
        %dma_wait3A_124 = arith.constant 0 : i32
        %dma_wait3A_125 = tpu.memref_slice %arg6[%dma_wait3A_123, %dma_wait3A_124] : memref<10000x128xf32, #tpu.memory_space<vmem_shared>> -> memref<10000x128xf32, #tpu.memory_space<vmem_shared>>
        tpu.wait_indirect_dma semaphore(%run_scoped3A : memref<!tpu.dma_semaphore, #tpu.memory_space<semaphore_mem>>) src(%arg9 : memref<128x128xf32, #tpu.memory_space<vmem>>) dst(%dma_wait3A_125 : memref<10000x128xf32, #tpu.memory_space<vmem_shared>>)
        tpu.yield
      }) : () -> ()
      %add3A_108 = arith.constant 3 : i32
      %add3A_109 = arith.addi %add3A_80, %add3A_108 : i32
      %lt3A_110 = arith.cmpi slt, %add3A_109, %select_n3A : i32
      %convert_element_type3A_111 = arith.extui %lt3A_110 : i1 to i32
      %cond3A_112 = arith.constant 0 : i32
      %cond3A_113 = arith.cmpi ne, %convert_element_type3A_111, %cond3A_112 : i32
      scf.if %cond3A_113 {
        %add3A_114 = arith.constant 3 : i32
        %add3A_115 = arith.addi %add3A_80, %add3A_114 : i32
        %add3A_116 = arith.addi %mul3A_0, %add3A_115 : i32
        %mul3A_117 = arith.constant 128 : i32
        %mul3A_118 = arith.muli %add3A_116, %mul3A_117 : i32
        %dma_start3A_119 = arith.constant 0 : i32
        %dma_start3A_120 = tpu.memref_slice %arg2[%arg0, %mul3A_118, %dma_start3A_119] : memref<2x160000x128xf32, #tpu.memory_space<hbm>> -> memref<1x128x128xf32, #tpu.memory_space<hbm>>
        %dma_start3A_121 = tpu.memref_squeeze %dma_start3A_120 : memref<1x128x128xf32, #tpu.memory_space<hbm>> -> memref<128x128xf32, #tpu.memory_space<hbm>>
        %dma_start3A_122 = arith.constant 0 : i32
        %dma_start3A_123 = tpu.memref_slice %arg2[%arg0, %mul3A_118, %dma_start3A_122] : memref<2x160000x128xf32, #tpu.memory_space<hbm>> -> memref<1x128x128xf32, #tpu.memory_space<hbm>>
        %dma_start3A_124 = tpu.memref_squeeze %dma_start3A_123 : memref<1x128x128xf32, #tpu.memory_space<hbm>> -> memref<128x128xf32, #tpu.memory_space<hbm>>
        tpu.enqueue_dma source(%dma_start3A_124 : memref<128x128xf32, #tpu.memory_space<hbm>>) target(%arg9 : memref<128x128xf32, #tpu.memory_space<vmem>>) target_semaphore(%arg11 : memref<!tpu.dma_semaphore, #tpu.memory_space<semaphore_mem>>)
      } else {
      }
    }
    %barrier3A_44 = arith.constant 0 : index
    tpu.barrier barrier_id(%barrier3A_44)
    %dma_start3A_45 = arith.constant 0 : i32
    %dma_start3A_46 = arith.constant 0 : i32
    %dma_start3A_47 = tpu.memref_slice %arg7[%dma_start3A_45, %dma_start3A_46] : memref<80x128xi32, #tpu.memory_space<vmem>> -> memref<1x128xi32, #tpu.memory_space<vmem>>
    %dma_start3A_48 = tpu.memref_squeeze %dma_start3A_47 : memref<1x128xi32, #tpu.memory_space<vmem>> -> memref<128xi32, #tpu.memory_space<vmem>>
    %dma_start3A_49 = arith.constant 0 : i32
    %dma_start3A_50 = arith.constant 0 : i32
    %dma_start3A_51 = tpu.memref_slice %arg6[%dma_start3A_49, %dma_start3A_50] : memref<10000x128xf32, #tpu.memory_space<vmem_shared>> -> memref<10000x128xf32, #tpu.memory_space<vmem_shared>>
    tpu.enqueue_indirect_dma source(%dma_start3A_51 : memref<10000x128xf32, #tpu.memory_space<vmem_shared>>) target(%arg8 : memref<128x128xf32, #tpu.memory_space<vmem>>) offsets(%dma_start3A_48 : memref<128xi32, #tpu.memory_space<vmem>>) semaphore(%arg10 : memref<!tpu.dma_semaphore, #tpu.memory_space<semaphore_mem>>)
    %dma_start3A_52 = arith.constant 1 : i32
    %dma_start3A_53 = arith.constant 0 : i32
    %dma_start3A_54 = tpu.memref_slice %arg7[%dma_start3A_52, %dma_start3A_53] : memref<80x128xi32, #tpu.memory_space<vmem>> -> memref<1x128xi32, #tpu.memory_space<vmem>>
    %dma_start3A_55 = tpu.memref_squeeze %dma_start3A_54 : memref<1x128xi32, #tpu.memory_space<vmem>> -> memref<128xi32, #tpu.memory_space<vmem>>
    %dma_start3A_56 = arith.constant 0 : i32
    %dma_start3A_57 = arith.constant 0 : i32
    %dma_start3A_58 = tpu.memref_slice %arg6[%dma_start3A_56, %dma_start3A_57] : memref<10000x128xf32, #tpu.memory_space<vmem_shared>> -> memref<10000x128xf32, #tpu.memory_space<vmem_shared>>
    tpu.enqueue_indirect_dma source(%dma_start3A_58 : memref<10000x128xf32, #tpu.memory_space<vmem_shared>>) target(%arg9 : memref<128x128xf32, #tpu.memory_space<vmem>>) offsets(%dma_start3A_55 : memref<128xi32, #tpu.memory_space<vmem>>) semaphore(%arg11 : memref<!tpu.dma_semaphore, #tpu.memory_space<semaphore_mem>>)
    %sub3A_59 = arith.constant 0 : i32
    %sub3A_60 = arith.subi %select_n3A, %sub3A_59 : i32
    %sub3A_61 = arith.constant 2 : i32
    %sub3A_62 = arith.constant 1 : i32
    %sub3A_63 = arith.subi %sub3A_61, %sub3A_62 : i32
    %add3A_64 = arith.addi %sub3A_60, %sub3A_63 : i32
    %div3A_65 = arith.constant 2 : i32
    %div3A_66 = arith.divsi %add3A_64, %div3A_65 : i32
    %while3A_67 = arith.constant 2 : i32
    %while3A_68 = arith.constant 0 : i32
    %while3A_69 = arith.constant 0 : i32
    %while3A_70 = arith.subi %div3A_66, %while3A_69 : i32
    %while3A_71 = arith.addi %while3A_69, %while3A_70 : i32
    %while3A_72 = arith.constant 1 : i32
    %while3A_73 = arith.divsi %while3A_70, %while3A_72 : i32
    %while3A_74 = arith.muli %while3A_73, %while3A_72 : i32
    %while3A_75 = arith.addi %while3A_69, %while3A_74 : i32
    %while3A_76 = arith.constant 1 : i32
    scf.for %while3A_78 = %while3A_69 to %while3A_75 step %while3A_76  : i32 {
      %mul3A_79 = arith.muli %while3A_78, %while3A_67 : i32
      %add3A_80 = arith.addi %while3A_68, %mul3A_79 : i32
      %dma_wait3A = arith.constant 0 : i32
      %dma_wait3A_81 = tpu.memref_slice %arg7[%add3A_80, %dma_wait3A] : memref<80x128xi32, #tpu.memory_space<vmem>> -> memref<1x128xi32, #tpu.memory_space<vmem>>
      %dma_wait3A_82 = tpu.memref_squeeze %dma_wait3A_81 : memref<1x128xi32, #tpu.memory_space<vmem>> -> memref<128xi32, #tpu.memory_space<vmem>>
      %dma_wait3A_83 = arith.constant 0 : i32
      %dma_wait3A_84 = arith.constant 0 : i32
      %dma_wait3A_85 = tpu.memref_slice %arg6[%dma_wait3A_83, %dma_wait3A_84] : memref<10000x128xf32, #tpu.memory_space<vmem_shared>> -> memref<10000x128xf32, #tpu.memory_space<vmem_shared>>
      tpu.wait_indirect_dma semaphore(%arg10 : memref<!tpu.dma_semaphore, #tpu.memory_space<semaphore_mem>>) src(%dma_wait3A_85 : memref<10000x128xf32, #tpu.memory_space<vmem_shared>>) dst(%arg8 : memref<128x128xf32, #tpu.memory_space<vmem>>)
      %add3A_86 = arith.addi %mul3A_0, %add3A_80 : i32
      %mul3A_87 = arith.constant 128 : i32
      %mul3A_88 = arith.muli %add3A_86, %mul3A_87 : i32
      "tpu.region"() ({
        %run_scoped3A = tpu.sem_alloc : memref<!tpu.dma_semaphore, #tpu.memory_space<semaphore_mem>>
        %dma_start3A_114 = arith.constant 0 : i32
        %dma_start3A_115 = tpu.memref_slice %arg5[%arg0, %mul3A_88, %dma_start3A_114] : memref<2x160000x128xf32, #tpu.memory_space<hbm>> -> memref<1x128x128xf32, #tpu.memory_space<hbm>>
        %dma_start3A_116 = tpu.memref_squeeze %dma_start3A_115 : memref<1x128x128xf32, #tpu.memory_space<hbm>> -> memref<128x128xf32, #tpu.memory_space<hbm>>
        %dma_start3A_117 = arith.constant 0 : i32
        %dma_start3A_118 = tpu.memref_slice %arg5[%arg0, %mul3A_88, %dma_start3A_117] : memref<2x160000x128xf32, #tpu.memory_space<hbm>> -> memref<1x128x128xf32, #tpu.memory_space<hbm>>
        %dma_start3A_119 = tpu.memref_squeeze %dma_start3A_118 : memref<1x128x128xf32, #tpu.memory_space<hbm>> -> memref<128x128xf32, #tpu.memory_space<hbm>>
        tpu.enqueue_dma source(%arg8 : memref<128x128xf32, #tpu.memory_space<vmem>>) target(%dma_start3A_119 : memref<128x128xf32, #tpu.memory_space<hbm>>) target_semaphore(%run_scoped3A : memref<!tpu.dma_semaphore, #tpu.memory_space<semaphore_mem>>)
        %dma_wait3A_120 = arith.constant 0 : i32
        %dma_wait3A_121 = tpu.memref_slice %arg5[%arg0, %mul3A_88, %dma_wait3A_120] : memref<2x160000x128xf32, #tpu.memory_space<hbm>> -> memref<1x128x128xf32, #tpu.memory_space<hbm>>
        %dma_wait3A_122 = tpu.memref_squeeze %dma_wait3A_121 : memref<1x128x128xf32, #tpu.memory_space<hbm>> -> memref<128x128xf32, #tpu.memory_space<hbm>>
        %dma_wait3A_123 = arith.constant 0 : i32
        %dma_wait3A_124 = tpu.memref_slice %arg5[%arg0, %mul3A_88, %dma_wait3A_123] : memref<2x160000x128xf32, #tpu.memory_space<hbm>> -> memref<1x128x128xf32, #tpu.memory_space<hbm>>
        %dma_wait3A_125 = tpu.memref_squeeze %dma_wait3A_124 : memref<1x128x128xf32, #tpu.memory_space<hbm>> -> memref<128x128xf32, #tpu.memory_space<hbm>>
        tpu.wait_dma2 semaphore(%run_scoped3A : memref<!tpu.dma_semaphore, #tpu.memory_space<semaphore_mem>>) src(%arg8 : memref<128x128xf32, #tpu.memory_space<vmem>>) dst(%dma_wait3A_125 : memref<128x128xf32, #tpu.memory_space<hbm>>)
        tpu.yield
      }) : () -> ()
      %add3A_89 = arith.constant 2 : i32
      %add3A_90 = arith.addi %add3A_80, %add3A_89 : i32
      %lt3A_91 = arith.cmpi slt, %add3A_90, %select_n3A : i32
      %convert_element_type3A_92 = arith.extui %lt3A_91 : i1 to i32
      %cond3A_93 = arith.constant 0 : i32
      %cond3A_94 = arith.cmpi ne, %convert_element_type3A_92, %cond3A_93 : i32
      scf.if %cond3A_94 {
        %add3A_114 = arith.constant 2 : i32
        %add3A_115 = arith.addi %add3A_80, %add3A_114 : i32
        %dma_start3A_116 = arith.constant 0 : i32
        %dma_start3A_117 = tpu.memref_slice %arg7[%add3A_115, %dma_start3A_116] : memref<80x128xi32, #tpu.memory_space<vmem>> -> memref<1x128xi32, #tpu.memory_space<vmem>>
        %dma_start3A_118 = tpu.memref_squeeze %dma_start3A_117 : memref<1x128xi32, #tpu.memory_space<vmem>> -> memref<128xi32, #tpu.memory_space<vmem>>
        %dma_start3A_119 = arith.constant 0 : i32
        %dma_start3A_120 = arith.constant 0 : i32
        %dma_start3A_121 = tpu.memref_slice %arg6[%dma_start3A_119, %dma_start3A_120] : memref<10000x128xf32, #tpu.memory_space<vmem_shared>> -> memref<10000x128xf32, #tpu.memory_space<vmem_shared>>
        tpu.enqueue_indirect_dma source(%dma_start3A_121 : memref<10000x128xf32, #tpu.memory_space<vmem_shared>>) target(%arg8 : memref<128x128xf32, #tpu.memory_space<vmem>>) offsets(%dma_start3A_118 : memref<128xi32, #tpu.memory_space<vmem>>) semaphore(%arg10 : memref<!tpu.dma_semaphore, #tpu.memory_space<semaphore_mem>>)
      } else {
      }
      %add3A_95 = arith.constant 1 : i32
      %add3A_96 = arith.addi %add3A_80, %add3A_95 : i32
      %dma_wait3A_97 = arith.constant 0 : i32
      %dma_wait3A_98 = tpu.memref_slice %arg7[%add3A_96, %dma_wait3A_97] : memref<80x128xi32, #tpu.memory_space<vmem>> -> memref<1x128xi32, #tpu.memory_space<vmem>>
      %dma_wait3A_99 = tpu.memref_squeeze %dma_wait3A_98 : memref<1x128xi32, #tpu.memory_space<vmem>> -> memref<128xi32, #tpu.memory_space<vmem>>
      %dma_wait3A_100 = arith.constant 0 : i32
      %dma_wait3A_101 = arith.constant 0 : i32
      %dma_wait3A_102 = tpu.memref_slice %arg6[%dma_wait3A_100, %dma_wait3A_101] : memref<10000x128xf32, #tpu.memory_space<vmem_shared>> -> memref<10000x128xf32, #tpu.memory_space<vmem_shared>>
      tpu.wait_indirect_dma semaphore(%arg11 : memref<!tpu.dma_semaphore, #tpu.memory_space<semaphore_mem>>) src(%dma_wait3A_102 : memref<10000x128xf32, #tpu.memory_space<vmem_shared>>) dst(%arg9 : memref<128x128xf32, #tpu.memory_space<vmem>>)
      %add3A_103 = arith.constant 1 : i32
      %add3A_104 = arith.addi %add3A_80, %add3A_103 : i32
      %add3A_105 = arith.addi %mul3A_0, %add3A_104 : i32
      %mul3A_106 = arith.constant 128 : i32
      %mul3A_107 = arith.muli %add3A_105, %mul3A_106 : i32
      "tpu.region"() ({
        %run_scoped3A = tpu.sem_alloc : memref<!tpu.dma_semaphore, #tpu.memory_space<semaphore_mem>>
        %dma_start3A_114 = arith.constant 0 : i32
        %dma_start3A_115 = tpu.memref_slice %arg5[%arg0, %mul3A_107, %dma_start3A_114] : memref<2x160000x128xf32, #tpu.memory_space<hbm>> -> memref<1x128x128xf32, #tpu.memory_space<hbm>>
        %dma_start3A_116 = tpu.memref_squeeze %dma_start3A_115 : memref<1x128x128xf32, #tpu.memory_space<hbm>> -> memref<128x128xf32, #tpu.memory_space<hbm>>
        %dma_start3A_117 = arith.constant 0 : i32
        %dma_start3A_118 = tpu.memref_slice %arg5[%arg0, %mul3A_107, %dma_start3A_117] : memref<2x160000x128xf32, #tpu.memory_space<hbm>> -> memref<1x128x128xf32, #tpu.memory_space<hbm>>
        %dma_start3A_119 = tpu.memref_squeeze %dma_start3A_118 : memref<1x128x128xf32, #tpu.memory_space<hbm>> -> memref<128x128xf32, #tpu.memory_space<hbm>>
        tpu.enqueue_dma source(%arg9 : memref<128x128xf32, #tpu.memory_space<vmem>>) target(%dma_start3A_119 : memref<128x128xf32, #tpu.memory_space<hbm>>) target_semaphore(%run_scoped3A : memref<!tpu.dma_semaphore, #tpu.memory_space<semaphore_mem>>)
        %dma_wait3A_120 = arith.constant 0 : i32
        %dma_wait3A_121 = tpu.memref_slice %arg5[%arg0, %mul3A_107, %dma_wait3A_120] : memref<2x160000x128xf32, #tpu.memory_space<hbm>> -> memref<1x128x128xf32, #tpu.memory_space<hbm>>
        %dma_wait3A_122 = tpu.memref_squeeze %dma_wait3A_121 : memref<1x128x128xf32, #tpu.memory_space<hbm>> -> memref<128x128xf32, #tpu.memory_space<hbm>>
        %dma_wait3A_123 = arith.constant 0 : i32
        %dma_wait3A_124 = tpu.memref_slice %arg5[%arg0, %mul3A_107, %dma_wait3A_123] : memref<2x160000x128xf32, #tpu.memory_space<hbm>> -> memref<1x128x128xf32, #tpu.memory_space<hbm>>
        %dma_wait3A_125 = tpu.memref_squeeze %dma_wait3A_124 : memref<1x128x128xf32, #tpu.memory_space<hbm>> -> memref<128x128xf32, #tpu.memory_space<hbm>>
        tpu.wait_dma2 semaphore(%run_scoped3A : memref<!tpu.dma_semaphore, #tpu.memory_space<semaphore_mem>>) src(%arg9 : memref<128x128xf32, #tpu.memory_space<vmem>>) dst(%dma_wait3A_125 : memref<128x128xf32, #tpu.memory_space<hbm>>)
        tpu.yield
      }) : () -> ()
      %add3A_108 = arith.constant 3 : i32
      %add3A_109 = arith.addi %add3A_80, %add3A_108 : i32
      %lt3A_110 = arith.cmpi slt, %add3A_109, %select_n3A : i32
      %convert_element_type3A_111 = arith.extui %lt3A_110 : i1 to i32
      %cond3A_112 = arith.constant 0 : i32
      %cond3A_113 = arith.cmpi ne, %convert_element_type3A_111, %cond3A_112 : i32
      scf.if %cond3A_113 {
        %add3A_114 = arith.constant 3 : i32
        %add3A_115 = arith.addi %add3A_80, %add3A_114 : i32
        %dma_start3A_116 = arith.constant 0 : i32
        %dma_start3A_117 = tpu.memref_slice %arg7[%add3A_115, %dma_start3A_116] : memref<80x128xi32, #tpu.memory_space<vmem>> -> memref<1x128xi32, #tpu.memory_space<vmem>>
        %dma_start3A_118 = tpu.memref_squeeze %dma_start3A_117 : memref<1x128xi32, #tpu.memory_space<vmem>> -> memref<128xi32, #tpu.memory_space<vmem>>
        %dma_start3A_119 = arith.constant 0 : i32
        %dma_start3A_120 = arith.constant 0 : i32
        %dma_start3A_121 = tpu.memref_slice %arg6[%dma_start3A_119, %dma_start3A_120] : memref<10000x128xf32, #tpu.memory_space<vmem_shared>> -> memref<10000x128xf32, #tpu.memory_space<vmem_shared>>
        tpu.enqueue_indirect_dma source(%dma_start3A_121 : memref<10000x128xf32, #tpu.memory_space<vmem_shared>>) target(%arg9 : memref<128x128xf32, #tpu.memory_space<vmem>>) offsets(%dma_start3A_118 : memref<128xi32, #tpu.memory_space<vmem>>) semaphore(%arg11 : memref<!tpu.dma_semaphore, #tpu.memory_space<semaphore_mem>>)
      } else {
      }
    }
    %while3A_77 = arith.constant 1 : i32
    scf.for %while3A_78 = %while3A_75 to %while3A_71 step %while3A_77  : i32 {
      %mul3A_79 = arith.muli %while3A_78, %while3A_67 : i32
      %add3A_80 = arith.addi %while3A_68, %mul3A_79 : i32
      %dma_wait3A = arith.constant 0 : i32
      %dma_wait3A_81 = tpu.memref_slice %arg7[%add3A_80, %dma_wait3A] : memref<80x128xi32, #tpu.memory_space<vmem>> -> memref<1x128xi32, #tpu.memory_space<vmem>>
      %dma_wait3A_82 = tpu.memref_squeeze %dma_wait3A_81 : memref<1x128xi32, #tpu.memory_space<vmem>> -> memref<128xi32, #tpu.memory_space<vmem>>
      %dma_wait3A_83 = arith.constant 0 : i32
      %dma_wait3A_84 = arith.constant 0 : i32
      %dma_wait3A_85 = tpu.memref_slice %arg6[%dma_wait3A_83, %dma_wait3A_84] : memref<10000x128xf32, #tpu.memory_space<vmem_shared>> -> memref<10000x128xf32, #tpu.memory_space<vmem_shared>>
      tpu.wait_indirect_dma semaphore(%arg10 : memref<!tpu.dma_semaphore, #tpu.memory_space<semaphore_mem>>) src(%dma_wait3A_85 : memref<10000x128xf32, #tpu.memory_space<vmem_shared>>) dst(%arg8 : memref<128x128xf32, #tpu.memory_space<vmem>>)
      %add3A_86 = arith.addi %mul3A_0, %add3A_80 : i32
      %mul3A_87 = arith.constant 128 : i32
      %mul3A_88 = arith.muli %add3A_86, %mul3A_87 : i32
      "tpu.region"() ({
        %run_scoped3A = tpu.sem_alloc : memref<!tpu.dma_semaphore, #tpu.memory_space<semaphore_mem>>
        %dma_start3A_114 = arith.constant 0 : i32
        %dma_start3A_115 = tpu.memref_slice %arg5[%arg0, %mul3A_88, %dma_start3A_114] : memref<2x160000x128xf32, #tpu.memory_space<hbm>> -> memref<1x128x128xf32, #tpu.memory_space<hbm>>
        %dma_start3A_116 = tpu.memref_squeeze %dma_start3A_115 : memref<1x128x128xf32, #tpu.memory_space<hbm>> -> memref<128x128xf32, #tpu.memory_space<hbm>>
        %dma_start3A_117 = arith.constant 0 : i32
        %dma_start3A_118 = tpu.memref_slice %arg5[%arg0, %mul3A_88, %dma_start3A_117] : memref<2x160000x128xf32, #tpu.memory_space<hbm>> -> memref<1x128x128xf32, #tpu.memory_space<hbm>>
        %dma_start3A_119 = tpu.memref_squeeze %dma_start3A_118 : memref<1x128x128xf32, #tpu.memory_space<hbm>> -> memref<128x128xf32, #tpu.memory_space<hbm>>
        tpu.enqueue_dma source(%arg8 : memref<128x128xf32, #tpu.memory_space<vmem>>) target(%dma_start3A_119 : memref<128x128xf32, #tpu.memory_space<hbm>>) target_semaphore(%run_scoped3A : memref<!tpu.dma_semaphore, #tpu.memory_space<semaphore_mem>>)
        %dma_wait3A_120 = arith.constant 0 : i32
        %dma_wait3A_121 = tpu.memref_slice %arg5[%arg0, %mul3A_88, %dma_wait3A_120] : memref<2x160000x128xf32, #tpu.memory_space<hbm>> -> memref<1x128x128xf32, #tpu.memory_space<hbm>>
        %dma_wait3A_122 = tpu.memref_squeeze %dma_wait3A_121 : memref<1x128x128xf32, #tpu.memory_space<hbm>> -> memref<128x128xf32, #tpu.memory_space<hbm>>
        %dma_wait3A_123 = arith.constant 0 : i32
        %dma_wait3A_124 = tpu.memref_slice %arg5[%arg0, %mul3A_88, %dma_wait3A_123] : memref<2x160000x128xf32, #tpu.memory_space<hbm>> -> memref<1x128x128xf32, #tpu.memory_space<hbm>>
        %dma_wait3A_125 = tpu.memref_squeeze %dma_wait3A_124 : memref<1x128x128xf32, #tpu.memory_space<hbm>> -> memref<128x128xf32, #tpu.memory_space<hbm>>
        tpu.wait_dma2 semaphore(%run_scoped3A : memref<!tpu.dma_semaphore, #tpu.memory_space<semaphore_mem>>) src(%arg8 : memref<128x128xf32, #tpu.memory_space<vmem>>) dst(%dma_wait3A_125 : memref<128x128xf32, #tpu.memory_space<hbm>>)
        tpu.yield
      }) : () -> ()
      %add3A_89 = arith.constant 2 : i32
      %add3A_90 = arith.addi %add3A_80, %add3A_89 : i32
      %lt3A_91 = arith.cmpi slt, %add3A_90, %select_n3A : i32
      %convert_element_type3A_92 = arith.extui %lt3A_91 : i1 to i32
      %cond3A_93 = arith.constant 0 : i32
      %cond3A_94 = arith.cmpi ne, %convert_element_type3A_92, %cond3A_93 : i32
      scf.if %cond3A_94 {
        %add3A_114 = arith.constant 2 : i32
        %add3A_115 = arith.addi %add3A_80, %add3A_114 : i32
        %dma_start3A_116 = arith.constant 0 : i32
        %dma_start3A_117 = tpu.memref_slice %arg7[%add3A_115, %dma_start3A_116] : memref<80x128xi32, #tpu.memory_space<vmem>> -> memref<1x128xi32, #tpu.memory_space<vmem>>
        %dma_start3A_118 = tpu.memref_squeeze %dma_start3A_117 : memref<1x128xi32, #tpu.memory_space<vmem>> -> memref<128xi32, #tpu.memory_space<vmem>>
        %dma_start3A_119 = arith.constant 0 : i32
        %dma_start3A_120 = arith.constant 0 : i32
        %dma_start3A_121 = tpu.memref_slice %arg6[%dma_start3A_119, %dma_start3A_120] : memref<10000x128xf32, #tpu.memory_space<vmem_shared>> -> memref<10000x128xf32, #tpu.memory_space<vmem_shared>>
        tpu.enqueue_indirect_dma source(%dma_start3A_121 : memref<10000x128xf32, #tpu.memory_space<vmem_shared>>) target(%arg8 : memref<128x128xf32, #tpu.memory_space<vmem>>) offsets(%dma_start3A_118 : memref<128xi32, #tpu.memory_space<vmem>>) semaphore(%arg10 : memref<!tpu.dma_semaphore, #tpu.memory_space<semaphore_mem>>)
      } else {
      }
      %add3A_95 = arith.constant 1 : i32
      %add3A_96 = arith.addi %add3A_80, %add3A_95 : i32
      %dma_wait3A_97 = arith.constant 0 : i32
      %dma_wait3A_98 = tpu.memref_slice %arg7[%add3A_96, %dma_wait3A_97] : memref<80x128xi32, #tpu.memory_space<vmem>> -> memref<1x128xi32, #tpu.memory_space<vmem>>
      %dma_wait3A_99 = tpu.memref_squeeze %dma_wait3A_98 : memref<1x128xi32, #tpu.memory_space<vmem>> -> memref<128xi32, #tpu.memory_space<vmem>>
      %dma_wait3A_100 = arith.constant 0 : i32
      %dma_wait3A_101 = arith.constant 0 : i32
      %dma_wait3A_102 = tpu.memref_slice %arg6[%dma_wait3A_100, %dma_wait3A_101] : memref<10000x128xf32, #tpu.memory_space<vmem_shared>> -> memref<10000x128xf32, #tpu.memory_space<vmem_shared>>
      tpu.wait_indirect_dma semaphore(%arg11 : memref<!tpu.dma_semaphore, #tpu.memory_space<semaphore_mem>>) src(%dma_wait3A_102 : memref<10000x128xf32, #tpu.memory_space<vmem_shared>>) dst(%arg9 : memref<128x128xf32, #tpu.memory_space<vmem>>)
      %add3A_103 = arith.constant 1 : i32
      %add3A_104 = arith.addi %add3A_80, %add3A_103 : i32
      %add3A_105 = arith.addi %mul3A_0, %add3A_104 : i32
      %mul3A_106 = arith.constant 128 : i32
      %mul3A_107 = arith.muli %add3A_105, %mul3A_106 : i32
      "tpu.region"() ({
        %run_scoped3A = tpu.sem_alloc : memref<!tpu.dma_semaphore, #tpu.memory_space<semaphore_mem>>
        %dma_start3A_114 = arith.constant 0 : i32
        %dma_start3A_115 = tpu.memref_slice %arg5[%arg0, %mul3A_107, %dma_start3A_114] : memref<2x160000x128xf32, #tpu.memory_space<hbm>> -> memref<1x128x128xf32, #tpu.memory_space<hbm>>
        %dma_start3A_116 = tpu.memref_squeeze %dma_start3A_115 : memref<1x128x128xf32, #tpu.memory_space<hbm>> -> memref<128x128xf32, #tpu.memory_space<hbm>>
        %dma_start3A_117 = arith.constant 0 : i32
        %dma_start3A_118 = tpu.memref_slice %arg5[%arg0, %mul3A_107, %dma_start3A_117] : memref<2x160000x128xf32, #tpu.memory_space<hbm>> -> memref<1x128x128xf32, #tpu.memory_space<hbm>>
        %dma_start3A_119 = tpu.memref_squeeze %dma_start3A_118 : memref<1x128x128xf32, #tpu.memory_space<hbm>> -> memref<128x128xf32, #tpu.memory_space<hbm>>
        tpu.enqueue_dma source(%arg9 : memref<128x128xf32, #tpu.memory_space<vmem>>) target(%dma_start3A_119 : memref<128x128xf32, #tpu.memory_space<hbm>>) target_semaphore(%run_scoped3A : memref<!tpu.dma_semaphore, #tpu.memory_space<semaphore_mem>>)
        %dma_wait3A_120 = arith.constant 0 : i32
        %dma_wait3A_121 = tpu.memref_slice %arg5[%arg0, %mul3A_107, %dma_wait3A_120] : memref<2x160000x128xf32, #tpu.memory_space<hbm>> -> memref<1x128x128xf32, #tpu.memory_space<hbm>>
        %dma_wait3A_122 = tpu.memref_squeeze %dma_wait3A_121 : memref<1x128x128xf32, #tpu.memory_space<hbm>> -> memref<128x128xf32, #tpu.memory_space<hbm>>
        %dma_wait3A_123 = arith.constant 0 : i32
        %dma_wait3A_124 = tpu.memref_slice %arg5[%arg0, %mul3A_107, %dma_wait3A_123] : memref<2x160000x128xf32, #tpu.memory_space<hbm>> -> memref<1x128x128xf32, #tpu.memory_space<hbm>>
        %dma_wait3A_125 = tpu.memref_squeeze %dma_wait3A_124 : memref<1x128x128xf32, #tpu.memory_space<hbm>> -> memref<128x128xf32, #tpu.memory_space<hbm>>
        tpu.wait_dma2 semaphore(%run_scoped3A : memref<!tpu.dma_semaphore, #tpu.memory_space<semaphore_mem>>) src(%arg9 : memref<128x128xf32, #tpu.memory_space<vmem>>) dst(%dma_wait3A_125 : memref<128x128xf32, #tpu.memory_space<hbm>>)
        tpu.yield
      }) : () -> ()
      %add3A_108 = arith.constant 3 : i32
      %add3A_109 = arith.addi %add3A_80, %add3A_108 : i32
      %lt3A_110 = arith.cmpi slt, %add3A_109, %select_n3A : i32
      %convert_element_type3A_111 = arith.extui %lt3A_110 : i1 to i32
      %cond3A_112 = arith.constant 0 : i32
      %cond3A_113 = arith.cmpi ne, %convert_element_type3A_111, %cond3A_112 : i32
      scf.if %cond3A_113 {
        %add3A_114 = arith.constant 3 : i32
        %add3A_115 = arith.addi %add3A_80, %add3A_114 : i32
        %dma_start3A_116 = arith.constant 0 : i32
        %dma_start3A_117 = tpu.memref_slice %arg7[%add3A_115, %dma_start3A_116] : memref<80x128xi32, #tpu.memory_space<vmem>> -> memref<1x128xi32, #tpu.memory_space<vmem>>
        %dma_start3A_118 = tpu.memref_squeeze %dma_start3A_117 : memref<1x128xi32, #tpu.memory_space<vmem>> -> memref<128xi32, #tpu.memory_space<vmem>>
        %dma_start3A_119 = arith.constant 0 : i32
        %dma_start3A_120 = arith.constant 0 : i32
        %dma_start3A_121 = tpu.memref_slice %arg6[%dma_start3A_119, %dma_start3A_120] : memref<10000x128xf32, #tpu.memory_space<vmem_shared>> -> memref<10000x128xf32, #tpu.memory_space<vmem_shared>>
        tpu.enqueue_indirect_dma source(%dma_start3A_121 : memref<10000x128xf32, #tpu.memory_space<vmem_shared>>) target(%arg9 : memref<128x128xf32, #tpu.memory_space<vmem>>) offsets(%dma_start3A_118 : memref<128xi32, #tpu.memory_space<vmem>>) semaphore(%arg11 : memref<!tpu.dma_semaphore, #tpu.memory_space<semaphore_mem>>)
      } else {
      }
    }
    return
  }
}

module attributes {stable_mosaic.version = 14 : i64} {
  func.func @_geom_kernel(%arg0: i32, %arg1: memref<3x1250x128xf32, #tpu.memory_space<vmem>>, %arg2: memref<25x1250x128xf32, #tpu.memory_space<vmem>>) attributes {dimension_semantics = [#tpu.dimension_semantics<arbitrary>], iteration_bounds = array<i64: 1>, scalar_prefetch = 0 : i64, scratch_operands = 0 : i64, tpu.core_type = #tpu.core_type<tc>, window_params = [{pipeline_mode = #tpu.pipeline_mode<synchronous>, transform_indices = @transform_0, window_bounds = array<i64: 3, 1250, 128>}, {pipeline_mode = #tpu.pipeline_mode<synchronous>, transform_indices = @transform_1, window_bounds = array<i64: 25, 1250, 128>}]} {
    %get3A = arith.constant 0 : index
    %get3A_0 = arith.constant 0 : index
    %get3A_1 = arith.constant 0 : index
    %get3A_2 = vector.load %arg1[%get3A, %get3A_0, %get3A_1] : memref<3x1250x128xf32, #tpu.memory_space<vmem>>, vector<1x1250x128xf32>
    %get3A_3 = vector.shape_cast %get3A_2 : vector<1x1250x128xf32> to vector<1250x128xf32>
    %get3A_4 = arith.constant 1 : index
    %get3A_5 = arith.constant 0 : index
    %get3A_6 = arith.constant 0 : index
    %get3A_7 = vector.load %arg1[%get3A_4, %get3A_5, %get3A_6] : memref<3x1250x128xf32, #tpu.memory_space<vmem>>, vector<1x1250x128xf32>
    %get3A_8 = vector.shape_cast %get3A_7 : vector<1x1250x128xf32> to vector<1250x128xf32>
    %get3A_9 = arith.constant 2 : index
    %get3A_10 = arith.constant 0 : index
    %get3A_11 = arith.constant 0 : index
    %get3A_12 = vector.load %arg1[%get3A_9, %get3A_10, %get3A_11] : memref<3x1250x128xf32, #tpu.memory_space<vmem>>, vector<1x1250x128xf32>
    %get3A_13 = vector.shape_cast %get3A_12 : vector<1x1250x128xf32> to vector<1250x128xf32>
    %mul3A = arith.mulf %get3A_3, %get3A_3 : vector<1250x128xf32>
    %mul3A_14 = arith.mulf %get3A_8, %get3A_8 : vector<1250x128xf32>
    %add3A = arith.addf %mul3A, %mul3A_14 : vector<1250x128xf32>
    %mul3A_15 = arith.mulf %get3A_13, %get3A_13 : vector<1250x128xf32>
    %add3A_16 = arith.addf %add3A, %mul3A_15 : vector<1250x128xf32>
    %sqrt3A = math.sqrt %add3A_16 : vector<1250x128xf32>
    %div3A = arith.constant 1.000000e+00 : f32
    %div3A_17 = vector.broadcast %div3A : f32 to vector<1250x128xf32>
    %div3A_18 = arith.divf %sqrt3A, %div3A_17 : vector<1250x128xf32>
    %jit3A = arith.constant 9.99999997E-7 : f32
    %jit3A_19 = arith.constant 1.000000e+00 : f32
    %max3A = vector.broadcast %jit3A : f32 to vector<1250x128xf32>
    %max3A_20 = arith.maximumf %max3A, %div3A_18 : vector<1250x128xf32>
    %min3A = vector.broadcast %jit3A_19 : f32 to vector<1250x128xf32>
    %min3A_21 = arith.minimumf %min3A, %max3A_20 : vector<1250x128xf32>
    %sqrt3A_22 = arith.constant 2.000000e+00 : f32
    %sqrt3A_23 = math.sqrt %sqrt3A_22 : f32
    %div3A_24 = vector.broadcast %sqrt3A_23 : f32 to vector<1250x128xf32>
    %div3A_25 = arith.divf %div3A_24, %min3A_21 : vector<1250x128xf32>
    %mul3A_26 = arith.constant 3.14159274 : f32
    %mul3A_27 = vector.broadcast %mul3A_26 : f32 to vector<1250x128xf32>
    %mul3A_28 = arith.mulf %mul3A_27, %min3A_21 : vector<1250x128xf32>
    %sin3A = math.sin %mul3A_28 : vector<1250x128xf32>
    %cos3A = math.cos %mul3A_28 : vector<1250x128xf32>
    %mul3A_29 = arith.constant 2.000000e+00 : f32
    %mul3A_30 = vector.broadcast %mul3A_29 : f32 to vector<1250x128xf32>
    %mul3A_31 = arith.mulf %mul3A_30, %cos3A : vector<1250x128xf32>
    %mul3A_32 = arith.mulf %sin3A, %div3A_25 : vector<1250x128xf32>
    %swap3A = arith.constant 0 : index
    %swap3A_33 = arith.constant 0 : index
    %swap3A_34 = arith.constant 0 : index
    %swap3A_35 = vector.load %arg2[%swap3A, %swap3A_33, %swap3A_34] : memref<25x1250x128xf32, #tpu.memory_space<vmem>>, vector<1x1250x128xf32>
    %swap3A_36 = vector.shape_cast %swap3A_35 : vector<1x1250x128xf32> to vector<1250x128xf32>
    %swap3A_37 = vector.shape_cast %mul3A_32 : vector<1250x128xf32> to vector<1x1250x128xf32>
    tpu.vector_store %arg2[%swap3A, %swap3A_33, %swap3A_34], %swap3A_37 {strides = array<i32>} : memref<25x1250x128xf32, #tpu.memory_space<vmem>>, vector<1x1250x128xf32>,
    %mul3A_38 = arith.mulf %mul3A_31, %sin3A : vector<1250x128xf32>
    %sub3A = arith.constant 0.000000e+00 : f32
    %sub3A_39 = vector.broadcast %sub3A : f32 to vector<1250x128xf32>
    %sub3A_40 = arith.subf %mul3A_38, %sub3A_39 : vector<1250x128xf32>
    %mul3A_41 = arith.mulf %sub3A_40, %div3A_25 : vector<1250x128xf32>
    %swap3A_42 = arith.constant 1 : index
    %swap3A_43 = arith.constant 0 : index
    %swap3A_44 = arith.constant 0 : index
    %swap3A_45 = vector.load %arg2[%swap3A_42, %swap3A_43, %swap3A_44] : memref<25x1250x128xf32, #tpu.memory_space<vmem>>, vector<1x1250x128xf32>
    %swap3A_46 = vector.shape_cast %swap3A_45 : vector<1x1250x128xf32> to vector<1250x128xf32>
    %swap3A_47 = vector.shape_cast %mul3A_41 : vector<1250x128xf32> to vector<1x1250x128xf32>
    tpu.vector_store %arg2[%swap3A_42, %swap3A_43, %swap3A_44], %swap3A_47 {strides = array<i32>} : memref<25x1250x128xf32, #tpu.memory_space<vmem>>, vector<1x1250x128xf32>,
    %mul3A_48 = arith.mulf %mul3A_31, %sub3A_40 : vector<1250x128xf32>
    %sub3A_49 = arith.subf %mul3A_48, %sin3A : vector<1250x128xf32>
    %mul3A_50 = arith.mulf %sub3A_49, %div3A_25 : vector<1250x128xf32>
    %swap3A_51 = arith.constant 2 : index
    %swap3A_52 = arith.constant 0 : index
    %swap3A_53 = arith.constant 0 : index
    %swap3A_54 = vector.load %arg2[%swap3A_51, %swap3A_52, %swap3A_53] : memref<25x1250x128xf32, #tpu.memory_space<vmem>>, vector<1x1250x128xf32>
    %swap3A_55 = vector.shape_cast %swap3A_54 : vector<1x1250x128xf32> to vector<1250x128xf32>
    %swap3A_56 = vector.shape_cast %mul3A_50 : vector<1250x128xf32> to vector<1x1250x128xf32>
    tpu.vector_store %arg2[%swap3A_51, %swap3A_52, %swap3A_53], %swap3A_56 {strides = array<i32>} : memref<25x1250x128xf32, #tpu.memory_space<vmem>>, vector<1x1250x128xf32>,
    %mul3A_57 = arith.mulf %mul3A_31, %sub3A_49 : vector<1250x128xf32>
    %sub3A_58 = arith.subf %mul3A_57, %sub3A_40 : vector<1250x128xf32>
    %mul3A_59 = arith.mulf %sub3A_58, %div3A_25 : vector<1250x128xf32>
    %swap3A_60 = arith.constant 3 : index
    %swap3A_61 = arith.constant 0 : index
    %swap3A_62 = arith.constant 0 : index
    %swap3A_63 = vector.load %arg2[%swap3A_60, %swap3A_61, %swap3A_62] : memref<25x1250x128xf32, #tpu.memory_space<vmem>>, vector<1x1250x128xf32>
    %swap3A_64 = vector.shape_cast %swap3A_63 : vector<1x1250x128xf32> to vector<1250x128xf32>
    %swap3A_65 = vector.shape_cast %mul3A_59 : vector<1250x128xf32> to vector<1x1250x128xf32>
    tpu.vector_store %arg2[%swap3A_60, %swap3A_61, %swap3A_62], %swap3A_65 {strides = array<i32>} : memref<25x1250x128xf32, #tpu.memory_space<vmem>>, vector<1x1250x128xf32>,
    %mul3A_66 = arith.mulf %mul3A_31, %sub3A_58 : vector<1250x128xf32>
    %sub3A_67 = arith.subf %mul3A_66, %sub3A_49 : vector<1250x128xf32>
    %mul3A_68 = arith.mulf %sub3A_67, %div3A_25 : vector<1250x128xf32>
    %swap3A_69 = arith.constant 4 : index
    %swap3A_70 = arith.constant 0 : index
    %swap3A_71 = arith.constant 0 : index
    %swap3A_72 = vector.load %arg2[%swap3A_69, %swap3A_70, %swap3A_71] : memref<25x1250x128xf32, #tpu.memory_space<vmem>>, vector<1x1250x128xf32>
    %swap3A_73 = vector.shape_cast %swap3A_72 : vector<1x1250x128xf32> to vector<1250x128xf32>
    %swap3A_74 = vector.shape_cast %mul3A_68 : vector<1250x128xf32> to vector<1x1250x128xf32>
    tpu.vector_store %arg2[%swap3A_69, %swap3A_70, %swap3A_71], %swap3A_74 {strides = array<i32>} : memref<25x1250x128xf32, #tpu.memory_space<vmem>>, vector<1x1250x128xf32>,
    %mul3A_75 = arith.mulf %mul3A_31, %sub3A_67 : vector<1250x128xf32>
    %sub3A_76 = arith.subf %mul3A_75, %sub3A_58 : vector<1250x128xf32>
    %mul3A_77 = arith.mulf %sub3A_76, %div3A_25 : vector<1250x128xf32>
    %swap3A_78 = arith.constant 5 : index
    %swap3A_79 = arith.constant 0 : index
    %swap3A_80 = arith.constant 0 : index
    %swap3A_81 = vector.load %arg2[%swap3A_78, %swap3A_79, %swap3A_80] : memref<25x1250x128xf32, #tpu.memory_space<vmem>>, vector<1x1250x128xf32>
    %swap3A_82 = vector.shape_cast %swap3A_81 : vector<1x1250x128xf32> to vector<1250x128xf32>
    %swap3A_83 = vector.shape_cast %mul3A_77 : vector<1250x128xf32> to vector<1x1250x128xf32>
    tpu.vector_store %arg2[%swap3A_78, %swap3A_79, %swap3A_80], %swap3A_83 {strides = array<i32>} : memref<25x1250x128xf32, #tpu.memory_space<vmem>>, vector<1x1250x128xf32>,
    %mul3A_84 = arith.mulf %mul3A_31, %sub3A_76 : vector<1250x128xf32>
    %sub3A_85 = arith.subf %mul3A_84, %sub3A_67 : vector<1250x128xf32>
    %mul3A_86 = arith.mulf %sub3A_85, %div3A_25 : vector<1250x128xf32>
    %swap3A_87 = arith.constant 6 : index
    %swap3A_88 = arith.constant 0 : index
    %swap3A_89 = arith.constant 0 : index
    %swap3A_90 = vector.load %arg2[%swap3A_87, %swap3A_88, %swap3A_89] : memref<25x1250x128xf32, #tpu.memory_space<vmem>>, vector<1x1250x128xf32>
    %swap3A_91 = vector.shape_cast %swap3A_90 : vector<1x1250x128xf32> to vector<1250x128xf32>
    %swap3A_92 = vector.shape_cast %mul3A_86 : vector<1250x128xf32> to vector<1x1250x128xf32>
    tpu.vector_store %arg2[%swap3A_87, %swap3A_88, %swap3A_89], %swap3A_92 {strides = array<i32>} : memref<25x1250x128xf32, #tpu.memory_space<vmem>>, vector<1x1250x128xf32>,
    %mul3A_93 = arith.mulf %mul3A_31, %sub3A_85 : vector<1250x128xf32>
    %sub3A_94 = arith.subf %mul3A_93, %sub3A_76 : vector<1250x128xf32>
    %mul3A_95 = arith.mulf %sub3A_94, %div3A_25 : vector<1250x128xf32>
    %swap3A_96 = arith.constant 7 : index
    %swap3A_97 = arith.constant 0 : index
    %swap3A_98 = arith.constant 0 : index
    %swap3A_99 = vector.load %arg2[%swap3A_96, %swap3A_97, %swap3A_98] : memref<25x1250x128xf32, #tpu.memory_space<vmem>>, vector<1x1250x128xf32>
    %swap3A_100 = vector.shape_cast %swap3A_99 : vector<1x1250x128xf32> to vector<1250x128xf32>
    %swap3A_101 = vector.shape_cast %mul3A_95 : vector<1250x128xf32> to vector<1x1250x128xf32>
    tpu.vector_store %arg2[%swap3A_96, %swap3A_97, %swap3A_98], %swap3A_101 {strides = array<i32>} : memref<25x1250x128xf32, #tpu.memory_space<vmem>>, vector<1x1250x128xf32>,
    %div3A_102 = arith.constant 1.000000e+00 : f32
    %div3A_103 = vector.broadcast %div3A_102 : f32 to vector<1250x128xf32>
    %div3A_104 = arith.divf %sqrt3A, %div3A_103 : vector<1250x128xf32>
    %jit3A_105 = arith.constant 0.000000e+00 : f32
    %jit3A_106 = arith.constant 1.000000e+00 : f32
    %max3A_107 = vector.broadcast %jit3A_105 : f32 to vector<1250x128xf32>
    %max3A_108 = arith.maximumf %max3A_107, %div3A_104 : vector<1250x128xf32>
    %min3A_109 = vector.broadcast %jit3A_106 : f32 to vector<1250x128xf32>
    %min3A_110 = arith.minimumf %min3A_109, %max3A_108 : vector<1250x128xf32>
    %mul3A_111 = arith.mulf %min3A_110, %min3A_110 : vector<1250x128xf32>
    %mul3A_112 = arith.mulf %mul3A_111, %min3A_110 : vector<1250x128xf32>
    %mul3A_113 = arith.mulf %mul3A_112, %min3A_110 : vector<1250x128xf32>
    %mul3A_114 = arith.mulf %mul3A_113, %min3A_110 : vector<1250x128xf32>
    %mul3A_115 = arith.mulf %mul3A_114, %min3A_110 : vector<1250x128xf32>
    %mul3A_116 = arith.constant 2.800000e+01 : f32
    %mul3A_117 = vector.broadcast %mul3A_116 : f32 to vector<1250x128xf32>
    %mul3A_118 = arith.mulf %mul3A_117, %mul3A_115 : vector<1250x128xf32>
    %sub3A_119 = arith.constant 1.000000e+00 : f32
    %sub3A_120 = vector.broadcast %sub3A_119 : f32 to vector<1250x128xf32>
    %sub3A_121 = arith.subf %sub3A_120, %mul3A_118 : vector<1250x128xf32>
    %mul3A_122 = arith.constant 4.800000e+01 : f32
    %mul3A_123 = vector.broadcast %mul3A_122 : f32 to vector<1250x128xf32>
    %mul3A_124 = arith.mulf %mul3A_123, %mul3A_115 : vector<1250x128xf32>
    %mul3A_125 = arith.mulf %mul3A_124, %min3A_110 : vector<1250x128xf32>
    %add3A_126 = arith.addf %sub3A_121, %mul3A_125 : vector<1250x128xf32>
    %mul3A_127 = arith.constant 2.100000e+01 : f32
    %mul3A_128 = vector.broadcast %mul3A_127 : f32 to vector<1250x128xf32>
    %mul3A_129 = arith.mulf %mul3A_128, %mul3A_115 : vector<1250x128xf32>
    %mul3A_130 = arith.mulf %mul3A_129, %min3A_110 : vector<1250x128xf32>
    %mul3A_131 = arith.mulf %mul3A_130, %min3A_110 : vector<1250x128xf32>
    %sub3A_132 = arith.subf %add3A_126, %mul3A_131 : vector<1250x128xf32>
    %max3A_133 = arith.constant 9.99999997E-7 : f32
    %max3A_134 = vector.broadcast %max3A_133 : f32 to vector<1250x128xf32>
    %max3A_135 = arith.maximumf %sqrt3A, %max3A_134 : vector<1250x128xf32>
    %div3A_136 = arith.constant 1.000000e+00 : f32
    %div3A_137 = vector.broadcast %div3A_136 : f32 to vector<1250x128xf32>
    %div3A_138 = arith.divf %div3A_137, %max3A_135 : vector<1250x128xf32>
    %mul3A_139 = arith.mulf %get3A_3, %div3A_138 : vector<1250x128xf32>
    %mul3A_140 = arith.mulf %get3A_8, %div3A_138 : vector<1250x128xf32>
    %mul3A_141 = arith.mulf %get3A_13, %div3A_138 : vector<1250x128xf32>
    %broadcast_in_dim3A = arith.constant 1.000000e+00 : f32
    %broadcast_in_dim3A_142 = vector.broadcast %broadcast_in_dim3A : f32 to vector<1250x128xf32>
    %mul3A_143 = arith.mulf %mul3A_139, %mul3A_140 : vector<1250x128xf32>
    %mul3A_144 = arith.mulf %mul3A_140, %mul3A_141 : vector<1250x128xf32>
    %mul3A_145 = arith.constant 3.000000e+00 : f32
    %mul3A_146 = vector.broadcast %mul3A_145 : f32 to vector<1250x128xf32>
    %mul3A_147 = arith.mulf %mul3A_146, %mul3A_141 : vector<1250x128xf32>
    %mul3A_148 = arith.mulf %mul3A_147, %mul3A_141 : vector<1250x128xf32>
    %sub3A_149 = arith.constant 1.000000e+00 : f32
    %sub3A_150 = vector.broadcast %sub3A_149 : f32 to vector<1250x128xf32>
    %sub3A_151 = arith.subf %mul3A_148, %sub3A_150 : vector<1250x128xf32>
    %mul3A_152 = arith.mulf %mul3A_139, %mul3A_141 : vector<1250x128xf32>
    %mul3A_153 = arith.mulf %mul3A_139, %mul3A_139 : vector<1250x128xf32>
    %mul3A_154 = arith.mulf %mul3A_140, %mul3A_140 : vector<1250x128xf32>
    %sub3A_155 = arith.subf %mul3A_153, %mul3A_154 : vector<1250x128xf32>
    %mul3A_156 = arith.constant 3.000000e+00 : f32
    %mul3A_157 = vector.broadcast %mul3A_156 : f32 to vector<1250x128xf32>
    %mul3A_158 = arith.mulf %mul3A_157, %mul3A_139 : vector<1250x128xf32>
    %mul3A_159 = arith.mulf %mul3A_158, %mul3A_139 : vector<1250x128xf32>
    %mul3A_160 = arith.mulf %mul3A_140, %mul3A_140 : vector<1250x128xf32>
    %sub3A_161 = arith.subf %mul3A_159, %mul3A_160 : vector<1250x128xf32>
    %mul3A_162 = arith.mulf %mul3A_140, %sub3A_161 : vector<1250x128xf32>
    %mul3A_163 = arith.mulf %mul3A_139, %mul3A_140 : vector<1250x128xf32>
    %mul3A_164 = arith.mulf %mul3A_163, %mul3A_141 : vector<1250x128xf32>
    %mul3A_165 = arith.constant 5.000000e+00 : f32
    %mul3A_166 = vector.broadcast %mul3A_165 : f32 to vector<1250x128xf32>
    %mul3A_167 = arith.mulf %mul3A_166, %mul3A_141 : vector<1250x128xf32>
    %mul3A_168 = arith.mulf %mul3A_167, %mul3A_141 : vector<1250x128xf32>
    %sub3A_169 = arith.constant 1.000000e+00 : f32
    %sub3A_170 = vector.broadcast %sub3A_169 : f32 to vector<1250x128xf32>
    %sub3A_171 = arith.subf %mul3A_168, %sub3A_170 : vector<1250x128xf32>
    %mul3A_172 = arith.mulf %mul3A_140, %sub3A_171 : vector<1250x128xf32>
    %mul3A_173 = arith.constant 5.000000e+00 : f32
    %mul3A_174 = vector.broadcast %mul3A_173 : f32 to vector<1250x128xf32>
    %mul3A_175 = arith.mulf %mul3A_174, %mul3A_141 : vector<1250x128xf32>
    %mul3A_176 = arith.mulf %mul3A_175, %mul3A_141 : vector<1250x128xf32>
    %sub3A_177 = arith.constant 3.000000e+00 : f32
    %sub3A_178 = vector.broadcast %sub3A_177 : f32 to vector<1250x128xf32>
    %sub3A_179 = arith.subf %mul3A_176, %sub3A_178 : vector<1250x128xf32>
    %mul3A_180 = arith.mulf %mul3A_141, %sub3A_179 : vector<1250x128xf32>
    %mul3A_181 = arith.constant 5.000000e+00 : f32
    %mul3A_182 = vector.broadcast %mul3A_181 : f32 to vector<1250x128xf32>
    %mul3A_183 = arith.mulf %mul3A_182, %mul3A_141 : vector<1250x128xf32>
    %mul3A_184 = arith.mulf %mul3A_183, %mul3A_141 : vector<1250x128xf32>
    %sub3A_185 = arith.constant 1.000000e+00 : f32
    %sub3A_186 = vector.broadcast %sub3A_185 : f32 to vector<1250x128xf32>
    %sub3A_187 = arith.subf %mul3A_184, %sub3A_186 : vector<1250x128xf32>
    %mul3A_188 = arith.mulf %mul3A_139, %sub3A_187 : vector<1250x128xf32>
    %mul3A_189 = arith.mulf %mul3A_139, %mul3A_139 : vector<1250x128xf32>
    %mul3A_190 = arith.mulf %mul3A_140, %mul3A_140 : vector<1250x128xf32>
    %sub3A_191 = arith.subf %mul3A_189, %mul3A_190 : vector<1250x128xf32>
    %mul3A_192 = arith.mulf %mul3A_141, %sub3A_191 : vector<1250x128xf32>
    %mul3A_193 = arith.mulf %mul3A_139, %mul3A_139 : vector<1250x128xf32>
    %mul3A_194 = arith.constant 3.000000e+00 : f32
    %mul3A_195 = vector.broadcast %mul3A_194 : f32 to vector<1250x128xf32>
    %mul3A_196 = arith.mulf %mul3A_195, %mul3A_140 : vector<1250x128xf32>
    %mul3A_197 = arith.mulf %mul3A_196, %mul3A_140 : vector<1250x128xf32>
    %sub3A_198 = arith.subf %mul3A_193, %mul3A_197 : vector<1250x128xf32>
    %mul3A_199 = arith.mulf %mul3A_139, %sub3A_198 : vector<1250x128xf32>
    %swap3A_200 = arith.constant 8 : index
    %swap3A_201 = arith.constant 0 : index
    %swap3A_202 = arith.constant 0 : index
    %swap3A_203 = vector.load %arg2[%swap3A_200, %swap3A_201, %swap3A_202] : memref<25x1250x128xf32, #tpu.memory_space<vmem>>, vector<1x1250x128xf32>
    %swap3A_204 = vector.shape_cast %swap3A_203 : vector<1x1250x128xf32> to vector<1250x128xf32>
    %swap3A_205 = vector.shape_cast %broadcast_in_dim3A_142 : vector<1250x128xf32> to vector<1x1250x128xf32>
    tpu.vector_store %arg2[%swap3A_200, %swap3A_201, %swap3A_202], %swap3A_205 {strides = array<i32>} : memref<25x1250x128xf32, #tpu.memory_space<vmem>>, vector<1x1250x128xf32>,
    %swap3A_206 = arith.constant 9 : index
    %swap3A_207 = arith.constant 0 : index
    %swap3A_208 = arith.constant 0 : index
    %swap3A_209 = vector.load %arg2[%swap3A_206, %swap3A_207, %swap3A_208] : memref<25x1250x128xf32, #tpu.memory_space<vmem>>, vector<1x1250x128xf32>
    %swap3A_210 = vector.shape_cast %swap3A_209 : vector<1x1250x128xf32> to vector<1250x128xf32>
    %swap3A_211 = vector.shape_cast %mul3A_139 : vector<1250x128xf32> to vector<1x1250x128xf32>
    tpu.vector_store %arg2[%swap3A_206, %swap3A_207, %swap3A_208], %swap3A_211 {strides = array<i32>} : memref<25x1250x128xf32, #tpu.memory_space<vmem>>, vector<1x1250x128xf32>,
    %swap3A_212 = arith.constant 10 : index
    %swap3A_213 = arith.constant 0 : index
    %swap3A_214 = arith.constant 0 : index
    %swap3A_215 = vector.load %arg2[%swap3A_212, %swap3A_213, %swap3A_214] : memref<25x1250x128xf32, #tpu.memory_space<vmem>>, vector<1x1250x128xf32>
    %swap3A_216 = vector.shape_cast %swap3A_215 : vector<1x1250x128xf32> to vector<1250x128xf32>
    %swap3A_217 = vector.shape_cast %mul3A_140 : vector<1250x128xf32> to vector<1x1250x128xf32>
    tpu.vector_store %arg2[%swap3A_212, %swap3A_213, %swap3A_214], %swap3A_217 {strides = array<i32>} : memref<25x1250x128xf32, #tpu.memory_space<vmem>>, vector<1x1250x128xf32>,
    %swap3A_218 = arith.constant 11 : index
    %swap3A_219 = arith.constant 0 : index
    %swap3A_220 = arith.constant 0 : index
    %swap3A_221 = vector.load %arg2[%swap3A_218, %swap3A_219, %swap3A_220] : memref<25x1250x128xf32, #tpu.memory_space<vmem>>, vector<1x1250x128xf32>
    %swap3A_222 = vector.shape_cast %swap3A_221 : vector<1x1250x128xf32> to vector<1250x128xf32>
    %swap3A_223 = vector.shape_cast %mul3A_141 : vector<1250x128xf32> to vector<1x1250x128xf32>
    tpu.vector_store %arg2[%swap3A_218, %swap3A_219, %swap3A_220], %swap3A_223 {strides = array<i32>} : memref<25x1250x128xf32, #tpu.memory_space<vmem>>, vector<1x1250x128xf32>,
    %swap3A_224 = arith.constant 12 : index
    %swap3A_225 = arith.constant 0 : index
    %swap3A_226 = arith.constant 0 : index
    %swap3A_227 = vector.load %arg2[%swap3A_224, %swap3A_225, %swap3A_226] : memref<25x1250x128xf32, #tpu.memory_space<vmem>>, vector<1x1250x128xf32>
    %swap3A_228 = vector.shape_cast %swap3A_227 : vector<1x1250x128xf32> to vector<1250x128xf32>
    %swap3A_229 = vector.shape_cast %mul3A_143 : vector<1250x128xf32> to vector<1x1250x128xf32>
    tpu.vector_store %arg2[%swap3A_224, %swap3A_225, %swap3A_226], %swap3A_229 {strides = array<i32>} : memref<25x1250x128xf32, #tpu.memory_space<vmem>>, vector<1x1250x128xf32>,
    %swap3A_230 = arith.constant 13 : index
    %swap3A_231 = arith.constant 0 : index
    %swap3A_232 = arith.constant 0 : index
    %swap3A_233 = vector.load %arg2[%swap3A_230, %swap3A_231, %swap3A_232] : memref<25x1250x128xf32, #tpu.memory_space<vmem>>, vector<1x1250x128xf32>
    %swap3A_234 = vector.shape_cast %swap3A_233 : vector<1x1250x128xf32> to vector<1250x128xf32>
    %swap3A_235 = vector.shape_cast %mul3A_144 : vector<1250x128xf32> to vector<1x1250x128xf32>
    tpu.vector_store %arg2[%swap3A_230, %swap3A_231, %swap3A_232], %swap3A_235 {strides = array<i32>} : memref<25x1250x128xf32, #tpu.memory_space<vmem>>, vector<1x1250x128xf32>,
    %swap3A_236 = arith.constant 14 : index
    %swap3A_237 = arith.constant 0 : index
    %swap3A_238 = arith.constant 0 : index
    %swap3A_239 = vector.load %arg2[%swap3A_236, %swap3A_237, %swap3A_238] : memref<25x1250x128xf32, #tpu.memory_space<vmem>>, vector<1x1250x128xf32>
    %swap3A_240 = vector.shape_cast %swap3A_239 : vector<1x1250x128xf32> to vector<1250x128xf32>
    %swap3A_241 = vector.shape_cast %sub3A_151 : vector<1250x128xf32> to vector<1x1250x128xf32>
    tpu.vector_store %arg2[%swap3A_236, %swap3A_237, %swap3A_238], %swap3A_241 {strides = array<i32>} : memref<25x1250x128xf32, #tpu.memory_space<vmem>>, vector<1x1250x128xf32>,
    %swap3A_242 = arith.constant 15 : index
    %swap3A_243 = arith.constant 0 : index
    %swap3A_244 = arith.constant 0 : index
    %swap3A_245 = vector.load %arg2[%swap3A_242, %swap3A_243, %swap3A_244] : memref<25x1250x128xf32, #tpu.memory_space<vmem>>, vector<1x1250x128xf32>
    %swap3A_246 = vector.shape_cast %swap3A_245 : vector<1x1250x128xf32> to vector<1250x128xf32>
    %swap3A_247 = vector.shape_cast %mul3A_152 : vector<1250x128xf32> to vector<1x1250x128xf32>
    tpu.vector_store %arg2[%swap3A_242, %swap3A_243, %swap3A_244], %swap3A_247 {strides = array<i32>} : memref<25x1250x128xf32, #tpu.memory_space<vmem>>, vector<1x1250x128xf32>,
    %swap3A_248 = arith.constant 16 : index
    %swap3A_249 = arith.constant 0 : index
    %swap3A_250 = arith.constant 0 : index
    %swap3A_251 = vector.load %arg2[%swap3A_248, %swap3A_249, %swap3A_250] : memref<25x1250x128xf32, #tpu.memory_space<vmem>>, vector<1x1250x128xf32>
    %swap3A_252 = vector.shape_cast %swap3A_251 : vector<1x1250x128xf32> to vector<1250x128xf32>
    %swap3A_253 = vector.shape_cast %sub3A_155 : vector<1250x128xf32> to vector<1x1250x128xf32>
    tpu.vector_store %arg2[%swap3A_248, %swap3A_249, %swap3A_250], %swap3A_253 {strides = array<i32>} : memref<25x1250x128xf32, #tpu.memory_space<vmem>>, vector<1x1250x128xf32>,
    %swap3A_254 = arith.constant 17 : index
    %swap3A_255 = arith.constant 0 : index
    %swap3A_256 = arith.constant 0 : index
    %swap3A_257 = vector.load %arg2[%swap3A_254, %swap3A_255, %swap3A_256] : memref<25x1250x128xf32, #tpu.memory_space<vmem>>, vector<1x1250x128xf32>
    %swap3A_258 = vector.shape_cast %swap3A_257 : vector<1x1250x128xf32> to vector<1250x128xf32>
    %swap3A_259 = vector.shape_cast %mul3A_162 : vector<1250x128xf32> to vector<1x1250x128xf32>
    tpu.vector_store %arg2[%swap3A_254, %swap3A_255, %swap3A_256], %swap3A_259 {strides = array<i32>} : memref<25x1250x128xf32, #tpu.memory_space<vmem>>, vector<1x1250x128xf32>,
    %swap3A_260 = arith.constant 18 : index
    %swap3A_261 = arith.constant 0 : index
    %swap3A_262 = arith.constant 0 : index
    %swap3A_263 = vector.load %arg2[%swap3A_260, %swap3A_261, %swap3A_262] : memref<25x1250x128xf32, #tpu.memory_space<vmem>>, vector<1x1250x128xf32>
    %swap3A_264 = vector.shape_cast %swap3A_263 : vector<1x1250x128xf32> to vector<1250x128xf32>
    %swap3A_265 = vector.shape_cast %mul3A_164 : vector<1250x128xf32> to vector<1x1250x128xf32>
    tpu.vector_store %arg2[%swap3A_260, %swap3A_261, %swap3A_262], %swap3A_265 {strides = array<i32>} : memref<25x1250x128xf32, #tpu.memory_space<vmem>>, vector<1x1250x128xf32>,
    %swap3A_266 = arith.constant 19 : index
    %swap3A_267 = arith.constant 0 : index
    %swap3A_268 = arith.constant 0 : index
    %swap3A_269 = vector.load %arg2[%swap3A_266, %swap3A_267, %swap3A_268] : memref<25x1250x128xf32, #tpu.memory_space<vmem>>, vector<1x1250x128xf32>
    %swap3A_270 = vector.shape_cast %swap3A_269 : vector<1x1250x128xf32> to vector<1250x128xf32>
    %swap3A_271 = vector.shape_cast %mul3A_172 : vector<1250x128xf32> to vector<1x1250x128xf32>
    tpu.vector_store %arg2[%swap3A_266, %swap3A_267, %swap3A_268], %swap3A_271 {strides = array<i32>} : memref<25x1250x128xf32, #tpu.memory_space<vmem>>, vector<1x1250x128xf32>,
    %swap3A_272 = arith.constant 20 : index
    %swap3A_273 = arith.constant 0 : index
    %swap3A_274 = arith.constant 0 : index
    %swap3A_275 = vector.load %arg2[%swap3A_272, %swap3A_273, %swap3A_274] : memref<25x1250x128xf32, #tpu.memory_space<vmem>>, vector<1x1250x128xf32>
    %swap3A_276 = vector.shape_cast %swap3A_275 : vector<1x1250x128xf32> to vector<1250x128xf32>
    %swap3A_277 = vector.shape_cast %mul3A_180 : vector<1250x128xf32> to vector<1x1250x128xf32>
    tpu.vector_store %arg2[%swap3A_272, %swap3A_273, %swap3A_274], %swap3A_277 {strides = array<i32>} : memref<25x1250x128xf32, #tpu.memory_space<vmem>>, vector<1x1250x128xf32>,
    %swap3A_278 = arith.constant 21 : index
    %swap3A_279 = arith.constant 0 : index
    %swap3A_280 = arith.constant 0 : index
    %swap3A_281 = vector.load %arg2[%swap3A_278, %swap3A_279, %swap3A_280] : memref<25x1250x128xf32, #tpu.memory_space<vmem>>, vector<1x1250x128xf32>
    %swap3A_282 = vector.shape_cast %swap3A_281 : vector<1x1250x128xf32> to vector<1250x128xf32>
    %swap3A_283 = vector.shape_cast %mul3A_188 : vector<1250x128xf32> to vector<1x1250x128xf32>
    tpu.vector_store %arg2[%swap3A_278, %swap3A_279, %swap3A_280], %swap3A_283 {strides = array<i32>} : memref<25x1250x128xf32, #tpu.memory_space<vmem>>, vector<1x1250x128xf32>,
    %swap3A_284 = arith.constant 22 : index
    %swap3A_285 = arith.constant 0 : index
    %swap3A_286 = arith.constant 0 : index
    %swap3A_287 = vector.load %arg2[%swap3A_284, %swap3A_285, %swap3A_286] : memref<25x1250x128xf32, #tpu.memory_space<vmem>>, vector<1x1250x128xf32>
    %swap3A_288 = vector.shape_cast %swap3A_287 : vector<1x1250x128xf32> to vector<1250x128xf32>
    %swap3A_289 = vector.shape_cast %mul3A_192 : vector<1250x128xf32> to vector<1x1250x128xf32>
    tpu.vector_store %arg2[%swap3A_284, %swap3A_285, %swap3A_286], %swap3A_289 {strides = array<i32>} : memref<25x1250x128xf32, #tpu.memory_space<vmem>>, vector<1x1250x128xf32>,
    %swap3A_290 = arith.constant 23 : index
    %swap3A_291 = arith.constant 0 : index
    %swap3A_292 = arith.constant 0 : index
    %swap3A_293 = vector.load %arg2[%swap3A_290, %swap3A_291, %swap3A_292] : memref<25x1250x128xf32, #tpu.memory_space<vmem>>, vector<1x1250x128xf32>
    %swap3A_294 = vector.shape_cast %swap3A_293 : vector<1x1250x128xf32> to vector<1250x128xf32>
    %swap3A_295 = vector.shape_cast %mul3A_199 : vector<1250x128xf32> to vector<1x1250x128xf32>
    tpu.vector_store %arg2[%swap3A_290, %swap3A_291, %swap3A_292], %swap3A_295 {strides = array<i32>} : memref<25x1250x128xf32, #tpu.memory_space<vmem>>, vector<1x1250x128xf32>,
    %swap3A_296 = arith.constant 24 : index
    %swap3A_297 = arith.constant 0 : index
    %swap3A_298 = arith.constant 0 : index
    %swap3A_299 = vector.load %arg2[%swap3A_296, %swap3A_297, %swap3A_298] : memref<25x1250x128xf32, #tpu.memory_space<vmem>>, vector<1x1250x128xf32>
    %swap3A_300 = vector.shape_cast %swap3A_299 : vector<1x1250x128xf32> to vector<1250x128xf32>
    %swap3A_301 = vector.shape_cast %sub3A_132 : vector<1250x128xf32> to vector<1x1250x128xf32>
    tpu.vector_store %arg2[%swap3A_296, %swap3A_297, %swap3A_298], %swap3A_301 {strides = array<i32>} : memref<25x1250x128xf32, #tpu.memory_space<vmem>>, vector<1x1250x128xf32>,
    return
  }
  func.func @transform_0(%arg0: i32) -> (i32, i32, i32) {
    %c0_i32 = arith.constant 0 : i32
    %c0_i32_0 = arith.constant 0 : i32
    %c0_i32_1 = arith.constant 0 : i32
    %c0_i32_2 = arith.constant 0 : i32
    return %c0_i32, %c0_i32_0, %c0_i32_1 : i32, i32, i32
  }
  func.func @transform_1(%arg0: i32) -> (i32, i32, i32) {
    %c0_i32 = arith.constant 0 : i32
    %c0_i32_0 = arith.constant 0 : i32
    %c0_i32_1 = arith.constant 0 : i32
    %c0_i32_2 = arith.constant 0 : i32
    return %c0_i32, %c0_i32_0, %c0_i32_1 : i32, i32, i32
  }
}

module attributes {stable_mosaic.version = 14 : i64} {
  func.func @_embed_kernel(%arg0: i32, %arg1: memref<2000x25xf32, #tpu.memory_space<vmem>>, %arg2: memref<2x2000x128xf32, #tpu.memory_space<vmem>>, %arg3: memref<264x128xf32, #tpu.memory_space<vmem>>, %arg4: memref<128x128xf32, #tpu.memory_space<vmem>>, %arg5: memref<128x128xf32, #tpu.memory_space<vmem>>, %arg6: memref<16x128xf32, #tpu.memory_space<vmem>>, %arg7: memref<16x128xf32, #tpu.memory_space<vmem>>, %arg8: memref<2000x128xbf16, #tpu.memory_space<vmem>>, %arg9: memref<2x2000x128xf32, #tpu.memory_space<vmem>>, %arg10: memref<2000x1xf32, #tpu.memory_space<vmem>>) attributes {dimension_semantics = [#tpu.dimension_semantics<arbitrary>], iteration_bounds = array<i64: 80>, scalar_prefetch = 0 : i64, scratch_operands = 0 : i64, tpu.core_type = #tpu.core_type<tc>, window_params = [{transform_indices = @transform_0, window_bounds = array<i64: 2000, 25>}, {transform_indices = @transform_1, window_bounds = array<i64: 2, 2000, 128>}, {pipeline_mode = #tpu.pipeline_mode<synchronous>, transform_indices = @transform_2, window_bounds = array<i64: 264, 128>}, {pipeline_mode = #tpu.pipeline_mode<synchronous>, transform_indices = @transform_3, window_bounds = array<i64: 128, 128>}, {pipeline_mode = #tpu.pipeline_mode<synchronous>, transform_indices = @transform_4, window_bounds = array<i64: 128, 128>}, {pipeline_mode = #tpu.pipeline_mode<synchronous>, transform_indices = @transform_5, window_bounds = array<i64: 16, 128>}, {pipeline_mode = #tpu.pipeline_mode<synchronous>, transform_indices = @transform_6, window_bounds = array<i64: 16, 128>}, {transform_indices = @transform_7, window_bounds = array<i64: 2000, 128>}, {transform_indices = @transform_8, window_bounds = array<i64: 2, 2000, 128>}, {transform_indices = @transform_9, window_bounds = array<i64: 2000, 1>}]} {
    %get3A = arith.constant 0 : index
    %get3A_0 = arith.constant 0 : index
    %get3A_1 = vector.load %arg1[%get3A, %get3A_0] : memref<2000x25xf32, #tpu.memory_space<vmem>>, vector<2000x25xf32>
    %slice3A = vector.extract_strided_slice %get3A_1 {offsets = [0, 0], sizes = [2000, 8], strides = [1, 1]} : vector<2000x25xf32> to vector<2000x8xf32>
    %slice3A_2 = vector.extract_strided_slice %get3A_1 {offsets = [0, 8], sizes = [2000, 16], strides = [1, 1]} : vector<2000x25xf32> to vector<2000x16xf32>
    %slice3A_3 = vector.extract_strided_slice %get3A_1 {offsets = [0, 24], sizes = [2000, 1], strides = [1, 1]} : vector<2000x25xf32> to vector<2000x1xf32>
    %get3A_4 = arith.constant 0 : index
    %get3A_5 = arith.constant 0 : index
    %get3A_6 = vector.load %arg3[%get3A_4, %get3A_5] : memref<264x128xf32, #tpu.memory_space<vmem>>, vector<8x128xf32>
    %dot_general3A = arith.constant dense<0.000000e+00> : vector<2000x128xf32>
    %dot_general3A_7 = tpu.matmul %slice3A, %get3A_6, %dot_general3A {dimension_numbers = #tpu.dot_dimension_numbers<[1], [0], [0], [1], [0, 0, 1, 1], [], []>, transpose_lhs_hint = false} : vector<2000x8xf32>, vector<8x128xf32>, vector<2000x128xf32> -> vector<2000x128xf32>
    %get3A_8 = arith.constant 0 : index
    %get3A_9 = arith.constant 0 : index
    %get3A_10 = arith.constant 0 : index
    %get3A_11 = vector.load %arg2[%get3A_8, %get3A_9, %get3A_10] : memref<2x2000x128xf32, #tpu.memory_space<vmem>>, vector<1x2000x128xf32>
    %get3A_12 = vector.shape_cast %get3A_11 : vector<1x2000x128xf32> to vector<2000x128xf32>
    %get3A_13 = arith.constant 8 : index
    %get3A_14 = arith.constant 0 : index
    %get3A_15 = vector.load %arg3[%get3A_13, %get3A_14] : memref<264x128xf32, #tpu.memory_space<vmem>>, vector<128x128xf32>
    %dot_general3A_16 = arith.constant dense<0.000000e+00> : vector<2000x128xf32>
    %dot_general3A_17 = tpu.matmul %get3A_12, %get3A_15, %dot_general3A_16 {dimension_numbers = #tpu.dot_dimension_numbers<[1], [0], [0], [1], [0, 0, 1, 1], [], []>, transpose_lhs_hint = false} : vector<2000x128xf32>, vector<128x128xf32>, vector<2000x128xf32> -> vector<2000x128xf32>
    %add3A = arith.addf %dot_general3A_7, %dot_general3A_17 : vector<2000x128xf32>
    %get3A_18 = arith.constant 1 : index
    %get3A_19 = arith.constant 0 : index
    %get3A_20 = arith.constant 0 : index
    %get3A_21 = vector.load %arg2[%get3A_18, %get3A_19, %get3A_20] : memref<2x2000x128xf32, #tpu.memory_space<vmem>>, vector<1x2000x128xf32>
    %get3A_22 = vector.shape_cast %get3A_21 : vector<1x2000x128xf32> to vector<2000x128xf32>
    %get3A_23 = arith.constant 136 : index
    %get3A_24 = arith.constant 0 : index
    %get3A_25 = vector.load %arg3[%get3A_23, %get3A_24] : memref<264x128xf32, #tpu.memory_space<vmem>>, vector<128x128xf32>
    %dot_general3A_26 = arith.constant dense<0.000000e+00> : vector<2000x128xf32>
    %dot_general3A_27 = tpu.matmul %get3A_22, %get3A_25, %dot_general3A_26 {dimension_numbers = #tpu.dot_dimension_numbers<[1], [0], [0], [1], [0, 0, 1, 1], [], []>, transpose_lhs_hint = false} : vector<2000x128xf32>, vector<128x128xf32>, vector<2000x128xf32> -> vector<2000x128xf32>
    %add3A_28 = arith.addf %add3A, %dot_general3A_27 : vector<2000x128xf32>
    %logistic3A = arith.negf %add3A_28 : vector<2000x128xf32>
    %logistic3A_29 = math.exp %logistic3A : vector<2000x128xf32>
    %logistic3A_30 = arith.constant 1.000000e+00 : f32
    %logistic3A_31 = vector.broadcast %logistic3A_30 : f32 to vector<2000x128xf32>
    %logistic3A_32 = arith.addf %logistic3A_31, %logistic3A_29 : vector<2000x128xf32>
    %logistic3A_33 = arith.divf %logistic3A_31, %logistic3A_32 : vector<2000x128xf32>
    %mul3A = arith.mulf %add3A_28, %logistic3A_33 : vector<2000x128xf32>
    %get3A_34 = arith.constant 0 : index
    %get3A_35 = arith.constant 0 : index
    %get3A_36 = vector.load %arg4[%get3A_34, %get3A_35] : memref<128x128xf32, #tpu.memory_space<vmem>>, vector<128x128xf32>
    %dot_general3A_37 = arith.constant dense<0.000000e+00> : vector<2000x128xf32>
    %dot_general3A_38 = tpu.matmul %mul3A, %get3A_36, %dot_general3A_37 {dimension_numbers = #tpu.dot_dimension_numbers<[1], [0], [0], [1], [0, 0, 1, 1], [], []>, transpose_lhs_hint = false} : vector<2000x128xf32>, vector<128x128xf32>, vector<2000x128xf32> -> vector<2000x128xf32>
    %mul3A_39 = vector.broadcast %slice3A_3 : vector<2000x1xf32> to vector<2000x128xf32>
    %mul3A_40 = arith.mulf %dot_general3A_38, %mul3A_39 : vector<2000x128xf32>
    %get3A_41 = arith.constant 0 : index
    %get3A_42 = arith.constant 0 : index
    %get3A_43 = vector.load %arg5[%get3A_41, %get3A_42] : memref<128x128xf32, #tpu.memory_space<vmem>>, vector<128x128xf32>
    %dot_general3A_44 = arith.constant dense<0.000000e+00> : vector<2000x128xf32>
    %dot_general3A_45 = tpu.matmul %mul3A_40, %get3A_43, %dot_general3A_44 {dimension_numbers = #tpu.dot_dimension_numbers<[1], [0], [0], [1], [0, 0, 1, 1], [], []>, transpose_lhs_hint = false} : vector<2000x128xf32>, vector<128x128xf32>, vector<2000x128xf32> -> vector<2000x128xf32>
    %convert_element_type3A = arith.truncf %mul3A_40 : vector<2000x128xf32> to vector<2000x128xbf16>
    %swap3A = arith.constant 0 : index
    %swap3A_46 = arith.constant 0 : index
    %swap3A_47 = vector.load %arg8[%swap3A, %swap3A_46] : memref<2000x128xbf16, #tpu.memory_space<vmem>>, vector<2000x128xbf16>
    tpu.vector_store %arg8[%swap3A, %swap3A_46], %convert_element_type3A {strides = array<i32>} : memref<2000x128xbf16, #tpu.memory_space<vmem>>, vector<2000x128xbf16>,
    %swap3A_48 = arith.constant 0 : index
    %swap3A_49 = arith.constant 0 : index
    %swap3A_50 = vector.load %arg10[%swap3A_48, %swap3A_49] : memref<2000x1xf32, #tpu.memory_space<vmem>>, vector<2000x1xf32>
    tpu.vector_store %arg10[%swap3A_48, %swap3A_49], %slice3A_3 {strides = array<i32>} : memref<2000x1xf32, #tpu.memory_space<vmem>>, vector<2000x1xf32>,
    %get3A_51 = arith.constant 0 : index
    %get3A_52 = arith.constant 0 : index
    %get3A_53 = vector.load %arg6[%get3A_51, %get3A_52] : memref<16x128xf32, #tpu.memory_space<vmem>>, vector<16x128xf32>
    %dot_general3A_54 = arith.constant dense<0.000000e+00> : vector<2000x128xf32>
    %dot_general3A_55 = tpu.matmul %slice3A_2, %get3A_53, %dot_general3A_54 {dimension_numbers = #tpu.dot_dimension_numbers<[1], [0], [0], [1], [0, 0, 1, 1], [], []>, transpose_lhs_hint = false} : vector<2000x16xf32>, vector<16x128xf32>, vector<2000x128xf32> -> vector<2000x128xf32>
    %mul3A_56 = arith.mulf %dot_general3A_55, %dot_general3A_45 : vector<2000x128xf32>
    %swap3A_57 = arith.constant 0 : index
    %swap3A_58 = arith.constant 0 : index
    %swap3A_59 = arith.constant 0 : index
    %swap3A_60 = vector.load %arg9[%swap3A_57, %swap3A_58, %swap3A_59] : memref<2x2000x128xf32, #tpu.memory_space<vmem>>, vector<1x2000x128xf32>
    %swap3A_61 = vector.shape_cast %swap3A_60 : vector<1x2000x128xf32> to vector<2000x128xf32>
    %swap3A_62 = vector.shape_cast %mul3A_56 : vector<2000x128xf32> to vector<1x2000x128xf32>
    tpu.vector_store %arg9[%swap3A_57, %swap3A_58, %swap3A_59], %swap3A_62 {strides = array<i32>} : memref<2x2000x128xf32, #tpu.memory_space<vmem>>, vector<1x2000x128xf32>,
    %get3A_63 = arith.constant 0 : index
    %get3A_64 = arith.constant 0 : index
    %get3A_65 = vector.load %arg7[%get3A_63, %get3A_64] : memref<16x128xf32, #tpu.memory_space<vmem>>, vector<16x128xf32>
    %dot_general3A_66 = arith.constant dense<0.000000e+00> : vector<2000x128xf32>
    %dot_general3A_67 = tpu.matmul %slice3A_2, %get3A_65, %dot_general3A_66 {dimension_numbers = #tpu.dot_dimension_numbers<[1], [0], [0], [1], [0, 0, 1, 1], [], []>, transpose_lhs_hint = false} : vector<2000x16xf32>, vector<16x128xf32>, vector<2000x128xf32> -> vector<2000x128xf32>
    %mul3A_68 = arith.mulf %dot_general3A_67, %dot_general3A_45 : vector<2000x128xf32>
    %swap3A_69 = arith.constant 1 : index
    %swap3A_70 = arith.constant 0 : index
    %swap3A_71 = arith.constant 0 : index
    %swap3A_72 = vector.load %arg9[%swap3A_69, %swap3A_70, %swap3A_71] : memref<2x2000x128xf32, #tpu.memory_space<vmem>>, vector<1x2000x128xf32>
    %swap3A_73 = vector.shape_cast %swap3A_72 : vector<1x2000x128xf32> to vector<2000x128xf32>
    %swap3A_74 = vector.shape_cast %mul3A_68 : vector<2000x128xf32> to vector<1x2000x128xf32>
    tpu.vector_store %arg9[%swap3A_69, %swap3A_70, %swap3A_71], %swap3A_74 {strides = array<i32>} : memref<2x2000x128xf32, #tpu.memory_space<vmem>>, vector<1x2000x128xf32>,
    return
  }
  func.func @transform_0(%arg0: i32) -> (i32, i32) {
    %c0_i32 = arith.constant 0 : i32
    %c0_i32_0 = arith.constant 0 : i32
    return %arg0, %c0_i32 : i32, i32
  }
  func.func @transform_1(%arg0: i32) -> (i32, i32, i32) {
    %c0_i32 = arith.constant 0 : i32
    %c0_i32_0 = arith.constant 0 : i32
    %c0_i32_1 = arith.constant 0 : i32
    return %c0_i32, %arg0, %c0_i32_0 : i32, i32, i32
  }
  func.func @transform_2(%arg0: i32) -> (i32, i32) {
    %c0_i32 = arith.constant 0 : i32
    %c0_i32_0 = arith.constant 0 : i32
    %c0_i32_1 = arith.constant 0 : i32
    return %c0_i32, %c0_i32_0 : i32, i32
  }
  func.func @transform_3(%arg0: i32) -> (i32, i32) {
    %c0_i32 = arith.constant 0 : i32
    %c0_i32_0 = arith.constant 0 : i32
    %c0_i32_1 = arith.constant 0 : i32
    return %c0_i32, %c0_i32_0 : i32, i32
  }
  func.func @transform_4(%arg0: i32) -> (i32, i32) {
    %c0_i32 = arith.constant 0 : i32
    %c0_i32_0 = arith.constant 0 : i32
    %c0_i32_1 = arith.constant 0 : i32
    return %c0_i32, %c0_i32_0 : i32, i32
  }
  func.func @transform_5(%arg0: i32) -> (i32, i32) {
    %c0_i32 = arith.constant 0 : i32
    %c0_i32_0 = arith.constant 0 : i32
    %c0_i32_1 = arith.constant 0 : i32
    return %c0_i32, %c0_i32_0 : i32, i32
  }
  func.func @transform_6(%arg0: i32) -> (i32, i32) {
    %c0_i32 = arith.constant 0 : i32
    %c0_i32_0 = arith.constant 0 : i32
    %c0_i32_1 = arith.constant 0 : i32
    return %c0_i32, %c0_i32_0 : i32, i32
  }
  func.func @transform_7(%arg0: i32) -> (i32, i32) {
    %c0_i32 = arith.constant 0 : i32
    %c0_i32_0 = arith.constant 0 : i32
    return %arg0, %c0_i32 : i32, i32
  }
  func.func @transform_8(%arg0: i32) -> (i32, i32, i32) {
    %c0_i32 = arith.constant 0 : i32
    %c0_i32_0 = arith.constant 0 : i32
    %c0_i32_1 = arith.constant 0 : i32
    return %c0_i32, %arg0, %c0_i32_0 : i32, i32, i32
  }
  func.func @transform_9(%arg0: i32) -> (i32, i32) {
    %c0_i32 = arith.constant 0 : i32
    %c0_i32_0 = arith.constant 0 : i32
    return %arg0, %c0_i32 : i32, i32
  }
}

module attributes {stable_mosaic.version = 14 : i64} {
  func.func @_layer_kernel(%arg0: i32, %arg1: memref<2000x128xbf16, #tpu.memory_space<vmem>>, %arg2: memref<2x2000x128xf32, #tpu.memory_space<vmem>>, %arg3: memref<2x2000x128xf32, #tpu.memory_space<vmem>>, %arg4: memref<2000x1xf32, #tpu.memory_space<vmem>>, %arg5: memref<128x128xf32, #tpu.memory_space<vmem>>, %arg6: memref<128x128xf32, #tpu.memory_space<vmem>>, %arg7: memref<128x128xf32, #tpu.memory_space<vmem>>, %arg8: memref<128x128xf32, #tpu.memory_space<vmem>>, %arg9: memref<2000x128xbf16, #tpu.memory_space<vmem>>, %arg10: memref<2x2000x128xf32, #tpu.memory_space<vmem>>) attributes {dimension_semantics = [#tpu.dimension_semantics<arbitrary>], iteration_bounds = array<i64: 80>, scalar_prefetch = 0 : i64, scratch_operands = 0 : i64, tpu.core_type = #tpu.core_type<tc>, window_params = [{transform_indices = @transform_0, window_bounds = array<i64: 2000, 128>}, {transform_indices = @transform_1, window_bounds = array<i64: 2, 2000, 128>}, {transform_indices = @transform_2, window_bounds = array<i64: 2, 2000, 128>}, {transform_indices = @transform_3, window_bounds = array<i64: 2000, 1>}, {pipeline_mode = #tpu.pipeline_mode<synchronous>, transform_indices = @transform_4, window_bounds = array<i64: 128, 128>}, {pipeline_mode = #tpu.pipeline_mode<synchronous>, transform_indices = @transform_5, window_bounds = array<i64: 128, 128>}, {pipeline_mode = #tpu.pipeline_mode<synchronous>, transform_indices = @transform_6, window_bounds = array<i64: 128, 128>}, {pipeline_mode = #tpu.pipeline_mode<synchronous>, transform_indices = @transform_7, window_bounds = array<i64: 128, 128>}, {transform_indices = @transform_8, window_bounds = array<i64: 2000, 128>}, {transform_indices = @transform_9, window_bounds = array<i64: 2, 2000, 128>}]} {
    %get3A = arith.constant 0 : index
    %get3A_0 = arith.constant 0 : index
    %get3A_1 = vector.load %arg1[%get3A, %get3A_0] : memref<2000x128xbf16, #tpu.memory_space<vmem>>, vector<2000x128xbf16>
    %convert_element_type3A = arith.extf %get3A_1 : vector<2000x128xbf16> to vector<2000x128xf32>
    %get3A_2 = arith.constant 0 : index
    %get3A_3 = arith.constant 0 : index
    %get3A_4 = vector.load %arg4[%get3A_2, %get3A_3] : memref<2000x1xf32, #tpu.memory_space<vmem>>, vector<2000x1xf32>
    %get3A_5 = arith.constant 0 : index
    %get3A_6 = arith.constant 0 : index
    %get3A_7 = arith.constant 0 : index
    %get3A_8 = vector.load %arg2[%get3A_5, %get3A_6, %get3A_7] : memref<2x2000x128xf32, #tpu.memory_space<vmem>>, vector<1x2000x128xf32>
    %get3A_9 = vector.shape_cast %get3A_8 : vector<1x2000x128xf32> to vector<2000x128xf32>
    %get3A_10 = arith.constant 1 : index
    %get3A_11 = arith.constant 0 : index
    %get3A_12 = arith.constant 0 : index
    %get3A_13 = vector.load %arg2[%get3A_10, %get3A_11, %get3A_12] : memref<2x2000x128xf32, #tpu.memory_space<vmem>>, vector<1x2000x128xf32>
    %get3A_14 = vector.shape_cast %get3A_13 : vector<1x2000x128xf32> to vector<2000x128xf32>
    %get3A_15 = arith.constant 0 : index
    %get3A_16 = arith.constant 0 : index
    %get3A_17 = arith.constant 0 : index
    %get3A_18 = vector.load %arg3[%get3A_15, %get3A_16, %get3A_17] : memref<2x2000x128xf32, #tpu.memory_space<vmem>>, vector<1x2000x128xf32>
    %get3A_19 = vector.shape_cast %get3A_18 : vector<1x2000x128xf32> to vector<2000x128xf32>
    %get3A_20 = arith.constant 1 : index
    %get3A_21 = arith.constant 0 : index
    %get3A_22 = arith.constant 0 : index
    %get3A_23 = vector.load %arg3[%get3A_20, %get3A_21, %get3A_22] : memref<2x2000x128xf32, #tpu.memory_space<vmem>>, vector<1x2000x128xf32>
    %get3A_24 = vector.shape_cast %get3A_23 : vector<1x2000x128xf32> to vector<2000x128xf32>
    %mul3A = arith.mulf %get3A_9, %get3A_19 : vector<2000x128xf32>
    %mul3A_25 = arith.mulf %get3A_14, %get3A_24 : vector<2000x128xf32>
    %add3A = arith.addf %mul3A, %mul3A_25 : vector<2000x128xf32>
    %get3A_26 = arith.constant 0 : index
    %get3A_27 = arith.constant 0 : index
    %get3A_28 = vector.load %arg5[%get3A_26, %get3A_27] : memref<128x128xf32, #tpu.memory_space<vmem>>, vector<128x128xf32>
    %dot_general3A = arith.constant dense<0.000000e+00> : vector<2000x128xf32>
    %dot_general3A_29 = tpu.matmul %convert_element_type3A, %get3A_28, %dot_general3A {dimension_numbers = #tpu.dot_dimension_numbers<[1], [0], [0], [1], [0, 0, 1, 1], [], []>, transpose_lhs_hint = false} : vector<2000x128xf32>, vector<128x128xf32>, vector<2000x128xf32> -> vector<2000x128xf32>
    %get3A_30 = arith.constant 0 : index
    %get3A_31 = arith.constant 0 : index
    %get3A_32 = vector.load %arg6[%get3A_30, %get3A_31] : memref<128x128xf32, #tpu.memory_space<vmem>>, vector<128x128xf32>
    %dot_general3A_33 = arith.constant dense<0.000000e+00> : vector<2000x128xf32>
    %dot_general3A_34 = tpu.matmul %add3A, %get3A_32, %dot_general3A_33 {dimension_numbers = #tpu.dot_dimension_numbers<[1], [0], [0], [1], [0, 0, 1, 1], [], []>, transpose_lhs_hint = false} : vector<2000x128xf32>, vector<128x128xf32>, vector<2000x128xf32> -> vector<2000x128xf32>
    %add3A_35 = arith.addf %dot_general3A_29, %dot_general3A_34 : vector<2000x128xf32>
    %logistic3A = arith.negf %add3A_35 : vector<2000x128xf32>
    %logistic3A_36 = math.exp %logistic3A : vector<2000x128xf32>
    %logistic3A_37 = arith.constant 1.000000e+00 : f32
    %logistic3A_38 = vector.broadcast %logistic3A_37 : f32 to vector<2000x128xf32>
    %logistic3A_39 = arith.addf %logistic3A_38, %logistic3A_36 : vector<2000x128xf32>
    %logistic3A_40 = arith.divf %logistic3A_38, %logistic3A_39 : vector<2000x128xf32>
    %mul3A_41 = arith.mulf %add3A_35, %logistic3A_40 : vector<2000x128xf32>
    %get3A_42 = arith.constant 0 : index
    %get3A_43 = arith.constant 0 : index
    %get3A_44 = vector.load %arg7[%get3A_42, %get3A_43] : memref<128x128xf32, #tpu.memory_space<vmem>>, vector<128x128xf32>
    %dot_general3A_45 = arith.constant dense<0.000000e+00> : vector<2000x128xf32>
    %dot_general3A_46 = tpu.matmul %mul3A_41, %get3A_44, %dot_general3A_45 {dimension_numbers = #tpu.dot_dimension_numbers<[1], [0], [0], [1], [0, 0, 1, 1], [], []>, transpose_lhs_hint = false} : vector<2000x128xf32>, vector<128x128xf32>, vector<2000x128xf32> -> vector<2000x128xf32>
    %mul3A_47 = vector.broadcast %get3A_4 : vector<2000x1xf32> to vector<2000x128xf32>
    %mul3A_48 = arith.mulf %dot_general3A_46, %mul3A_47 : vector<2000x128xf32>
    %add3A_49 = arith.addf %mul3A_48, %convert_element_type3A : vector<2000x128xf32>
    %mul3A_50 = arith.constant 0.707106769 : f32
    %mul3A_51 = vector.broadcast %mul3A_50 : f32 to vector<2000x128xf32>
    %mul3A_52 = arith.mulf %add3A_49, %mul3A_51 : vector<2000x128xf32>
    %convert_element_type3A_53 = arith.truncf %mul3A_52 : vector<2000x128xf32> to vector<2000x128xbf16>
    %swap3A = arith.constant 0 : index
    %swap3A_54 = arith.constant 0 : index
    %swap3A_55 = vector.load %arg9[%swap3A, %swap3A_54] : memref<2000x128xbf16, #tpu.memory_space<vmem>>, vector<2000x128xbf16>
    tpu.vector_store %arg9[%swap3A, %swap3A_54], %convert_element_type3A_53 {strides = array<i32>} : memref<2000x128xbf16, #tpu.memory_space<vmem>>, vector<2000x128xbf16>,
    %get3A_56 = arith.constant 0 : index
    %get3A_57 = arith.constant 0 : index
    %get3A_58 = vector.load %arg8[%get3A_56, %get3A_57] : memref<128x128xf32, #tpu.memory_space<vmem>>, vector<128x128xf32>
    %dot_general3A_59 = arith.constant dense<0.000000e+00> : vector<2000x128xf32>
    %dot_general3A_60 = tpu.matmul %mul3A_52, %get3A_58, %dot_general3A_59 {dimension_numbers = #tpu.dot_dimension_numbers<[1], [0], [0], [1], [0, 0, 1, 1], [], []>, transpose_lhs_hint = false} : vector<2000x128xf32>, vector<128x128xf32>, vector<2000x128xf32> -> vector<2000x128xf32>
    %mul3A_61 = arith.mulf %get3A_19, %dot_general3A_60 : vector<2000x128xf32>
    %add3A_62 = arith.addf %get3A_9, %mul3A_61 : vector<2000x128xf32>
    %mul3A_63 = arith.constant 0.707106769 : f32
    %mul3A_64 = vector.broadcast %mul3A_63 : f32 to vector<2000x128xf32>
    %mul3A_65 = arith.mulf %add3A_62, %mul3A_64 : vector<2000x128xf32>
    %swap3A_66 = arith.constant 0 : index
    %swap3A_67 = arith.constant 0 : index
    %swap3A_68 = arith.constant 0 : index
    %swap3A_69 = vector.load %arg10[%swap3A_66, %swap3A_67, %swap3A_68] : memref<2x2000x128xf32, #tpu.memory_space<vmem>>, vector<1x2000x128xf32>
    %swap3A_70 = vector.shape_cast %swap3A_69 : vector<1x2000x128xf32> to vector<2000x128xf32>
    %swap3A_71 = vector.shape_cast %mul3A_65 : vector<2000x128xf32> to vector<1x2000x128xf32>
    tpu.vector_store %arg10[%swap3A_66, %swap3A_67, %swap3A_68], %swap3A_71 {strides = array<i32>} : memref<2x2000x128xf32, #tpu.memory_space<vmem>>, vector<1x2000x128xf32>,
    %mul3A_72 = arith.mulf %get3A_24, %dot_general3A_60 : vector<2000x128xf32>
    %add3A_73 = arith.addf %get3A_14, %mul3A_72 : vector<2000x128xf32>
    %mul3A_74 = arith.constant 0.707106769 : f32
    %mul3A_75 = vector.broadcast %mul3A_74 : f32 to vector<2000x128xf32>
    %mul3A_76 = arith.mulf %add3A_73, %mul3A_75 : vector<2000x128xf32>
    %swap3A_77 = arith.constant 1 : index
    %swap3A_78 = arith.constant 0 : index
    %swap3A_79 = arith.constant 0 : index
    %swap3A_80 = vector.load %arg10[%swap3A_77, %swap3A_78, %swap3A_79] : memref<2x2000x128xf32, #tpu.memory_space<vmem>>, vector<1x2000x128xf32>
    %swap3A_81 = vector.shape_cast %swap3A_80 : vector<1x2000x128xf32> to vector<2000x128xf32>
    %swap3A_82 = vector.shape_cast %mul3A_76 : vector<2000x128xf32> to vector<1x2000x128xf32>
    tpu.vector_store %arg10[%swap3A_77, %swap3A_78, %swap3A_79], %swap3A_82 {strides = array<i32>} : memref<2x2000x128xf32, #tpu.memory_space<vmem>>, vector<1x2000x128xf32>,
    return
  }
  func.func @transform_0(%arg0: i32) -> (i32, i32) {
    %c0_i32 = arith.constant 0 : i32
    %c0_i32_0 = arith.constant 0 : i32
    return %arg0, %c0_i32 : i32, i32
  }
  func.func @transform_1(%arg0: i32) -> (i32, i32, i32) {
    %c0_i32 = arith.constant 0 : i32
    %c0_i32_0 = arith.constant 0 : i32
    %c0_i32_1 = arith.constant 0 : i32
    return %c0_i32, %arg0, %c0_i32_0 : i32, i32, i32
  }
  func.func @transform_2(%arg0: i32) -> (i32, i32, i32) {
    %c0_i32 = arith.constant 0 : i32
    %c0_i32_0 = arith.constant 0 : i32
    %c0_i32_1 = arith.constant 0 : i32
    return %c0_i32, %arg0, %c0_i32_0 : i32, i32, i32
  }
  func.func @transform_3(%arg0: i32) -> (i32, i32) {
    %c0_i32 = arith.constant 0 : i32
    %c0_i32_0 = arith.constant 0 : i32
    return %arg0, %c0_i32 : i32, i32
  }
  func.func @transform_4(%arg0: i32) -> (i32, i32) {
    %c0_i32 = arith.constant 0 : i32
    %c0_i32_0 = arith.constant 0 : i32
    %c0_i32_1 = arith.constant 0 : i32
    return %c0_i32, %c0_i32_0 : i32, i32
  }
  func.func @transform_5(%arg0: i32) -> (i32, i32) {
    %c0_i32 = arith.constant 0 : i32
    %c0_i32_0 = arith.constant 0 : i32
    %c0_i32_1 = arith.constant 0 : i32
    return %c0_i32, %c0_i32_0 : i32, i32
  }
  func.func @transform_6(%arg0: i32) -> (i32, i32) {
    %c0_i32 = arith.constant 0 : i32
    %c0_i32_0 = arith.constant 0 : i32
    %c0_i32_1 = arith.constant 0 : i32
    return %c0_i32, %c0_i32_0 : i32, i32
  }
  func.func @transform_7(%arg0: i32) -> (i32, i32) {
    %c0_i32 = arith.constant 0 : i32
    %c0_i32_0 = arith.constant 0 : i32
    %c0_i32_1 = arith.constant 0 : i32
    return %c0_i32, %c0_i32_0 : i32, i32
  }
  func.func @transform_8(%arg0: i32) -> (i32, i32) {
    %c0_i32 = arith.constant 0 : i32
    %c0_i32_0 = arith.constant 0 : i32
    return %arg0, %c0_i32 : i32, i32
  }
  func.func @transform_9(%arg0: i32) -> (i32, i32, i32) {
    %c0_i32 = arith.constant 0 : i32
    %c0_i32_0 = arith.constant 0 : i32
    %c0_i32_1 = arith.constant 0 : i32
    return %c0_i32, %arg0, %c0_i32_0 : i32, i32, i32
  }
}

module attributes {stable_mosaic.version = 14 : i64} {
  func.func @_final_kernel(%arg0: i32, %arg1: memref<2048x128xbf16, #tpu.memory_space<vmem>>, %arg2: memref<2x2048x128xf32, #tpu.memory_space<vmem>>, %arg3: memref<2x2048x128xf32, #tpu.memory_space<vmem>>, %arg4: memref<2048x1xf32, #tpu.memory_space<vmem>>, %arg5: memref<128x128xf32, #tpu.memory_space<vmem>>, %arg6: memref<128x128xf32, #tpu.memory_space<vmem>>, %arg7: memref<128x128xf32, #tpu.memory_space<vmem>>, %arg8: memref<128x1xf32, #tpu.memory_space<vmem>>, %arg9: memref<16x128xf32, #tpu.memory_space<vmem>>) attributes {dimension_semantics = [#tpu.dimension_semantics<arbitrary>], iteration_bounds = array<i64: 79>, scalar_prefetch = 0 : i64, scratch_operands = 0 : i64, tpu.core_type = #tpu.core_type<tc>, window_params = [{transform_indices = @transform_0, window_bounds = array<i64: 2048, 128>}, {transform_indices = @transform_1, window_bounds = array<i64: 2, 2048, 128>}, {transform_indices = @transform_2, window_bounds = array<i64: 2, 2048, 128>}, {transform_indices = @transform_3, window_bounds = array<i64: 2048, 1>}, {pipeline_mode = #tpu.pipeline_mode<synchronous>, transform_indices = @transform_4, window_bounds = array<i64: 128, 128>}, {pipeline_mode = #tpu.pipeline_mode<synchronous>, transform_indices = @transform_5, window_bounds = array<i64: 128, 128>}, {pipeline_mode = #tpu.pipeline_mode<synchronous>, transform_indices = @transform_6, window_bounds = array<i64: 128, 128>}, {pipeline_mode = #tpu.pipeline_mode<synchronous>, transform_indices = @transform_7, window_bounds = array<i64: 128, 1>}, {transform_indices = @transform_8, window_bounds = array<i64: 16, 128>}]} {
    %get3A = arith.constant 0 : index
    %get3A_0 = arith.constant 0 : index
    %get3A_1 = vector.load %arg1[%get3A, %get3A_0] : memref<2048x128xbf16, #tpu.memory_space<vmem>>, vector<2048x128xbf16>
    %convert_element_type3A = arith.extf %get3A_1 : vector<2048x128xbf16> to vector<2048x128xf32>
    %get3A_2 = arith.constant 0 : index
    %get3A_3 = arith.constant 0 : index
    %get3A_4 = vector.load %arg4[%get3A_2, %get3A_3] : memref<2048x1xf32, #tpu.memory_space<vmem>>, vector<2048x1xf32>
    %get3A_5 = arith.constant 0 : index
    %get3A_6 = arith.constant 0 : index
    %get3A_7 = arith.constant 0 : index
    %get3A_8 = vector.load %arg2[%get3A_5, %get3A_6, %get3A_7] : memref<2x2048x128xf32, #tpu.memory_space<vmem>>, vector<1x2048x128xf32>
    %get3A_9 = vector.shape_cast %get3A_8 : vector<1x2048x128xf32> to vector<2048x128xf32>
    %get3A_10 = arith.constant 0 : index
    %get3A_11 = arith.constant 0 : index
    %get3A_12 = arith.constant 0 : index
    %get3A_13 = vector.load %arg3[%get3A_10, %get3A_11, %get3A_12] : memref<2x2048x128xf32, #tpu.memory_space<vmem>>, vector<1x2048x128xf32>
    %get3A_14 = vector.shape_cast %get3A_13 : vector<1x2048x128xf32> to vector<2048x128xf32>
    %mul3A = arith.mulf %get3A_9, %get3A_14 : vector<2048x128xf32>
    %get3A_15 = arith.constant 1 : index
    %get3A_16 = arith.constant 0 : index
    %get3A_17 = arith.constant 0 : index
    %get3A_18 = vector.load %arg2[%get3A_15, %get3A_16, %get3A_17] : memref<2x2048x128xf32, #tpu.memory_space<vmem>>, vector<1x2048x128xf32>
    %get3A_19 = vector.shape_cast %get3A_18 : vector<1x2048x128xf32> to vector<2048x128xf32>
    %get3A_20 = arith.constant 1 : index
    %get3A_21 = arith.constant 0 : index
    %get3A_22 = arith.constant 0 : index
    %get3A_23 = vector.load %arg3[%get3A_20, %get3A_21, %get3A_22] : memref<2x2048x128xf32, #tpu.memory_space<vmem>>, vector<1x2048x128xf32>
    %get3A_24 = vector.shape_cast %get3A_23 : vector<1x2048x128xf32> to vector<2048x128xf32>
    %mul3A_25 = arith.mulf %get3A_19, %get3A_24 : vector<2048x128xf32>
    %add3A = arith.addf %mul3A, %mul3A_25 : vector<2048x128xf32>
    %get3A_26 = arith.constant 0 : index
    %get3A_27 = arith.constant 0 : index
    %get3A_28 = vector.load %arg5[%get3A_26, %get3A_27] : memref<128x128xf32, #tpu.memory_space<vmem>>, vector<128x128xf32>
    %dot_general3A = arith.constant dense<0.000000e+00> : vector<2048x128xf32>
    %dot_general3A_29 = tpu.matmul %convert_element_type3A, %get3A_28, %dot_general3A {dimension_numbers = #tpu.dot_dimension_numbers<[1], [0], [0], [1], [0, 0, 1, 1], [], []>, transpose_lhs_hint = false} : vector<2048x128xf32>, vector<128x128xf32>, vector<2048x128xf32> -> vector<2048x128xf32>
    %get3A_30 = arith.constant 0 : index
    %get3A_31 = arith.constant 0 : index
    %get3A_32 = vector.load %arg6[%get3A_30, %get3A_31] : memref<128x128xf32, #tpu.memory_space<vmem>>, vector<128x128xf32>
    %dot_general3A_33 = arith.constant dense<0.000000e+00> : vector<2048x128xf32>
    %dot_general3A_34 = tpu.matmul %add3A, %get3A_32, %dot_general3A_33 {dimension_numbers = #tpu.dot_dimension_numbers<[1], [0], [0], [1], [0, 0, 1, 1], [], []>, transpose_lhs_hint = false} : vector<2048x128xf32>, vector<128x128xf32>, vector<2048x128xf32> -> vector<2048x128xf32>
    %add3A_35 = arith.addf %dot_general3A_29, %dot_general3A_34 : vector<2048x128xf32>
    %logistic3A = arith.negf %add3A_35 : vector<2048x128xf32>
    %logistic3A_36 = math.exp %logistic3A : vector<2048x128xf32>
    %logistic3A_37 = arith.constant 1.000000e+00 : f32
    %logistic3A_38 = vector.broadcast %logistic3A_37 : f32 to vector<2048x128xf32>
    %logistic3A_39 = arith.addf %logistic3A_38, %logistic3A_36 : vector<2048x128xf32>
    %logistic3A_40 = arith.divf %logistic3A_38, %logistic3A_39 : vector<2048x128xf32>
    %mul3A_41 = arith.mulf %add3A_35, %logistic3A_40 : vector<2048x128xf32>
    %get3A_42 = arith.constant 0 : index
    %get3A_43 = arith.constant 0 : index
    %get3A_44 = vector.load %arg7[%get3A_42, %get3A_43] : memref<128x128xf32, #tpu.memory_space<vmem>>, vector<128x128xf32>
    %dot_general3A_45 = arith.constant dense<0.000000e+00> : vector<2048x128xf32>
    %dot_general3A_46 = tpu.matmul %mul3A_41, %get3A_44, %dot_general3A_45 {dimension_numbers = #tpu.dot_dimension_numbers<[1], [0], [0], [1], [0, 0, 1, 1], [], []>, transpose_lhs_hint = false} : vector<2048x128xf32>, vector<128x128xf32>, vector<2048x128xf32> -> vector<2048x128xf32>
    %mul3A_47 = vector.broadcast %get3A_4 : vector<2048x1xf32> to vector<2048x128xf32>
    %mul3A_48 = arith.mulf %dot_general3A_46, %mul3A_47 : vector<2048x128xf32>
    %add3A_49 = arith.addf %mul3A_48, %convert_element_type3A : vector<2048x128xf32>
    %mul3A_50 = arith.constant 0.707106769 : f32
    %mul3A_51 = vector.broadcast %mul3A_50 : f32 to vector<2048x128xf32>
    %mul3A_52 = arith.mulf %add3A_49, %mul3A_51 : vector<2048x128xf32>
    %get3A_53 = arith.constant 0 : index
    %get3A_54 = arith.constant 0 : index
    %get3A_55 = vector.load %arg8[%get3A_53, %get3A_54] : memref<128x1xf32, #tpu.memory_space<vmem>>, vector<128x1xf32>
    %dot_general3A_56 = arith.constant dense<0.000000e+00> : vector<2048x1xf32>
    %dot_general3A_57 = tpu.matmul %mul3A_52, %get3A_55, %dot_general3A_56 {dimension_numbers = #tpu.dot_dimension_numbers<[1], [0], [0], [1], [0, 0, 1, 1], [], []>, transpose_lhs_hint = false} : vector<2048x128xf32>, vector<128x1xf32>, vector<2048x1xf32> -> vector<2048x1xf32>
    %mul3A_58 = arith.mulf %dot_general3A_57, %get3A_4 : vector<2048x1xf32>
    %reshape3A = vector.shape_cast %mul3A_58 : vector<2048x1xf32> to vector<16x128xf32>
    %swap3A = arith.constant 0 : index
    %swap3A_59 = arith.constant 0 : index
    %swap3A_60 = vector.load %arg9[%swap3A, %swap3A_59] : memref<16x128xf32, #tpu.memory_space<vmem>>, vector<16x128xf32>
    tpu.vector_store %arg9[%swap3A, %swap3A_59], %reshape3A {strides = array<i32>} : memref<16x128xf32, #tpu.memory_space<vmem>>, vector<16x128xf32>,
    return
  }
  func.func @transform_0(%arg0: i32) -> (i32, i32) {
    %c0_i32 = arith.constant 0 : i32
    %c0_i32_0 = arith.constant 0 : i32
    return %arg0, %c0_i32 : i32, i32
  }
  func.func @transform_1(%arg0: i32) -> (i32, i32, i32) {
    %c0_i32 = arith.constant 0 : i32
    %c0_i32_0 = arith.constant 0 : i32
    %c0_i32_1 = arith.constant 0 : i32
    return %c0_i32, %arg0, %c0_i32_0 : i32, i32, i32
  }
  func.func @transform_2(%arg0: i32) -> (i32, i32, i32) {
    %c0_i32 = arith.constant 0 : i32
    %c0_i32_0 = arith.constant 0 : i32
    %c0_i32_1 = arith.constant 0 : i32
    return %c0_i32, %arg0, %c0_i32_0 : i32, i32, i32
  }
  func.func @transform_3(%arg0: i32) -> (i32, i32) {
    %c0_i32 = arith.constant 0 : i32
    %c0_i32_0 = arith.constant 0 : i32
    return %arg0, %c0_i32 : i32, i32
  }
  func.func @transform_4(%arg0: i32) -> (i32, i32) {
    %c0_i32 = arith.constant 0 : i32
    %c0_i32_0 = arith.constant 0 : i32
    %c0_i32_1 = arith.constant 0 : i32
    return %c0_i32, %c0_i32_0 : i32, i32
  }
  func.func @transform_5(%arg0: i32) -> (i32, i32) {
    %c0_i32 = arith.constant 0 : i32
    %c0_i32_0 = arith.constant 0 : i32
    %c0_i32_1 = arith.constant 0 : i32
    return %c0_i32, %c0_i32_0 : i32, i32
  }
  func.func @transform_6(%arg0: i32) -> (i32, i32) {
    %c0_i32 = arith.constant 0 : i32
    %c0_i32_0 = arith.constant 0 : i32
    %c0_i32_1 = arith.constant 0 : i32
    return %c0_i32, %c0_i32_0 : i32, i32
  }
  func.func @transform_7(%arg0: i32) -> (i32, i32) {
    %c0_i32 = arith.constant 0 : i32
    %c0_i32_0 = arith.constant 0 : i32
    %c0_i32_1 = arith.constant 0 : i32
    return %c0_i32, %c0_i32_0 : i32, i32
  }
  func.func @transform_8(%arg0: i32) -> (i32, i32) {
    %c0_i32 = arith.constant 0 : i32
    %c0_i32_0 = arith.constant 0 : i32
    return %arg0, %c0_i32 : i32, i32
  }
}

</mosaic_0001>

<sc_bundles>
// kernel: kernel.12.cloned.1.call-start
scs
__scs_entry_jumppad:
0x0: {  	(pc) =	sbr.rel $0x88, $3  }
0x1: {  	(tag) =	ssettag $0x0;
	lr =	simm.s32 $0x1  }
0x2: {  	[smem:$0x3F94] =	sst lr;
	_ =	strace $0xD0000000  }
0x3: {  	_ = 	snop  }
0x4: {  	_ = 	snop  }
0x5: {  	_ = 	snop  }
0x6: {  	_ = 	snop  }
0x7: {  	_ = 	snop  }
__scs_overlays_trampoline_lowered:
0x8: {  	[smem:$0x3FA3] =	sst s0  }
0x9: {  	[smem:$0x3FA4] =	sst s1  }
0xa: {  	[smem:$0x3FA5] =	sst s2  }
0xb: {  	[smem:$0x3FA6] =	sst s3  }
0xc: {  	[smem:$0x3FA7] =	sst s4  }
0xd: {  	[smem:$0x3FA8] =	sst s5  }
0xe: {  	[smem:$0x3FA9] =	sst s6  }
0xf: {  	[smem:$0x3FAA] =	sst s7  }
0x10: {  	[smem:$0x3FAB] =	sst s8  }
0x11: {  	[smem:$0x3FAC] =	sst s9;
	s0 =	simm.s32 @!p0 $0x0  }
0x12: {  	s1 =	sld [smem:$0x3F92];
	s0 =	simm.s32 @p0 $0x1  }
0x13: {  	[smem:$0x3FAD] =	sst s0;
	s0 =	simm.s32 @!p1 $0x0  }
0x14: {  	s2 =	sld [smem:$0x3F91];
	s0 =	simm.s32 @p1 $0x1  }
0x15: {  	[smem:$0x3FAE] =	sst s0;
	s0 =	simm.s32 @!p2 $0x0  }
0x16: {  	s3 =	sld [smem:$0x3FDB];
	s0 =	simm.s32 @p2 $0x1  }
0x17: {  	s4 =	simm.s32 $0x1BF5;
	[smem:$0x3FB0] =	sst s0  }
0x18: {  	s0 =	sld [smem:$0x3F93];
	_ =	swait.ge [sflag:s4], $0x0  }
0x19: {  	s7 =	sld [smem:$0x3F94]  }
0x1a: {  	s8 =	sadd.s32 $0xFFFFE003, lr  }
0x1b: {  	s9 =	sadd.s32 $0xFFFFFEF7, lr;
	s5 =	simm.s32 $0xFFFFFFFF;
	p2 =	slt.u32 s8, $0xFFFFF086  }
0x1c: {  	p1 =	slt.u32 s9, $0xF7A;
	s5 =	simm.s32 @!p2 $0x0  }
0x1d: {  	s5 =	simm.s32 @p1 $0x1;
	p0 =	seq.s32 s7, s2  }
0x1e: {  	s7 =	smul.u32 @!p0 $0xF7A, s2;
	p2 =	seq.s32 @!p0 s5, $0x0  }
0x1f: {  	s9 =	smul.u32 $0xF7A, s1;
	s8 =	simm.s32 @!p0 $0x1BF5;
	p2 =	por !p2, p0  }
0x20: {  	[sflag:s8] =	ssyncset.s32 @!p0 $0xFFFFF086;
	s6 =	sadd.s32 @!p0 s3, s7;
	s7 =	simm.s32 @!p0 $0x108  }
0x21: {  	s3 =	sadd.s32 s3, s9;
	s6 =	sadd.s32 @!p0 $0x88, s6;
	s7 =	simm.s32 @p2 $0x1082  }
0x22: {  	[simem:s7], [sflag:s8] =	dma.local @!p0 [hbm:s6], $0xF7A  }
0x23: {  	s9 =	sor.u32 $0xD0000000, s2;
	s6 =	simm.s32 $0x108;
	_ =	swait.ge @!p0 [sflag:s8], $0x0  }
0x24: {  	s3 =	sadd.s32 $0x88, s3;
	s6 =	simm.s32 @!p1 $0x1082;
	[sflag:s4] =	ssyncset.s32 $0xFFFFF086  }
0x25: {  	[simem:s6], [sflag:s4] =	dma.local [hbm:s3], $0xF7A  }
0x26: {  	[smem:$0x3F94] =	sst s1;
	(tag) =	ssettag s2;
	_ =	strace s9  }
0x27: {  	s1 =	sld [smem:$0x3FA4]  }
0x28: {  	s2 =	sld [smem:$0x3FA5]  }
0x29: {  	s4 =	sld [smem:$0x3FA7]  }
0x2a: {  	p0 =	seq.s32 s5, $0x0;
	s5 =	sld [smem:$0x3FA8]  }
0x2b: {  	s6 =	sld [smem:$0x3FA9]  }
0x2c: {  	s7 =	sld [smem:$0x3FAA]  }
0x2d: {  	s3 =	simm.s32 $0x108;
	s8 =	sld [smem:$0x3FAB]  }
0x2e: {  	s3 =	simm.s32 @!p0 $0x1082;
	s9 =	sld [smem:$0x3FAC]  }
0x2f: {  	lr =	sadd.s32 s0, s3;
	s0 =	sld [smem:$0x3FA3]  }
0x30: {  	s3 =	sld [smem:$0x3FA6]  }
0x31: {  	[smem:$0x3FAF] =	sst s10  }
0x32: {  	s10 =	sld [smem:$0x3FAD];
	_ =	sdelay $0x3  }
0x33: {  	p0 =	seq.s32 s10, $0x1;
	s10 =	sld [smem:$0x3FAF];
	_ =	sdelay $0x3  }
0x34: {  	[smem:$0x3FAF] =	sst s10  }
0x35: {  	s10 =	sld [smem:$0x3FAE];
	_ =	sdelay $0x3  }
0x36: {  	p1 =	seq.s32 s10, $0x1;
	s10 =	sld [smem:$0x3FAF];
	_ =	sdelay $0x3  }
0x37: {  	[smem:$0x3FAF] =	sst s10  }
0x38: {  	s10 =	sld [smem:$0x3FB0]  }
0x39: {  	_ = 	snop;
	(pc) =	sbr.ind lr, $3  }
0x3a: {  	_ = 	snop  }
0x3b: {  	_ = 	snop  }
0x3c: {  	p2 =	seq.s32 s10, $0x1;
	s10 =	sld [smem:$0x3FAF]  }
0x3d: {  	_ =	shalt  }
0x3e: {  	_ =	shalt  }
0x3f: {  	_ =	shalt  }
0x40: {  	_ =	shalt  }
0x41: {  	_ =	shalt  }
0x42: {  	_ =	shalt  }
0x43: {  	_ =	shalt  }
0x44: {  	_ =	shalt  }
0x45: {  	_ =	shalt  }
0x46: {  	_ =	shalt  }
0x47: {  	_ =	shalt  }
0x48: {  	_ =	shalt  }
0x49: {  	_ =	shalt  }
0x4a: {  	_ =	shalt  }
0x4b: {  	_ =	shalt  }
0x4c: {  	_ =	shalt  }
0x4d: {  	_ =	shalt  }
0x4e: {  	_ =	shalt  }
0x4f: {  	_ =	shalt  }
0x50: {  	_ =	shalt  }
0x51: {  	_ =	shalt  }
0x52: {  	_ =	shalt  }
0x53: {  	_ =	shalt  }
0x54: {  	_ =	shalt  }
0x55: {  	_ =	shalt  }
0x56: {  	_ =	shalt  }
0x57: {  	_ =	shalt  }
0x58: {  	_ =	shalt  }
0x59: {  	_ =	shalt  }
0x5a: {  	_ =	shalt  }
0x5b: {  	_ =	shalt  }
0x5c: {  	_ =	shalt  }
0x5d: {  	_ =	shalt  }
0x5e: {  	_ =	shalt  }
0x5f: {  	_ =	shalt  }
0x60: {  	_ =	shalt  }
0x61: {  	_ =	shalt  }
0x62: {  	_ =	shalt  }
0x63: {  	_ =	shalt  }
0x64: {  	_ =	shalt  }
0x65: {  	_ =	shalt  }
0x66: {  	_ =	shalt  }
0x67: {  	_ =	shalt  }
0x68: {  	_ =	shalt  }
0x69: {  	_ =	shalt  }
0x6a: {  	_ =	shalt  }
0x6b: {  	_ =	shalt  }
0x6c: {  	_ =	shalt  }
0x6d: {  	_ =	shalt  }
0x6e: {  	_ =	shalt  }
0x6f: {  	_ =	shalt  }
0x70: {  	_ =	shalt  }
0x71: {  	_ =	shalt  }
0x72: {  	_ =	shalt  }
0x73: {  	_ =	shalt  }
0x74: {  	_ =	shalt  }
0x75: {  	_ =	shalt  }
0x76: {  	_ =	shalt  }
0x77: {  	_ =	shalt  }
0x78: {  	_ =	shalt  }
0x79: {  	_ =	shalt  }
0x7a: {  	_ =	shalt  }
0x7b: {  	_ =	shalt  }
0x7c: {  	_ =	shalt  }
0x7d: {  	_ =	shalt  }
0x7e: {  	_ =	shalt  }
0x7f: {  	_ =	shalt  }
0x80: {  	_ =	shalt  }
0x81: {  	_ =	shalt  }
0x82: {  	_ =	shalt  }
0x83: {  	_ =	shalt  }
0x84: {  	_ =	shalt  }
0x85: {  	_ =	shalt  }
0x86: {  	_ =	shalt  }
0x87: {  	_ =	shalt  }
.Lfunc_end0:
.L_simem_size_0:
called_computation.1_lowered:
.L_overlay_start_0:
0x88: {  	s2 =	sld [smem:$0x3FD9]  }
0x89: {  	s3 =	sld [smem:$0x3FFE];
	_ =	sdelay $0x1  }
0x8a: {  	s1 =	srdreg.scid  }
0x8b: {  	s0 =	sand.u32 $0x1, s1  }
0x8c: {  	s17 =	sshll.u32 s0, $0xA;
	s2 =	sadd.s32 s3, s2  }
0x8d: {  	s2 =	sadd.s32 s2, s17  }
0x8e: {  	[smem:$0x3FBB] =	sst s2  }
0x8f: {  	_ = 	snop  }
0x90: {  	s2 =	sld [smem:$0x3FD0];
	(tm) =	ssettm $0x1  }
0x91: {  	s18 =	sld [smem:$0x3FFB];
	_ =	sdelay $0x3  }
0x92: {  	_ =	strace s18  }
0x93: {  	s3 =	sld [smem:$0x3FFC];
	_ =	sdelay $0x3  }
0x94: {  	_ =	strace s3  }
0x95: {  	s3 =	sld [smem:$0x3FFD];
	_ =	sdelay $0x3  }
0x96: {  	_ =	strace s3  }
0x97: {  	_ =	strace $0x8FFFFFFF  }
0x98: {  	s19 =	sld [smem:$0x3FDB];
	_ =	sdelay $0x1  }
0x99: {  	s4 =	simm.s32 $_scs_section_size  }
0x9a: {  	s5 =	simm.s32 $_size__tile_overlayer_lowered;
	s6 =	simm.s32 $_tile_overlayer_lowered  }
0x9b: {  	s22 =	simm.s32 $0x1BFF;
	s21 =	sshll.u32 s6, $0x1;
	s3 =	sadd.s32 s4, s19  }
0x9c: {  	s7 =	simm.s32 $0x0;
	s20 =	sshll.u32 s5, $0x1;
	s5 =	sadd.s32 s21, s3  }
0x9d: {  	[timem:s7], [sflag:s22] =	dma.local [hbm:s5], s20  }
0x9e: {  	_ =	swait.ge [sflag:s22], s20  }
0x9f: {  	s4 =	ssub.s32 $0x0, s20;
	[sflag:s22] =	ssyncset.done $0x0  }
0xa0: {  	[sflag:s22] =	ssyncadd.s32 s4;
	_ =	sdelay $0x1  }
0xa1: {  	s23 =	simm.s32 $0x1B8B  }
0xa2: {  	_ =	swait.ge [sflag:s23], $0x1  }
0xa3: {  	[sflag:s23] =	ssyncset.done $0x0  }
0xa4: {  	s25 =	simm.s32 $0x1B8E;
	s24 =	sld [smem:$0x3FFE];
	[sflag:s23] =	ssyncadd.s32 $0xFFFFFFFF  }
0xa5: {  	s26 =	simm.s32 $execute0_lowered;
	[smem:$0x3FD2] =	sst s25  }
0xa6: {  	s5 =	sshll.u32 s26, $0x1;
	_ =	strace $0x80000049;
	[dreg:$0x1] =	wrdreg $0xFFFFFFFF  }
0xa7: {  	s28 =	simm.s32 $_size_execute0_lowered;
	s3 =	sadd.s32 s3, s5;
	[dreg:$0x0] =	wrdreg $0x0  }
0xa8: {  	s5 =	sshll.u32 s28, $0x1;
	[dreg:$0x2] =	wrdreg s3  }
0xa9: {  	[dreg:$0x3] =	wrdreg s5  }
0xaa: {  	[dreg:$0x4] =	wrdreg $0xC0  }
0xab: {  	_ =	task [dreg:s7], $0x5FFFF  }
0xac: {  	[dreg:$0x1] =	wrdreg $0xFFFFFFFF  }
0xad: {  	[dreg:$0x0] =	wrdreg $0x60  }
0xae: {  	[dreg:$0x2] =	wrdreg s24  }
0xaf: {  	[dreg:$0x3] =	wrdreg s2  }
0xb0: {  	[dreg:$0x4] =	wrdreg $0x0  }
0xb1: {  	[dreg:$0x5] =	wrdreg $0x9  }
0xb2: {  	_ =	task.clear_ibuf [dreg:s7], $0x6FFFF;
	_ =	strace $0x90000049  }
0xb3: {  	s29 =	simm.s32 $0x9;
	_ =	strace $0x8000004B  }
0xb4: {  	_ =	swait.ge [sflag:s29], $0x1  }
0xb5: {  	[sflag:s29] =	ssyncadd.s32 $0xFFFFFFFF  }
0xb6: {  	_ =	strace $0x9000004B  }
0xb7: {  	_ =	sfence  }
0xb8: {  	s30 =	sld [smem:$0x0];
	_ =	sdelay $0x2  }
0xb9: {  	s31 =	sshll.u32 s1, $0xD;
	s1 =	sshrl.u32 s1, $0x2  }
0xba: {  	s3 =	sand.u32 $0x4000, s31;
	s1 =	sadd.s32 s1, s30  }
0xbb: {  	s0 =	sor.u32 s3, s0;
	s1 =	sshll.u32 s1, $0x11  }
0xbc: {  	s0 =	sor.u32 s1, s0  }
0xbd: {  	s0 =	sadd.s32 $0x8F2B, s0  }
0xbe: {  	[sflag:s0] =	ssyncadd.remote.s32 $0x1  }
0xbf: {  	_ =	sfence.sel $0xFFFF  }
0xc0: {  	[dreg:$0x0] =	wrdreg $0xFFFFFFFF;
	(pc) =	sbr.abs _section_cstart, $3  }
0xc1: {  	[dreg:$0x1] =	wrdreg $0xFFFFFFFF  }
0xc2: {  	_ =	task.clear_ibuf [dreg:s7], $0x2FFFF;
	_ =	strace $0x9FFFFFFF  }
0xc3: {  	(tm) =	ssettm $0x7FFFFFFF  }
tec
execute0_lowered:
.L_overlay_start_1:
0x0: {  	(tag) =	ssettag $0x1  }
0x1: {  	s0 =	rddreg [dreg:$0x0]  }
0x2: {  	s3 =	rddreg [dreg:$0x2];
	s4 =	simm.s32 $0x0  }
0x3: {  	s14 =	stileid.u32;
	s2 =	srdreg.scid;
	s21 =	simm.s32 $0x3  }
0x4: {  	s28 =	simm.s32 $0x1;
	s29 =	simm.s32 $0x80;
	s30 =	simm.s32 $0x2  }
0x5: {  	[smem:$0x7FF] =	sst s4;
	s1 =	smul.u32 $0x500, s14;
	s5 =	sadd.s32 $0x89EE00, s0  }
0x6: {  	s2 =	sand.u32 $0x1, s2;
	s6 =	smul.u32 $0x4E000, s14;
	s15 =	sadd.s32 $0x9000, s0  }
0x7: {  	s8 =	smul.u32 $0x140000, s14;
	p0 =	seq.s32 s14, $0xF;
	_ =	strace $0x8000004A  }
0x8: {  	s7 =	ssub.s32 $0x2, s2;
	s2 =	smul.u32 $0x1388000, s2;
	[dreg:$0x4] =	wrdreg s15  }
0x9: {  	s1 =	sadd.s32 s1, s0;
	s22 =	sshrl.u32 s7, $0x1;
	s6 =	sshrl.u32 s6, $0x2  }
0xa: {  	s0 =	ssub.s32 s7, s22;
	s7 =	simm.s32 $0x32;
	s8 =	sadd.s32 s8, s2  }
0xb: {  	s1 =	sadd.s32 $0x4000, s1;
	s22 =	simm.s32 $0x13880;
	s7 =	simm.s32 @!p0 $0x50  }
0xc: {  	[dreg:$0x5] =	wrdreg s1;
	s1 =	sadd.s32 s6, s3;
	s2 =	sor.u32 $0x4000, s8  }
0xd: {  	s6 =	sadd.s32 $0x124800, s3;
	s9 =	sshrl.u32 s8, $0x3;
	s0 =	smax.u32 s0, $0x1  }
0xe: {  	s25 =	sadd.s32 $0xC000, s8;
	s26 =	sadd.s32 $0x14000, s8;
	s11 =	sadd.s32 $0x10000, s8  }
0xf: {  	s2 =	sshrl.u32 s2, $0x3;
	s10 =	sadd.s32 s5, s9;
	s24 =	sshll.u32 s7, $0xB  }
0x10: {  	[dreg:$0x8] =	wrdreg s0;
	s0 =	sshrl.u32 s25, $0x3;
	s11 =	sshrl.u32 s11, $0x3  }
0x11: {  	s19 =	sadd.s32 s9, s15;
	s25 =	simm.s32 $0x16080;
	[dreg:$0x6] =	wrdreg s10  }
0x12: {  	s23 =	sadd.s32 s5, s2;
	s12 =	sadd.s32 s0, s15;
	s10 =	sshrl.u32 s26, $0x3  }
0x13: {  	s17 =	sadd.s32 s0, s5;
	s0 =	sshrl.u32 @p0 s6, $0x3;
	[dreg:$0x7] =	wrdreg s23  }
0x14: {  	s11 =	sadd.s32 s11, s5;
	s12 =	sadd.s32 $0xFFFFF000, s12;
	[dreg:$0xc] =	wrdreg s0  }
0x15: {  	s10 =	sadd.s32 s10, s5;
	s31 =	sadd.s32 $0xFFFFF000, s11;
	[dreg:$0x9] =	wrdreg s12  }
0x16: {  	s0 =	sshll.u32 @!p0 s14, $0x6;
	s10 =	sadd.s32 $0xFFFFF000, s10;
	[dreg:$0xb] =	wrdreg s31  }
0x17: {  	s13 =	sadd.s32 $0xFFFFF000, s24;
	s0 =	sor.u32 @!p0 $0x1C03, s0;
	[dreg:$0xa] =	wrdreg s10  }
0x18: {  	s18 =	sadd.s32 s2, s15;
	[dreg:$0xd] =	wrdreg s0;
	s0 =	sshrl.u32 @!p0 s1, $0x3  }
0x19: {  	s26 =	simm.s32 $0x1A080;
	[dreg:$0xe] =	wrdreg s0;
	s0 =	simm.s32 $0x0  }
.LBB2_1:
0x1a: {  	s1 =	rddreg [dreg:$0x5]  }
0x1b: {  	[tilespmem:s22], [sflag:$0x3] =	stream.linear.gather [hbm4b:s1+s4], $0x2800, $0x38;
	[tilespmem:$0x1E080] =	vst v63  }
0x1c: {  	_ =	swait.ge [sflag:s21], $0x2800  }
0x1d: {  	[sflag:s21] =	ssyncset.done $0x0  }
0x1e: {  	s6 =	rddreg [dreg:$0xc];
	[sflag:s21] =	ssyncadd.s32 $0xFFFFD800  }
0x1f: {  	s1 =	simm.s32 @p0 $0x1FC3;
	s2 =	rddreg [dreg:$0x1]  }
0x20: {  	[spmem:s6], [sflag:s1] =	dma.local @p0 [hbm:s2], $0x2800  }
0x21: {  	s1 =	simm.s32 @p0 $0x3  }
0x22: {  	_ =	swait.ge @p0 [sflag:s1], $0x2800  }
0x23: {  	[sflag:s1] =	ssyncset.done @p0 $0x0;
	s6 =	rddreg [dreg:$0xe]  }
0x24: {  	[sflag:s1] =	ssyncadd.s32 @p0 $0xFFFFD800;
	s1 =	rddreg [dreg:$0xd]  }
0x25: {  	[spmem:s6], [sflag:s1] =	dma.local @!p0 [hbm:s2], $0x2700  }
0x26: {  	s1 =	simm.s32 @!p0 $0x3  }
0x27: {  	_ =	swait.ge @!p0 [sflag:s1], $0x2700  }
0x28: {  	[sflag:s1] =	ssyncset.done @!p0 $0x0  }
0x29: {  	[sflag:s1] =	ssyncadd.s32 @!p0 $0xFFFFD900  }
0x2a: {  	[bflag:$0x0] =	sbarrier.arrive $0xFFFF  }
0x2b: {  	s16 =	rddreg [dreg:$0x6]  }
0x2c: {  	[tilespmem:s25], [sflag:$0x1] =	stream.linear.gather [hbm4b:s16+s4], $0x4000, $0x38;
	[tilespmem:$0x1E080] =	vst v63  }
0x2d: {  	s20 =	rddreg [dreg:$0x7]  }
0x2e: {  	[tilespmem:s26], [sflag:$0x2] =	stream.linear.gather [hbm4b:s20+s4], $0x4000, $0x38;
	[tilespmem:$0x1E080] =	vst v63  }
0x2f: {  	_ =	swait.ge [sflag:s28], $0x4000  }
0x30: {  	s23 =	simm.s32 $0x13880;
	p1 =	sle.u32 s7, $0x2;
	[sflag:s28] =	ssyncset.done $0x0  }
0x31: {  	s10 =	simm.s32 $0x2;
	s24 =	simm.s32 $0x13900;
	[sflag:s28] =	ssyncadd.s32 $0xFFFFC000  }
0x32: {  	[spmem:s3] =	stream.indirect.scatter.add.f32 [tilespmem:s25], [sflag:$0x3], $0x80, s23, s29, $0xb8;
	[tilespmem:$0x1E080] =	vst v63  }
0x33: {  	s31 =	simm.s32 $0x13B00;
	s1 =	sadd.s32 @!p1 $0x8000, s8;
	_ =	swait.ge [sflag:s21], $0x4000  }
0x34: {  	s2 =	simm.s32 @!p1 $0x16080;
	s1 =	sshrl.u32 @!p1 s1, $0x3;
	[sflag:s21] =	ssyncset.done $0x0  }
0x35: {  	s6 =	simm.s32 @!p1 $0x0;
	s1 =	sadd.s32 @!p1 s5, s1;
	[sflag:s21] =	ssyncadd.s32 $0xFFFFC000  }
0x36: {  	[tilespmem:s2], [sflag:$0x1] =	stream.linear.gather @!p1 [hbm4b:s1+s6], $0x4000, $0x38;
	[tilespmem:$0x1E080] =	vst v63  }
0x37: {  	s11 =	simm.s32 $0x5;
	p1 =	sne.s32 s13, $0x1000;
	_ =	swait.ge [sflag:s30], $0x4000  }
.Ltmp0:
0x38: {  	p2 =	sle.u32 s7, $0x3;
	[sflag:s30] =	ssyncset.done $0x0;
	(pc) =	sbr.rel @!p1 .LBB2_3-.Ltmp0, $4  }
0x39: {  	s9 =	sadd.s32 $0x8000, s8;
	s12 =	simm.s32 $0x1;
	[sflag:s30] =	ssyncadd.s32 $0xFFFFC000  }
0x3a: {  	[spmem:s3] =	stream.indirect.scatter.add.f32 [tilespmem:s26], [sflag:$0x3], $0x80, s24, s29, $0xb8;
	[tilespmem:$0x1E080] =	vst v63  }
0x3b: {  	s14 =	simm.s32 @!p2 $0x1A080;
	s1 =	simm.s32 $0x13A00;
	_ =	swait.ge [sflag:s21], $0x4000  }
0x3c: {  	s2 =	simm.s32 $0x1000;
	s6 =	sadd.s32 @!p2 $0x0, s17;
	[sflag:s21] =	ssyncset.done $0x0  }
.LBB2_2:
0x3d: {  	s1 =	smov.u32 s31  }
0x3e: {  	s12 =	smov.u32 s10;
	s15 =	simm.s32 @!p2 $0x0;
	s16 =	smov.u32 s2  }
0x3f: {  	s2 =	sadd.s32 $0x1000, s2;
	s20 =	smov.u32 s11;
	[sflag:s21] =	ssyncadd.s32 $0xFFFFC000  }
0x40: {  	[tilespmem:s14], [sflag:$0x2] =	stream.linear.gather @!p2 [hbm4b:s6+s15], $0x4000, $0x38;
	[tilespmem:$0x1E080] =	vst v63  }
0x41: {  	p1 =	sne.s32 s13, s2;
	_ =	swait.ge [sflag:s28], $0x4000  }
0x42: {  	s6 =	sadd.s32 $0xFFFFFE80, s31;
	s14 =	sadd.s32 $0xFFFFFFFF, s11;
	[sflag:s28] =	ssyncset.done $0x0  }
0x43: {  	p2 =	sge.u32 s14, s7;
	[sflag:s28] =	ssyncadd.s32 $0xFFFFC000  }
0x44: {  	[spmem:s3] =	stream.indirect.scatter.add.f32 [tilespmem:s25], [sflag:$0x3], $0x80, s6, s29, $0xb8;
	[tilespmem:$0x1E080] =	vst v63  }
0x45: {  	s14 =	simm.s32 @!p2 $0x16080;
	s6 =	sadd.s32 @!p2 $0x8000, s9;
	_ =	swait.ge [sflag:s21], $0x4000  }
0x46: {  	s15 =	simm.s32 @!p2 $0x0;
	s6 =	sshrl.u32 @!p2 s6, $0x3;
	[sflag:s21] =	ssyncset.done $0x0  }
0x47: {  	s6 =	sadd.s32 @!p2 s5, s6;
	[sflag:s21] =	ssyncadd.s32 $0xFFFFC000  }
0x48: {  	[tilespmem:s14], [sflag:$0x1] =	stream.linear.gather @!p2 [hbm4b:s6+s15], $0x4000, $0x38;
	[tilespmem:$0x1E080] =	vst v63  }
0x49: {  	s10 =	sadd.s32 $0x1, s10;
	_ =	swait.ge [sflag:s30], $0x4000  }
.Ltmp1:
0x4a: {  	s6 =	sadd.s32 $0xFFFFFF00, s31;
	[sflag:s30] =	ssyncset.done $0x0;
	(pc) =	sbr.rel @p1 .LBB2_2-.Ltmp1, $4  }
0x4b: {  	s11 =	sadd.s32 $0x2, s11;
	s31 =	sadd.s32 $0x100, s31;
	[sflag:s30] =	ssyncadd.s32 $0xFFFFC000  }
0x4c: {  	[spmem:s3] =	stream.indirect.scatter.add.f32 [tilespmem:s26], [sflag:$0x3], $0x80, s6, s29, $0xb8;
	[tilespmem:$0x1E080] =	vst v63  }
0x4d: {  	s9 =	sadd.s32 $0x8000, s9;
	p2 =	sge.u32 s20, s7;
	_ =	swait.ge [sflag:s21], $0x4000  }
0x4e: {  	s14 =	simm.s32 @!p2 $0x1A080;
	s6 =	sadd.s32 @!p2 s16, s17;
	[sflag:s21] =	ssyncset.done $0x0  }
.LBB2_3:
0x4f: {  	[sflag:s21] =	ssyncadd.s32 $0xFFFFC000;
	s10 =	simm.s32 @!p2 $0x0  }
0x50: {  	[tilespmem:s14], [sflag:$0x2] =	stream.linear.gather @!p2 [hbm4b:s6+s10], $0x4000, $0x38;
	[tilespmem:$0x1E080] =	vst v63  }
0x51: {  	_ =	swait.ge [sflag:s28], $0x4000  }
0x52: {  	[sflag:s28] =	ssyncset.done $0x0  }
0x53: {  	s20 =	sadd.s32 $0xFFFFFF80, s1;
	s23 =	sadd.s32 $0xFFFFFFFF, s11;
	[sflag:s28] =	ssyncadd.s32 $0xFFFFC000  }
0x54: {  	[spmem:s3] =	stream.indirect.scatter.add.f32 [tilespmem:s25], [sflag:$0x3], $0x80, s20, s29, $0xb8;
	[tilespmem:$0x1E080] =	vst v63  }
0x55: {  	p1 =	sge.u32 s23, s7;
	_ =	swait.ge [sflag:s21], $0x4000  }
0x56: {  	s14 =	simm.s32 @!p1 $0x0;
	[sflag:s21] =	ssyncset.done $0x0;
	s6 =	rddreg [dreg:$0xb]  }
0x57: {  	s10 =	simm.s32 @!p1 $0x16080;
	[sflag:s21] =	ssyncadd.s32 $0xFFFFC000;
	s6 =	sadd.s32 @!p1 s2, s6  }
0x58: {  	[tilespmem:s10], [sflag:$0x1] =	stream.linear.gather @!p1 [hbm4b:s6+s14], $0x4000, $0x38;
	[tilespmem:$0x1E080] =	vst v63  }
0x59: {  	_ =	swait.ge [sflag:s30], $0x4000  }
0x5a: {  	[sflag:s30] =	ssyncset.done $0x0  }
0x5b: {  	[sflag:s30] =	ssyncadd.s32 $0xFFFFC000  }
0x5c: {  	[spmem:s3] =	stream.indirect.scatter.add.f32 [tilespmem:s26], [sflag:$0x3], $0x80, s1, s29, $0xb8;
	[tilespmem:$0x1E080] =	vst v63  }
0x5d: {  	p2 =	sge.u32 s11, s7;
	_ =	swait.ge [sflag:s21], $0x4000  }
0x5e: {  	s11 =	simm.s32 @!p2 $0x1A080;
	[sflag:s21] =	ssyncset.done $0x0;
	s6 =	rddreg [dreg:$0xa]  }
0x5f: {  	s14 =	simm.s32 @!p2 $0x0;
	[sflag:s21] =	ssyncadd.s32 $0xFFFFC000;
	s6 =	sadd.s32 @!p2 s2, s6  }
0x60: {  	[tilespmem:s11], [sflag:$0x2] =	stream.linear.gather @!p2 [hbm4b:s6+s14], $0x4000, $0x38;
	[tilespmem:$0x1E080] =	vst v63  }
0x61: {  	[bflag:$0x0] =	sbarrier.arrive $0xFFFF  }
0x62: {  	[tilespmem:s25], [sflag:$0x1] =	stream.indirect.gather [spmem:s3], $0x80, s22, s29, $0xb8;
	[tilespmem:$0x1E080] =	vst v63  }
0x63: {  	s24 =	simm.s32 $0x13900  }
0x64: {  	[tilespmem:s26], [sflag:$0x2] =	stream.indirect.gather [spmem:s3], $0x80, s24, s29, $0xb8;
	[tilespmem:$0x1E080] =	vst v63  }
0x65: {  	_ =	swait.ge [sflag:s28], $0x4000  }
0x66: {  	[sflag:s28] =	ssyncset.done $0x0  }
0x67: {  	[sflag:s28] =	ssyncadd.s32 $0xFFFFC000  }
0x68: {  	[hbm4b:s19+s4] =	stream.linear.scatter [tilespmem:s25], [sflag:$0x3], $0x4000, $0x38;
	[tilespmem:$0x1E080] =	vst v63  }
0x69: {  	p3 =	sle.u32 s7, $0x2;
	_ =	swait.ge [sflag:s21], $0x4000  }
0x6a: {  	s12 =	sadd.s32 $0xFFFFFFFF, s12;
	s15 =	simm.s32 @!p3 $0x16080;
	[sflag:s21] =	ssyncset.done $0x0  }
0x6b: {  	s6 =	simm.s32 $0x13980;
	s14 =	simm.s32 @!p3 $0x80;
	[sflag:s21] =	ssyncadd.s32 $0xFFFFC000  }
0x6c: {  	[tilespmem:s15], [sflag:$0x1] =	stream.indirect.gather @!p3 [spmem:s3], $0x80, s6, s14, $0xb8;
	[tilespmem:$0x1E080] =	vst v63  }
0x6d: {  	p3 =	sne.s32 s12, $0x0;
	_ =	swait.ge [sflag:s30], $0x4000  }
.Ltmp2:
0x6e: {  	p4 =	sle.u32 s7, $0x3;
	[sflag:s30] =	ssyncset.done $0x0;
	(pc) =	sbr.rel @!p3 .LBB2_5-.Ltmp2, $4  }
0x6f: {  	s16 =	simm.s32 @!p4 $0x13A00;
	s20 =	sadd.s32 $0x1000, s18;
	[sflag:s30] =	ssyncadd.s32 $0xFFFFC000  }
0x70: {  	[hbm4b:s18+s4] =	stream.linear.scatter [tilespmem:s26], [sflag:$0x3], $0x4000, $0x38;
	[tilespmem:$0x1E080] =	vst v63  }
0x71: {  	s22 =	simm.s32 @!p4 $0x80;
	s14 =	simm.s32 $0x5;
	_ =	swait.ge [sflag:s21], $0x4000  }
0x72: {  	s6 =	sadd.s32 $0x1000, s19;
	s15 =	simm.s32 $0x13A80;
	[sflag:s21] =	ssyncset.done $0x0  }
.LBB2_4:
0x73: {  	s12 =	sadd.s32 $0xFFFFFFFF, s12;
	[sflag:s21] =	ssyncadd.s32 $0xFFFFC000;
	s23 =	simm.s32 @!p4 $0x1A080  }
0x74: {  	[tilespmem:s23], [sflag:$0x2] =	stream.indirect.gather @!p4 [spmem:s3], $0x80, s16, s22, $0xb8;
	[tilespmem:$0x1E080] =	vst v63  }
0x75: {  	p3 =	sne.s32 s12, $0x0;
	s16 =	smov.u32 s14;
	_ =	swait.ge [sflag:s28], $0x4000  }
0x76: {  	s22 =	smov.u32 s15;
	[sflag:s28] =	ssyncset.done $0x0  }
0x77: {  	s23 =	sadd.s32 $0xFFFFFFFF, s14;
	[sflag:s28] =	ssyncadd.s32 $0xFFFFC000  }
0x78: {  	[hbm4b:s6+s4] =	stream.linear.scatter [tilespmem:s25], [sflag:$0x3], $0x4000, $0x38;
	[tilespmem:$0x1E080] =	vst v63  }
0x79: {  	p4 =	sge.u32 s23, s7;
	_ =	swait.ge [sflag:s21], $0x4000  }
0x7a: {  	s23 =	simm.s32 @!p4 $0x80;
	s24 =	simm.s32 @!p4 $0x16080;
	[sflag:s21] =	ssyncset.done $0x0  }
0x7b: {  	[sflag:s21] =	ssyncadd.s32 $0xFFFFC000  }
0x7c: {  	[tilespmem:s24], [sflag:$0x1] =	stream.indirect.gather @!p4 [spmem:s3], $0x80, s15, s23, $0xb8;
	[tilespmem:$0x1E080] =	vst v63  }
0x7d: {  	_ =	swait.ge [sflag:s30], $0x4000  }
.Ltmp3:
0x7e: {  	s14 =	sadd.s32 $0x2, s14;
	[sflag:s30] =	ssyncset.done $0x0;
	(pc) =	sbr.rel @p3 .LBB2_4-.Ltmp3, $4  }
0x7f: {  	s6 =	sadd.s32 $0x1000, s6;
	s15 =	sadd.s32 $0x100, s15;
	[sflag:s30] =	ssyncadd.s32 $0xFFFFC000  }
0x80: {  	[hbm4b:s20+s4] =	stream.linear.scatter [tilespmem:s26], [sflag:$0x3], $0x4000, $0x38;
	[tilespmem:$0x1E080] =	vst v63  }
0x81: {  	p4 =	sge.u32 s16, s7;
	s20 =	sadd.s32 $0x1000, s20;
	_ =	swait.ge [sflag:s21], $0x4000  }
0x82: {  	s16 =	sadd.s32 @!p4 $0x80, s22;
	s22 =	simm.s32 @!p4 $0x80;
	[sflag:s21] =	ssyncset.done $0x0  }
.LBB2_5:
0x83: {  	[sflag:s21] =	ssyncadd.s32 $0xFFFFC000;
	s6 =	simm.s32 @!p4 $0x1A080  }
0x84: {  	[tilespmem:s6], [sflag:$0x2] =	stream.indirect.gather @!p4 [spmem:s3], $0x80, s16, s22, $0xb8;
	[tilespmem:$0x1E080] =	vst v63  }
0x85: {  	_ =	swait.ge [sflag:s28], $0x4000  }
0x86: {  	s22 =	sshrl.u32 s9, $0x3;
	[sflag:s28] =	ssyncset.done $0x0;
	s23 =	rddreg [dreg:$0x4]  }
0x87: {  	[sflag:s28] =	ssyncadd.s32 $0xFFFFC000;
	s6 =	sadd.s32 s23, s22  }
0x88: {  	[hbm4b:s6+s4] =	stream.linear.scatter [tilespmem:s25], [sflag:$0x3], $0x4000, $0x38;
	[tilespmem:$0x1E080] =	vst v63  }
0x89: {  	_ =	swait.ge [sflag:s21], $0x4000  }
0x8a: {  	[sflag:s21] =	ssyncset.done $0x0  }
0x8b: {  	s1 =	sadd.s32 @!p1 $0x80, s1;
	s6 =	simm.s32 @!p1 $0x80;
	[sflag:s21] =	ssyncadd.s32 $0xFFFFC000  }
0x8c: {  	[tilespmem:s10], [sflag:$0x1] =	stream.indirect.gather @!p1 [spmem:s3], $0x80, s1, s6, $0xb8;
	[tilespmem:$0x1E080] =	vst v63  }
0x8d: {  	_ =	swait.ge [sflag:s30], $0x4000  }
0x8e: {  	[sflag:s30] =	ssyncset.done $0x0;
	s24 =	rddreg [dreg:$0x9]  }
0x8f: {  	[sflag:s30] =	ssyncadd.s32 $0xFFFFC000;
	s1 =	sadd.s32 s2, s24  }
0x90: {  	[hbm4b:s1+s4] =	stream.linear.scatter [tilespmem:s26], [sflag:$0x3], $0x4000, $0x38;
	[tilespmem:$0x1E080] =	vst v63  }
0x91: {  	_ =	swait.ge [sflag:s21], $0x4000  }
0x92: {  	[sflag:s21] =	ssyncset.done $0x0  }
0x93: {  	s1 =	simm.s32 @!p2 $0x80;
	[sflag:s21] =	ssyncadd.s32 $0xFFFFC000  }
0x94: {  	[tilespmem:s11], [sflag:$0x2] =	stream.indirect.gather @!p2 [spmem:s3], $0x80, s31, s1, $0xb8;
	[tilespmem:$0x1E080] =	vst v63  }
0x95: {  	s0 =	sadd.s32 $0x1, s0;
	s31 =	rddreg [dreg:$0x8]  }
0x96: {  	p1 =	sne.s32 s0, s31  }
.Ltmp4:
0x97: {  	_ = 	snop;
	(pc) =	sbr.rel @p1 .LBB2_1-.Ltmp4, $2  }
0x98: {  	_ =	sdelay $0x2  }
0x99: {  	s22 =	simm.s32 $0x13880  }
0x9a: {  	_ =	sfence.sel $0x180000  }
0x9b: {  	[bflag:$0x0] =	sbarrier.arrive $0xFFFF  }
0x9c: {  	_ =	strace $0x9000004A  }
0x9d: {  	s0 =	stileid.u32;
	[bflag:$0x2] =	sbarrier.arrive $0xFFFF  }
0x9e: {  	p0 =	sne.s32 s0, $0x0;
	s0 =	rddreg [dreg:$0x3]  }
0x9f: {  	s0 =	sadd.s32 @!p0 $0x100000, s0  }
0xa0: {  	[sflag:s0] =	ssyncadd.tile.s32 @!p0 $0x1;
	_ =	shalt  }
.Lfunc_end2:
_tile_overlayer_lowered:
.L_overlay_start_2:
0xa1: {  	(tag) =	ssettag $0x2  }
0xa2: {  	s0 =	rddreg [dreg:$0x0];
	s2 =	stileid.u32  }
0xa3: {  	s1 =	rddreg [dreg:$0x1];
	p0 =	sne.s32 s2, $0x0  }
0xa4: {  	s3 =	rddreg [dreg:$0x2];
	[bflag:$0x3] =	sbarrier.arrive $0xFFFF;
	s2 =	simm.s32 @!p0 $0x1C03  }
0xa5: {  	[timem:s3], [sflag:s2] =	dma.local @!p0 [hbm:s0], s1  }
0xa6: {  	s0 =	simm.s32 @!p0 $0x3  }
0xa7: {  	_ =	swait.ge @!p0 [sflag:s0], s1  }
0xa8: {  	s1 =	ssub.s32 @!p0 $0x0, s1;
	[sflag:s0] =	ssyncset.done @!p0 $0x0  }
0xa9: {  	[sflag:s0] =	ssyncadd.s32 @!p0 s1  }
0xaa: {  	[bflag:$0x3] =	sbarrier.arrive $0xFFFF  }
0xab: {  	_ =	shalt  }

// kernel: kernel.15.cloned.1.call-start
scs
__scs_entry_jumppad:
0x0: {  	(pc) =	sbr.rel $0x88, $3  }
0x1: {  	(tag) =	ssettag $0x0;
	lr =	simm.s32 $0x1  }
0x2: {  	[smem:$0x3F94] =	sst lr;
	_ =	strace $0xD0000000  }
0x3: {  	_ = 	snop  }
0x4: {  	_ = 	snop  }
0x5: {  	_ = 	snop  }
0x6: {  	_ = 	snop  }
0x7: {  	_ = 	snop  }
__scs_overlays_trampoline_lowered:
0x8: {  	[smem:$0x3FA3] =	sst s0  }
0x9: {  	[smem:$0x3FA4] =	sst s1  }
0xa: {  	[smem:$0x3FA5] =	sst s2  }
0xb: {  	[smem:$0x3FA6] =	sst s3  }
0xc: {  	[smem:$0x3FA7] =	sst s4  }
0xd: {  	[smem:$0x3FA8] =	sst s5  }
0xe: {  	[smem:$0x3FA9] =	sst s6  }
0xf: {  	[smem:$0x3FAA] =	sst s7  }
0x10: {  	[smem:$0x3FAB] =	sst s8  }
0x11: {  	[smem:$0x3FAC] =	sst s9;
	s0 =	simm.s32 @!p0 $0x0  }
0x12: {  	s1 =	sld [smem:$0x3F92];
	s0 =	simm.s32 @p0 $0x1  }
0x13: {  	[smem:$0x3FAD] =	sst s0;
	s0 =	simm.s32 @!p1 $0x0  }
0x14: {  	s2 =	sld [smem:$0x3F91];
	s0 =	simm.s32 @p1 $0x1  }
0x15: {  	[smem:$0x3FAE] =	sst s0;
	s0 =	simm.s32 @!p2 $0x0  }
0x16: {  	s3 =	sld [smem:$0x3FDB];
	s0 =	simm.s32 @p2 $0x1  }
0x17: {  	s4 =	simm.s32 $0x1BF5;
	[smem:$0x3FB0] =	sst s0  }
0x18: {  	s0 =	sld [smem:$0x3F93];
	_ =	swait.ge [sflag:s4], $0x0  }
0x19: {  	s7 =	sld [smem:$0x3F94]  }
0x1a: {  	s8 =	sadd.s32 $0xFFFFE003, lr  }
0x1b: {  	s9 =	sadd.s32 $0xFFFFFEF7, lr;
	s5 =	simm.s32 $0xFFFFFFFF;
	p2 =	slt.u32 s8, $0xFFFFF086  }
0x1c: {  	p1 =	slt.u32 s9, $0xF7A;
	s5 =	simm.s32 @!p2 $0x0  }
0x1d: {  	s5 =	simm.s32 @p1 $0x1;
	p0 =	seq.s32 s7, s2  }
0x1e: {  	s7 =	smul.u32 @!p0 $0xF7A, s2;
	p2 =	seq.s32 @!p0 s5, $0x0  }
0x1f: {  	s9 =	smul.u32 $0xF7A, s1;
	s8 =	simm.s32 @!p0 $0x1BF5;
	p2 =	por !p2, p0  }
0x20: {  	[sflag:s8] =	ssyncset.s32 @!p0 $0xFFFFF086;
	s6 =	sadd.s32 @!p0 s3, s7;
	s7 =	simm.s32 @!p0 $0x108  }
0x21: {  	s3 =	sadd.s32 s3, s9;
	s6 =	sadd.s32 @!p0 $0x88, s6;
	s7 =	simm.s32 @p2 $0x1082  }
0x22: {  	[simem:s7], [sflag:s8] =	dma.local @!p0 [hbm:s6], $0xF7A  }
0x23: {  	s9 =	sor.u32 $0xD0000000, s2;
	s6 =	simm.s32 $0x108;
	_ =	swait.ge @!p0 [sflag:s8], $0x0  }
0x24: {  	s3 =	sadd.s32 $0x88, s3;
	s6 =	simm.s32 @!p1 $0x1082;
	[sflag:s4] =	ssyncset.s32 $0xFFFFF086  }
0x25: {  	[simem:s6], [sflag:s4] =	dma.local [hbm:s3], $0xF7A  }
0x26: {  	[smem:$0x3F94] =	sst s1;
	(tag) =	ssettag s2;
	_ =	strace s9  }
0x27: {  	s1 =	sld [smem:$0x3FA4]  }
0x28: {  	s2 =	sld [smem:$0x3FA5]  }
0x29: {  	s4 =	sld [smem:$0x3FA7]  }
0x2a: {  	p0 =	seq.s32 s5, $0x0;
	s5 =	sld [smem:$0x3FA8]  }
0x2b: {  	s6 =	sld [smem:$0x3FA9]  }
0x2c: {  	s7 =	sld [smem:$0x3FAA]  }
0x2d: {  	s3 =	simm.s32 $0x108;
	s8 =	sld [smem:$0x3FAB]  }
0x2e: {  	s3 =	simm.s32 @!p0 $0x1082;
	s9 =	sld [smem:$0x3FAC]  }
0x2f: {  	lr =	sadd.s32 s0, s3;
	s0 =	sld [smem:$0x3FA3]  }
0x30: {  	s3 =	sld [smem:$0x3FA6]  }
0x31: {  	[smem:$0x3FAF] =	sst s10  }
0x32: {  	s10 =	sld [smem:$0x3FAD];
	_ =	sdelay $0x3  }
0x33: {  	p0 =	seq.s32 s10, $0x1;
	s10 =	sld [smem:$0x3FAF];
	_ =	sdelay $0x3  }
0x34: {  	[smem:$0x3FAF] =	sst s10  }
0x35: {  	s10 =	sld [smem:$0x3FAE];
	_ =	sdelay $0x3  }
0x36: {  	p1 =	seq.s32 s10, $0x1;
	s10 =	sld [smem:$0x3FAF];
	_ =	sdelay $0x3  }
0x37: {  	[smem:$0x3FAF] =	sst s10  }
0x38: {  	s10 =	sld [smem:$0x3FB0]  }
0x39: {  	_ = 	snop;
	(pc) =	sbr.ind lr, $3  }
0x3a: {  	_ = 	snop  }
0x3b: {  	_ = 	snop  }
0x3c: {  	p2 =	seq.s32 s10, $0x1;
	s10 =	sld [smem:$0x3FAF]  }
0x3d: {  	_ =	shalt  }
0x3e: {  	_ =	shalt  }
0x3f: {  	_ =	shalt  }
0x40: {  	_ =	shalt  }
0x41: {  	_ =	shalt  }
0x42: {  	_ =	shalt  }
0x43: {  	_ =	shalt  }
0x44: {  	_ =	shalt  }
0x45: {  	_ =	shalt  }
0x46: {  	_ =	shalt  }
0x47: {  	_ =	shalt  }
0x48: {  	_ =	shalt  }
0x49: {  	_ =	shalt  }
0x4a: {  	_ =	shalt  }
0x4b: {  	_ =	shalt  }
0x4c: {  	_ =	shalt  }
0x4d: {  	_ =	shalt  }
0x4e: {  	_ =	shalt  }
0x4f: {  	_ =	shalt  }
0x50: {  	_ =	shalt  }
0x51: {  	_ =	shalt  }
0x52: {  	_ =	shalt  }
0x53: {  	_ =	shalt  }
0x54: {  	_ =	shalt  }
0x55: {  	_ =	shalt  }
0x56: {  	_ =	shalt  }
0x57: {  	_ =	shalt  }
0x58: {  	_ =	shalt  }
0x59: {  	_ =	shalt  }
0x5a: {  	_ =	shalt  }
0x5b: {  	_ =	shalt  }
0x5c: {  	_ =	shalt  }
0x5d: {  	_ =	shalt  }
0x5e: {  	_ =	shalt  }
0x5f: {  	_ =	shalt  }
0x60: {  	_ =	shalt  }
0x61: {  	_ =	shalt  }
0x62: {  	_ =	shalt  }
0x63: {  	_ =	shalt  }
0x64: {  	_ =	shalt  }
0x65: {  	_ =	shalt  }
0x66: {  	_ =	shalt  }
0x67: {  	_ =	shalt  }
0x68: {  	_ =	shalt  }
0x69: {  	_ =	shalt  }
0x6a: {  	_ =	shalt  }
0x6b: {  	_ =	shalt  }
0x6c: {  	_ =	shalt  }
0x6d: {  	_ =	shalt  }
0x6e: {  	_ =	shalt  }
0x6f: {  	_ =	shalt  }
0x70: {  	_ =	shalt  }
0x71: {  	_ =	shalt  }
0x72: {  	_ =	shalt  }
0x73: {  	_ =	shalt  }
0x74: {  	_ =	shalt  }
0x75: {  	_ =	shalt  }
0x76: {  	_ =	shalt  }
0x77: {  	_ =	shalt  }
0x78: {  	_ =	shalt  }
0x79: {  	_ =	shalt  }
0x7a: {  	_ =	shalt  }
0x7b: {  	_ =	shalt  }
0x7c: {  	_ =	shalt  }
0x7d: {  	_ =	shalt  }
0x7e: {  	_ =	shalt  }
0x7f: {  	_ =	shalt  }
0x80: {  	_ =	shalt  }
0x81: {  	_ =	shalt  }
0x82: {  	_ =	shalt  }
0x83: {  	_ =	shalt  }
0x84: {  	_ =	shalt  }
0x85: {  	_ =	shalt  }
0x86: {  	_ =	shalt  }
0x87: {  	_ =	shalt  }
.Lfunc_end0:
.L_simem_size_0:
called_computation.2_lowered:
.L_overlay_start_0:
0x88: {  	s2 =	sld [smem:$0x3FD9]  }
0x89: {  	s3 =	sld [smem:$0x3FFE];
	_ =	sdelay $0x1  }
0x8a: {  	s1 =	srdreg.scid  }
0x8b: {  	s0 =	sand.u32 $0x1, s1  }
0x8c: {  	s17 =	sshll.u32 s0, $0xA;
	s2 =	sadd.s32 s3, s2  }
0x8d: {  	s2 =	sadd.s32 s2, s17  }
0x8e: {  	[smem:$0x3FBB] =	sst s2  }
0x8f: {  	_ = 	snop  }
0x90: {  	s2 =	sld [smem:$0x3FD0];
	(tm) =	ssettm $0x1  }
0x91: {  	s18 =	sld [smem:$0x3FFB];
	_ =	sdelay $0x3  }
0x92: {  	_ =	strace s18  }
0x93: {  	s3 =	sld [smem:$0x3FFC];
	_ =	sdelay $0x3  }
0x94: {  	_ =	strace s3  }
0x95: {  	s3 =	sld [smem:$0x3FFD];
	_ =	sdelay $0x3  }
0x96: {  	_ =	strace s3  }
0x97: {  	_ =	strace $0x8FFFFFFF  }
0x98: {  	s19 =	sld [smem:$0x3FDB];
	_ =	sdelay $0x1  }
0x99: {  	s4 =	simm.s32 $_scs_section_size  }
0x9a: {  	s5 =	simm.s32 $_size__tile_overlayer_lowered;
	s6 =	simm.s32 $_tile_overlayer_lowered  }
0x9b: {  	s22 =	simm.s32 $0x1BFF;
	s21 =	sshll.u32 s6, $0x1;
	s3 =	sadd.s32 s4, s19  }
0x9c: {  	s7 =	simm.s32 $0x0;
	s20 =	sshll.u32 s5, $0x1;
	s5 =	sadd.s32 s21, s3  }
0x9d: {  	[timem:s7], [sflag:s22] =	dma.local [hbm:s5], s20  }
0x9e: {  	_ =	swait.ge [sflag:s22], s20  }
0x9f: {  	s4 =	ssub.s32 $0x0, s20;
	[sflag:s22] =	ssyncset.done $0x0  }
0xa0: {  	[sflag:s22] =	ssyncadd.s32 s4;
	_ =	sdelay $0x1  }
0xa1: {  	s23 =	simm.s32 $0x1B8B  }
0xa2: {  	_ =	swait.ge [sflag:s23], $0x1  }
0xa3: {  	[sflag:s23] =	ssyncset.done $0x0  }
0xa4: {  	s25 =	simm.s32 $0x1B8E;
	s24 =	sld [smem:$0x3FFE];
	[sflag:s23] =	ssyncadd.s32 $0xFFFFFFFF  }
0xa5: {  	s26 =	simm.s32 $execute0_lowered;
	[smem:$0x3FD2] =	sst s25  }
0xa6: {  	s5 =	sshll.u32 s26, $0x1;
	_ =	strace $0x8000004C;
	[dreg:$0x1] =	wrdreg $0xFFFFFFFF  }
0xa7: {  	s28 =	simm.s32 $_size_execute0_lowered;
	s3 =	sadd.s32 s3, s5;
	[dreg:$0x0] =	wrdreg $0x0  }
0xa8: {  	s5 =	sshll.u32 s28, $0x1;
	[dreg:$0x2] =	wrdreg s3  }
0xa9: {  	[dreg:$0x3] =	wrdreg s5  }
0xaa: {  	[dreg:$0x4] =	wrdreg $0xC0  }
0xab: {  	_ =	task [dreg:s7], $0x5FFFF  }
0xac: {  	[dreg:$0x1] =	wrdreg $0xFFFFFFFF  }
0xad: {  	[dreg:$0x0] =	wrdreg $0x60  }
0xae: {  	[dreg:$0x2] =	wrdreg s24  }
0xaf: {  	[dreg:$0x3] =	wrdreg s2  }
0xb0: {  	[dreg:$0x4] =	wrdreg $0x0  }
0xb1: {  	[dreg:$0x5] =	wrdreg $0x9  }
0xb2: {  	_ =	task.clear_ibuf [dreg:s7], $0x6FFFF;
	_ =	strace $0x9000004C  }
0xb3: {  	s29 =	simm.s32 $0x9;
	_ =	strace $0x8000004E  }
0xb4: {  	_ =	swait.ge [sflag:s29], $0x1  }
0xb5: {  	[sflag:s29] =	ssyncadd.s32 $0xFFFFFFFF  }
0xb6: {  	_ =	strace $0x9000004E  }
0xb7: {  	_ =	sfence  }
0xb8: {  	s30 =	sld [smem:$0x0];
	_ =	sdelay $0x2  }
0xb9: {  	s31 =	sshll.u32 s1, $0xD;
	s1 =	sshrl.u32 s1, $0x2  }
0xba: {  	s3 =	sand.u32 $0x4000, s31;
	s1 =	sadd.s32 s1, s30  }
0xbb: {  	s0 =	sor.u32 s3, s0;
	s1 =	sshll.u32 s1, $0x11  }
0xbc: {  	s0 =	sor.u32 s1, s0  }
0xbd: {  	s0 =	sadd.s32 $0x8F2B, s0  }
0xbe: {  	[sflag:s0] =	ssyncadd.remote.s32 $0x1  }
0xbf: {  	_ =	sfence.sel $0xFFFF  }
0xc0: {  	[dreg:$0x0] =	wrdreg $0xFFFFFFFF;
	(pc) =	sbr.abs _section_cstart, $3  }
0xc1: {  	[dreg:$0x1] =	wrdreg $0xFFFFFFFF  }
0xc2: {  	_ =	task.clear_ibuf [dreg:s7], $0x2FFFF;
	_ =	strace $0x9FFFFFFF  }
0xc3: {  	(tm) =	ssettm $0x7FFFFFFF  }
tec
execute0_lowered:
.L_overlay_start_1:
0x0: {  	(tag) =	ssettag $0x1  }
0x1: {  	s0 =	rddreg [dreg:$0x0]  }
0x2: {  	s3 =	rddreg [dreg:$0x2];
	s4 =	simm.s32 $0x0  }
0x3: {  	s14 =	stileid.u32;
	s2 =	srdreg.scid;
	s21 =	simm.s32 $0x3  }
0x4: {  	s28 =	simm.s32 $0x1;
	s29 =	simm.s32 $0x80;
	s30 =	simm.s32 $0x2  }
0x5: {  	[smem:$0x7FF] =	sst s4;
	s1 =	smul.u32 $0x500, s14;
	s5 =	sadd.s32 $0xFF1E00, s0  }
0x6: {  	s2 =	sand.u32 $0x1, s2;
	s6 =	smul.u32 $0x4E000, s14;
	s15 =	sadd.s32 $0x9000, s0  }
0x7: {  	s8 =	smul.u32 $0x140000, s14;
	p0 =	seq.s32 s14, $0xF;
	_ =	strace $0x8000004D  }
0x8: {  	s7 =	ssub.s32 $0x2, s2;
	s2 =	smul.u32 $0x1388000, s2;
	[dreg:$0x4] =	wrdreg s15  }
0x9: {  	s1 =	sadd.s32 s1, s0;
	s22 =	sshrl.u32 s7, $0x1;
	s6 =	sshrl.u32 s6, $0x2  }
0xa: {  	s0 =	ssub.s32 s7, s22;
	s7 =	simm.s32 $0x32;
	s8 =	sadd.s32 s8, s2  }
0xb: {  	s1 =	sadd.s32 $0x4000, s1;
	s22 =	simm.s32 $0x13880;
	s7 =	simm.s32 @!p0 $0x50  }
0xc: {  	[dreg:$0x5] =	wrdreg s1;
	s1 =	sadd.s32 s6, s3;
	s2 =	sor.u32 $0x4000, s8  }
0xd: {  	s6 =	sadd.s32 $0x124800, s3;
	s9 =	sshrl.u32 s8, $0x3;
	s0 =	smax.u32 s0, $0x1  }
0xe: {  	s25 =	sadd.s32 $0xC000, s8;
	s26 =	sadd.s32 $0x14000, s8;
	s11 =	sadd.s32 $0x10000, s8  }
0xf: {  	s2 =	sshrl.u32 s2, $0x3;
	s10 =	sadd.s32 s5, s9;
	s24 =	sshll.u32 s7, $0xB  }
0x10: {  	[dreg:$0x8] =	wrdreg s0;
	s0 =	sshrl.u32 s25, $0x3;
	s11 =	sshrl.u32 s11, $0x3  }
0x11: {  	s19 =	sadd.s32 s9, s15;
	s25 =	simm.s32 $0x16080;
	[dreg:$0x6] =	wrdreg s10  }
0x12: {  	s23 =	sadd.s32 s5, s2;
	s12 =	sadd.s32 s0, s15;
	s10 =	sshrl.u32 s26, $0x3  }
0x13: {  	s17 =	sadd.s32 s0, s5;
	s0 =	sshrl.u32 @p0 s6, $0x3;
	[dreg:$0x7] =	wrdreg s23  }
0x14: {  	s11 =	sadd.s32 s11, s5;
	s12 =	sadd.s32 $0xFFFFF000, s12;
	[dreg:$0xc] =	wrdreg s0  }
0x15: {  	s10 =	sadd.s32 s10, s5;
	s31 =	sadd.s32 $0xFFFFF000, s11;
	[dreg:$0x9] =	wrdreg s12  }
0x16: {  	s0 =	sshll.u32 @!p0 s14, $0x6;
	s10 =	sadd.s32 $0xFFFFF000, s10;
	[dreg:$0xb] =	wrdreg s31  }
0x17: {  	s13 =	sadd.s32 $0xFFFFF000, s24;
	s0 =	sor.u32 @!p0 $0x1C03, s0;
	[dreg:$0xa] =	wrdreg s10  }
0x18: {  	s18 =	sadd.s32 s2, s15;
	[dreg:$0xd] =	wrdreg s0;
	s0 =	sshrl.u32 @!p0 s1, $0x3  }
0x19: {  	s26 =	simm.s32 $0x1A080;
	[dreg:$0xe] =	wrdreg s0;
	s0 =	simm.s32 $0x0  }
.LBB2_1:
0x1a: {  	s1 =	rddreg [dreg:$0x5]  }
0x1b: {  	[tilespmem:s22], [sflag:$0x3] =	stream.linear.gather [hbm4b:s1+s4], $0x2800, $0x38;
	[tilespmem:$0x1E080] =	vst v63  }
0x1c: {  	_ =	swait.ge [sflag:s21], $0x2800  }
0x1d: {  	[sflag:s21] =	ssyncset.done $0x0  }
0x1e: {  	s6 =	rddreg [dreg:$0xc];
	[sflag:s21] =	ssyncadd.s32 $0xFFFFD800  }
0x1f: {  	s1 =	simm.s32 @p0 $0x1FC3;
	s2 =	rddreg [dreg:$0x1]  }
0x20: {  	[spmem:s6], [sflag:s1] =	dma.local @p0 [hbm:s2], $0x2800  }
0x21: {  	s1 =	simm.s32 @p0 $0x3  }
0x22: {  	_ =	swait.ge @p0 [sflag:s1], $0x2800  }
0x23: {  	[sflag:s1] =	ssyncset.done @p0 $0x0;
	s6 =	rddreg [dreg:$0xe]  }
0x24: {  	[sflag:s1] =	ssyncadd.s32 @p0 $0xFFFFD800;
	s1 =	rddreg [dreg:$0xd]  }
0x25: {  	[spmem:s6], [sflag:s1] =	dma.local @!p0 [hbm:s2], $0x2700  }
0x26: {  	s1 =	simm.s32 @!p0 $0x3  }
0x27: {  	_ =	swait.ge @!p0 [sflag:s1], $0x2700  }
0x28: {  	[sflag:s1] =	ssyncset.done @!p0 $0x0  }
0x29: {  	[sflag:s1] =	ssyncadd.s32 @!p0 $0xFFFFD900  }
0x2a: {  	[bflag:$0x0] =	sbarrier.arrive $0xFFFF  }
0x2b: {  	s16 =	rddreg [dreg:$0x6]  }
0x2c: {  	[tilespmem:s25], [sflag:$0x1] =	stream.linear.gather [hbm4b:s16+s4], $0x4000, $0x38;
	[tilespmem:$0x1E080] =	vst v63  }
0x2d: {  	s20 =	rddreg [dreg:$0x7]  }
0x2e: {  	[tilespmem:s26], [sflag:$0x2] =	stream.linear.gather [hbm4b:s20+s4], $0x4000, $0x38;
	[tilespmem:$0x1E080] =	vst v63  }
0x2f: {  	_ =	swait.ge [sflag:s28], $0x4000  }
0x30: {  	s23 =	simm.s32 $0x13880;
	p1 =	sle.u32 s7, $0x2;
	[sflag:s28] =	ssyncset.done $0x0  }
0x31: {  	s10 =	simm.s32 $0x2;
	s24 =	simm.s32 $0x13900;
	[sflag:s28] =	ssyncadd.s32 $0xFFFFC000  }
0x32: {  	[spmem:s3] =	stream.indirect.scatter.add.f32 [tilespmem:s25], [sflag:$0x3], $0x80, s23, s29, $0xb8;
	[tilespmem:$0x1E080] =	vst v63  }
0x33: {  	s31 =	simm.s32 $0x13B00;
	s1 =	sadd.s32 @!p1 $0x8000, s8;
	_ =	swait.ge [sflag:s21], $0x4000  }
0x34: {  	s2 =	simm.s32 @!p1 $0x16080;
	s1 =	sshrl.u32 @!p1 s1, $0x3;
	[sflag:s21] =	ssyncset.done $0x0  }
0x35: {  	s6 =	simm.s32 @!p1 $0x0;
	s1 =	sadd.s32 @!p1 s5, s1;
	[sflag:s21] =	ssyncadd.s32 $0xFFFFC000  }
0x36: {  	[tilespmem:s2], [sflag:$0x1] =	stream.linear.gather @!p1 [hbm4b:s1+s6], $0x4000, $0x38;
	[tilespmem:$0x1E080] =	vst v63  }
0x37: {  	s11 =	simm.s32 $0x5;
	p1 =	sne.s32 s13, $0x1000;
	_ =	swait.ge [sflag:s30], $0x4000  }
.Ltmp0:
0x38: {  	p2 =	sle.u32 s7, $0x3;
	[sflag:s30] =	ssyncset.done $0x0;
	(pc) =	sbr.rel @!p1 .LBB2_3-.Ltmp0, $4  }
0x39: {  	s9 =	sadd.s32 $0x8000, s8;
	s12 =	simm.s32 $0x1;
	[sflag:s30] =	ssyncadd.s32 $0xFFFFC000  }
0x3a: {  	[spmem:s3] =	stream.indirect.scatter.add.f32 [tilespmem:s26], [sflag:$0x3], $0x80, s24, s29, $0xb8;
	[tilespmem:$0x1E080] =	vst v63  }
0x3b: {  	s14 =	simm.s32 @!p2 $0x1A080;
	s1 =	simm.s32 $0x13A00;
	_ =	swait.ge [sflag:s21], $0x4000  }
0x3c: {  	s2 =	simm.s32 $0x1000;
	s6 =	sadd.s32 @!p2 $0x0, s17;
	[sflag:s21] =	ssyncset.done $0x0  }
.LBB2_2:
0x3d: {  	s1 =	smov.u32 s31  }
0x3e: {  	s12 =	smov.u32 s10;
	s15 =	simm.s32 @!p2 $0x0;
	s16 =	smov.u32 s2  }
0x3f: {  	s2 =	sadd.s32 $0x1000, s2;
	s20 =	smov.u32 s11;
	[sflag:s21] =	ssyncadd.s32 $0xFFFFC000  }
0x40: {  	[tilespmem:s14], [sflag:$0x2] =	stream.linear.gather @!p2 [hbm4b:s6+s15], $0x4000, $0x38;
	[tilespmem:$0x1E080] =	vst v63  }
0x41: {  	p1 =	sne.s32 s13, s2;
	_ =	swait.ge [sflag:s28], $0x4000  }
0x42: {  	s6 =	sadd.s32 $0xFFFFFE80, s31;
	s14 =	sadd.s32 $0xFFFFFFFF, s11;
	[sflag:s28] =	ssyncset.done $0x0  }
0x43: {  	p2 =	sge.u32 s14, s7;
	[sflag:s28] =	ssyncadd.s32 $0xFFFFC000  }
0x44: {  	[spmem:s3] =	stream.indirect.scatter.add.f32 [tilespmem:s25], [sflag:$0x3], $0x80, s6, s29, $0xb8;
	[tilespmem:$0x1E080] =	vst v63  }
0x45: {  	s14 =	simm.s32 @!p2 $0x16080;
	s6 =	sadd.s32 @!p2 $0x8000, s9;
	_ =	swait.ge [sflag:s21], $0x4000  }
0x46: {  	s15 =	simm.s32 @!p2 $0x0;
	s6 =	sshrl.u32 @!p2 s6, $0x3;
	[sflag:s21] =	ssyncset.done $0x0  }
0x47: {  	s6 =	sadd.s32 @!p2 s5, s6;
	[sflag:s21] =	ssyncadd.s32 $0xFFFFC000  }
0x48: {  	[tilespmem:s14], [sflag:$0x1] =	stream.linear.gather @!p2 [hbm4b:s6+s15], $0x4000, $0x38;
	[tilespmem:$0x1E080] =	vst v63  }
0x49: {  	s10 =	sadd.s32 $0x1, s10;
	_ =	swait.ge [sflag:s30], $0x4000  }
.Ltmp1:
0x4a: {  	s6 =	sadd.s32 $0xFFFFFF00, s31;
	[sflag:s30] =	ssyncset.done $0x0;
	(pc) =	sbr.rel @p1 .LBB2_2-.Ltmp1, $4  }
0x4b: {  	s11 =	sadd.s32 $0x2, s11;
	s31 =	sadd.s32 $0x100, s31;
	[sflag:s30] =	ssyncadd.s32 $0xFFFFC000  }
0x4c: {  	[spmem:s3] =	stream.indirect.scatter.add.f32 [tilespmem:s26], [sflag:$0x3], $0x80, s6, s29, $0xb8;
	[tilespmem:$0x1E080] =	vst v63  }
0x4d: {  	s9 =	sadd.s32 $0x8000, s9;
	p2 =	sge.u32 s20, s7;
	_ =	swait.ge [sflag:s21], $0x4000  }
0x4e: {  	s14 =	simm.s32 @!p2 $0x1A080;
	s6 =	sadd.s32 @!p2 s16, s17;
	[sflag:s21] =	ssyncset.done $0x0  }
.LBB2_3:
0x4f: {  	[sflag:s21] =	ssyncadd.s32 $0xFFFFC000;
	s10 =	simm.s32 @!p2 $0x0  }
0x50: {  	[tilespmem:s14], [sflag:$0x2] =	stream.linear.gather @!p2 [hbm4b:s6+s10], $0x4000, $0x38;
	[tilespmem:$0x1E080] =	vst v63  }
0x51: {  	_ =	swait.ge [sflag:s28], $0x4000  }
0x52: {  	[sflag:s28] =	ssyncset.done $0x0  }
0x53: {  	s20 =	sadd.s32 $0xFFFFFF80, s1;
	s23 =	sadd.s32 $0xFFFFFFFF, s11;
	[sflag:s28] =	ssyncadd.s32 $0xFFFFC000  }
0x54: {  	[spmem:s3] =	stream.indirect.scatter.add.f32 [tilespmem:s25], [sflag:$0x3], $0x80, s20, s29, $0xb8;
	[tilespmem:$0x1E080] =	vst v63  }
0x55: {  	p1 =	sge.u32 s23, s7;
	_ =	swait.ge [sflag:s21], $0x4000  }
0x56: {  	s14 =	simm.s32 @!p1 $0x0;
	[sflag:s21] =	ssyncset.done $0x0;
	s6 =	rddreg [dreg:$0xb]  }
0x57: {  	s10 =	simm.s32 @!p1 $0x16080;
	[sflag:s21] =	ssyncadd.s32 $0xFFFFC000;
	s6 =	sadd.s32 @!p1 s2, s6  }
0x58: {  	[tilespmem:s10], [sflag:$0x1] =	stream.linear.gather @!p1 [hbm4b:s6+s14], $0x4000, $0x38;
	[tilespmem:$0x1E080] =	vst v63  }
0x59: {  	_ =	swait.ge [sflag:s30], $0x4000  }
0x5a: {  	[sflag:s30] =	ssyncset.done $0x0  }
0x5b: {  	[sflag:s30] =	ssyncadd.s32 $0xFFFFC000  }
0x5c: {  	[spmem:s3] =	stream.indirect.scatter.add.f32 [tilespmem:s26], [sflag:$0x3], $0x80, s1, s29, $0xb8;
	[tilespmem:$0x1E080] =	vst v63  }
0x5d: {  	p2 =	sge.u32 s11, s7;
	_ =	swait.ge [sflag:s21], $0x4000  }
0x5e: {  	s11 =	simm.s32 @!p2 $0x1A080;
	[sflag:s21] =	ssyncset.done $0x0;
	s6 =	rddreg [dreg:$0xa]  }
0x5f: {  	s14 =	simm.s32 @!p2 $0x0;
	[sflag:s21] =	ssyncadd.s32 $0xFFFFC000;
	s6 =	sadd.s32 @!p2 s2, s6  }
0x60: {  	[tilespmem:s11], [sflag:$0x2] =	stream.linear.gather @!p2 [hbm4b:s6+s14], $0x4000, $0x38;
	[tilespmem:$0x1E080] =	vst v63  }
0x61: {  	[bflag:$0x0] =	sbarrier.arrive $0xFFFF  }
0x62: {  	[tilespmem:s25], [sflag:$0x1] =	stream.indirect.gather [spmem:s3], $0x80, s22, s29, $0xb8;
	[tilespmem:$0x1E080] =	vst v63  }
0x63: {  	s24 =	simm.s32 $0x13900  }
0x64: {  	[tilespmem:s26], [sflag:$0x2] =	stream.indirect.gather [spmem:s3], $0x80, s24, s29, $0xb8;
	[tilespmem:$0x1E080] =	vst v63  }
0x65: {  	_ =	swait.ge [sflag:s28], $0x4000  }
0x66: {  	[sflag:s28] =	ssyncset.done $0x0  }
0x67: {  	[sflag:s28] =	ssyncadd.s32 $0xFFFFC000  }
0x68: {  	[hbm4b:s19+s4] =	stream.linear.scatter [tilespmem:s25], [sflag:$0x3], $0x4000, $0x38;
	[tilespmem:$0x1E080] =	vst v63  }
0x69: {  	p3 =	sle.u32 s7, $0x2;
	_ =	swait.ge [sflag:s21], $0x4000  }
0x6a: {  	s12 =	sadd.s32 $0xFFFFFFFF, s12;
	s15 =	simm.s32 @!p3 $0x16080;
	[sflag:s21] =	ssyncset.done $0x0  }
0x6b: {  	s6 =	simm.s32 $0x13980;
	s14 =	simm.s32 @!p3 $0x80;
	[sflag:s21] =	ssyncadd.s32 $0xFFFFC000  }
0x6c: {  	[tilespmem:s15], [sflag:$0x1] =	stream.indirect.gather @!p3 [spmem:s3], $0x80, s6, s14, $0xb8;
	[tilespmem:$0x1E080] =	vst v63  }
0x6d: {  	p3 =	sne.s32 s12, $0x0;
	_ =	swait.ge [sflag:s30], $0x4000  }
.Ltmp2:
0x6e: {  	p4 =	sle.u32 s7, $0x3;
	[sflag:s30] =	ssyncset.done $0x0;
	(pc) =	sbr.rel @!p3 .LBB2_5-.Ltmp2, $4  }
0x6f: {  	s16 =	simm.s32 @!p4 $0x13A00;
	s20 =	sadd.s32 $0x1000, s18;
	[sflag:s30] =	ssyncadd.s32 $0xFFFFC000  }
0x70: {  	[hbm4b:s18+s4] =	stream.linear.scatter [tilespmem:s26], [sflag:$0x3], $0x4000, $0x38;
	[tilespmem:$0x1E080] =	vst v63  }
0x71: {  	s22 =	simm.s32 @!p4 $0x80;
	s14 =	simm.s32 $0x5;
	_ =	swait.ge [sflag:s21], $0x4000  }
0x72: {  	s6 =	sadd.s32 $0x1000, s19;
	s15 =	simm.s32 $0x13A80;
	[sflag:s21] =	ssyncset.done $0x0  }
.LBB2_4:
0x73: {  	s12 =	sadd.s32 $0xFFFFFFFF, s12;
	[sflag:s21] =	ssyncadd.s32 $0xFFFFC000;
	s23 =	simm.s32 @!p4 $0x1A080  }
0x74: {  	[tilespmem:s23], [sflag:$0x2] =	stream.indirect.gather @!p4 [spmem:s3], $0x80, s16, s22, $0xb8;
	[tilespmem:$0x1E080] =	vst v63  }
0x75: {  	p3 =	sne.s32 s12, $0x0;
	s16 =	smov.u32 s14;
	_ =	swait.ge [sflag:s28], $0x4000  }
0x76: {  	s22 =	smov.u32 s15;
	[sflag:s28] =	ssyncset.done $0x0  }
0x77: {  	s23 =	sadd.s32 $0xFFFFFFFF, s14;
	[sflag:s28] =	ssyncadd.s32 $0xFFFFC000  }
0x78: {  	[hbm4b:s6+s4] =	stream.linear.scatter [tilespmem:s25], [sflag:$0x3], $0x4000, $0x38;
	[tilespmem:$0x1E080] =	vst v63  }
0x79: {  	p4 =	sge.u32 s23, s7;
	_ =	swait.ge [sflag:s21], $0x4000  }
0x7a: {  	s23 =	simm.s32 @!p4 $0x80;
	s24 =	simm.s32 @!p4 $0x16080;
	[sflag:s21] =	ssyncset.done $0x0  }
0x7b: {  	[sflag:s21] =	ssyncadd.s32 $0xFFFFC000  }
0x7c: {  	[tilespmem:s24], [sflag:$0x1] =	stream.indirect.gather @!p4 [spmem:s3], $0x80, s15, s23, $0xb8;
	[tilespmem:$0x1E080] =	vst v63  }
0x7d: {  	_ =	swait.ge [sflag:s30], $0x4000  }
.Ltmp3:
0x7e: {  	s14 =	sadd.s32 $0x2, s14;
	[sflag:s30] =	ssyncset.done $0x0;
	(pc) =	sbr.rel @p3 .LBB2_4-.Ltmp3, $4  }
0x7f: {  	s6 =	sadd.s32 $0x1000, s6;
	s15 =	sadd.s32 $0x100, s15;
	[sflag:s30] =	ssyncadd.s32 $0xFFFFC000  }
0x80: {  	[hbm4b:s20+s4] =	stream.linear.scatter [tilespmem:s26], [sflag:$0x3], $0x4000, $0x38;
	[tilespmem:$0x1E080] =	vst v63  }
0x81: {  	p4 =	sge.u32 s16, s7;
	s20 =	sadd.s32 $0x1000, s20;
	_ =	swait.ge [sflag:s21], $0x4000  }
0x82: {  	s16 =	sadd.s32 @!p4 $0x80, s22;
	s22 =	simm.s32 @!p4 $0x80;
	[sflag:s21] =	ssyncset.done $0x0  }
.LBB2_5:
0x83: {  	[sflag:s21] =	ssyncadd.s32 $0xFFFFC000;
	s6 =	simm.s32 @!p4 $0x1A080  }
0x84: {  	[tilespmem:s6], [sflag:$0x2] =	stream.indirect.gather @!p4 [spmem:s3], $0x80, s16, s22, $0xb8;
	[tilespmem:$0x1E080] =	vst v63  }
0x85: {  	_ =	swait.ge [sflag:s28], $0x4000  }
0x86: {  	s22 =	sshrl.u32 s9, $0x3;
	[sflag:s28] =	ssyncset.done $0x0;
	s23 =	rddreg [dreg:$0x4]  }
0x87: {  	[sflag:s28] =	ssyncadd.s32 $0xFFFFC000;
	s6 =	sadd.s32 s23, s22  }
0x88: {  	[hbm4b:s6+s4] =	stream.linear.scatter [tilespmem:s25], [sflag:$0x3], $0x4000, $0x38;
	[tilespmem:$0x1E080] =	vst v63  }
0x89: {  	_ =	swait.ge [sflag:s21], $0x4000  }
0x8a: {  	[sflag:s21] =	ssyncset.done $0x0  }
0x8b: {  	s1 =	sadd.s32 @!p1 $0x80, s1;
	s6 =	simm.s32 @!p1 $0x80;
	[sflag:s21] =	ssyncadd.s32 $0xFFFFC000  }
0x8c: {  	[tilespmem:s10], [sflag:$0x1] =	stream.indirect.gather @!p1 [spmem:s3], $0x80, s1, s6, $0xb8;
	[tilespmem:$0x1E080] =	vst v63  }
0x8d: {  	_ =	swait.ge [sflag:s30], $0x4000  }
0x8e: {  	[sflag:s30] =	ssyncset.done $0x0;
	s24 =	rddreg [dreg:$0x9]  }
0x8f: {  	[sflag:s30] =	ssyncadd.s32 $0xFFFFC000;
	s1 =	sadd.s32 s2, s24  }
0x90: {  	[hbm4b:s1+s4] =	stream.linear.scatter [tilespmem:s26], [sflag:$0x3], $0x4000, $0x38;
	[tilespmem:$0x1E080] =	vst v63  }
0x91: {  	_ =	swait.ge [sflag:s21], $0x4000  }
0x92: {  	[sflag:s21] =	ssyncset.done $0x0  }
0x93: {  	s1 =	simm.s32 @!p2 $0x80;
	[sflag:s21] =	ssyncadd.s32 $0xFFFFC000  }
0x94: {  	[tilespmem:s11], [sflag:$0x2] =	stream.indirect.gather @!p2 [spmem:s3], $0x80, s31, s1, $0xb8;
	[tilespmem:$0x1E080] =	vst v63  }
0x95: {  	s0 =	sadd.s32 $0x1, s0;
	s31 =	rddreg [dreg:$0x8]  }
0x96: {  	p1 =	sne.s32 s0, s31  }
.Ltmp4:
0x97: {  	_ = 	snop;
	(pc) =	sbr.rel @p1 .LBB2_1-.Ltmp4, $2  }
0x98: {  	_ =	sdelay $0x2  }
0x99: {  	s22 =	simm.s32 $0x13880  }
0x9a: {  	_ =	sfence.sel $0x180000  }
0x9b: {  	[bflag:$0x0] =	sbarrier.arrive $0xFFFF  }
0x9c: {  	_ =	strace $0x9000004D  }
0x9d: {  	s0 =	stileid.u32;
	[bflag:$0x2] =	sbarrier.arrive $0xFFFF  }
0x9e: {  	p0 =	sne.s32 s0, $0x0;
	s0 =	rddreg [dreg:$0x3]  }
0x9f: {  	s0 =	sadd.s32 @!p0 $0x100000, s0  }
0xa0: {  	[sflag:s0] =	ssyncadd.tile.s32 @!p0 $0x1;
	_ =	shalt  }
.Lfunc_end2:
_tile_overlayer_lowered:
.L_overlay_start_2:
0xa1: {  	(tag) =	ssettag $0x2  }
0xa2: {  	s0 =	rddreg [dreg:$0x0];
	s2 =	stileid.u32  }
0xa3: {  	s1 =	rddreg [dreg:$0x1];
	p0 =	sne.s32 s2, $0x0  }
0xa4: {  	s3 =	rddreg [dreg:$0x2];
	[bflag:$0x3] =	sbarrier.arrive $0xFFFF;
	s2 =	simm.s32 @!p0 $0x1C03  }
0xa5: {  	[timem:s3], [sflag:s2] =	dma.local @!p0 [hbm:s0], s1  }
0xa6: {  	s0 =	simm.s32 @!p0 $0x3  }
0xa7: {  	_ =	swait.ge @!p0 [sflag:s0], s1  }
0xa8: {  	s1 =	ssub.s32 @!p0 $0x0, s1;
	[sflag:s0] =	ssyncset.done @!p0 $0x0  }
0xa9: {  	[sflag:s0] =	ssyncadd.s32 @!p0 s1  }
0xaa: {  	[bflag:$0x3] =	sbarrier.arrive $0xFFFF  }
0xab: {  	_ =	shalt  }

// kernel: kernel.9.cloned.1.call-start
scs
__scs_entry_jumppad:
0x0: {  	(pc) =	sbr.rel $0x88, $3  }
0x1: {  	(tag) =	ssettag $0x0;
	lr =	simm.s32 $0x1  }
0x2: {  	[smem:$0x3F94] =	sst lr;
	_ =	strace $0xD0000000  }
0x3: {  	_ = 	snop  }
0x4: {  	_ = 	snop  }
0x5: {  	_ = 	snop  }
0x6: {  	_ = 	snop  }
0x7: {  	_ = 	snop  }
__scs_overlays_trampoline_lowered:
0x8: {  	[smem:$0x3FA3] =	sst s0  }
0x9: {  	[smem:$0x3FA4] =	sst s1  }
0xa: {  	[smem:$0x3FA5] =	sst s2  }
0xb: {  	[smem:$0x3FA6] =	sst s3  }
0xc: {  	[smem:$0x3FA7] =	sst s4  }
0xd: {  	[smem:$0x3FA8] =	sst s5  }
0xe: {  	[smem:$0x3FA9] =	sst s6  }
0xf: {  	[smem:$0x3FAA] =	sst s7  }
0x10: {  	[smem:$0x3FAB] =	sst s8  }
0x11: {  	[smem:$0x3FAC] =	sst s9;
	s0 =	simm.s32 @!p0 $0x0  }
0x12: {  	s1 =	sld [smem:$0x3F92];
	s0 =	simm.s32 @p0 $0x1  }
0x13: {  	[smem:$0x3FAD] =	sst s0;
	s0 =	simm.s32 @!p1 $0x0  }
0x14: {  	s2 =	sld [smem:$0x3F91];
	s0 =	simm.s32 @p1 $0x1  }
0x15: {  	[smem:$0x3FAE] =	sst s0;
	s0 =	simm.s32 @!p2 $0x0  }
0x16: {  	s3 =	sld [smem:$0x3FDB];
	s0 =	simm.s32 @p2 $0x1  }
0x17: {  	s4 =	simm.s32 $0x1BF5;
	[smem:$0x3FB0] =	sst s0  }
0x18: {  	s0 =	sld [smem:$0x3F93];
	_ =	swait.ge [sflag:s4], $0x0  }
0x19: {  	s7 =	sld [smem:$0x3F94]  }
0x1a: {  	s8 =	sadd.s32 $0xFFFFE003, lr  }
0x1b: {  	s9 =	sadd.s32 $0xFFFFFEF7, lr;
	s5 =	simm.s32 $0xFFFFFFFF;
	p2 =	slt.u32 s8, $0xFFFFF086  }
0x1c: {  	p1 =	slt.u32 s9, $0xF7A;
	s5 =	simm.s32 @!p2 $0x0  }
0x1d: {  	s5 =	simm.s32 @p1 $0x1;
	p0 =	seq.s32 s7, s2  }
0x1e: {  	s7 =	smul.u32 @!p0 $0xF7A, s2;
	p2 =	seq.s32 @!p0 s5, $0x0  }
0x1f: {  	s9 =	smul.u32 $0xF7A, s1;
	s8 =	simm.s32 @!p0 $0x1BF5;
	p2 =	por !p2, p0  }
0x20: {  	[sflag:s8] =	ssyncset.s32 @!p0 $0xFFFFF086;
	s6 =	sadd.s32 @!p0 s3, s7;
	s7 =	simm.s32 @!p0 $0x108  }
0x21: {  	s3 =	sadd.s32 s3, s9;
	s6 =	sadd.s32 @!p0 $0x88, s6;
	s7 =	simm.s32 @p2 $0x1082  }
0x22: {  	[simem:s7], [sflag:s8] =	dma.local @!p0 [hbm:s6], $0xF7A  }
0x23: {  	s9 =	sor.u32 $0xD0000000, s2;
	s6 =	simm.s32 $0x108;
	_ =	swait.ge @!p0 [sflag:s8], $0x0  }
0x24: {  	s3 =	sadd.s32 $0x88, s3;
	s6 =	simm.s32 @!p1 $0x1082;
	[sflag:s4] =	ssyncset.s32 $0xFFFFF086  }
0x25: {  	[simem:s6], [sflag:s4] =	dma.local [hbm:s3], $0xF7A  }
0x26: {  	[smem:$0x3F94] =	sst s1;
	(tag) =	ssettag s2;
	_ =	strace s9  }
0x27: {  	s1 =	sld [smem:$0x3FA4]  }
0x28: {  	s2 =	sld [smem:$0x3FA5]  }
0x29: {  	s4 =	sld [smem:$0x3FA7]  }
0x2a: {  	p0 =	seq.s32 s5, $0x0;
	s5 =	sld [smem:$0x3FA8]  }
0x2b: {  	s6 =	sld [smem:$0x3FA9]  }
0x2c: {  	s7 =	sld [smem:$0x3FAA]  }
0x2d: {  	s3 =	simm.s32 $0x108;
	s8 =	sld [smem:$0x3FAB]  }
0x2e: {  	s3 =	simm.s32 @!p0 $0x1082;
	s9 =	sld [smem:$0x3FAC]  }
0x2f: {  	lr =	sadd.s32 s0, s3;
	s0 =	sld [smem:$0x3FA3]  }
0x30: {  	s3 =	sld [smem:$0x3FA6]  }
0x31: {  	[smem:$0x3FAF] =	sst s10  }
0x32: {  	s10 =	sld [smem:$0x3FAD];
	_ =	sdelay $0x3  }
0x33: {  	p0 =	seq.s32 s10, $0x1;
	s10 =	sld [smem:$0x3FAF];
	_ =	sdelay $0x3  }
0x34: {  	[smem:$0x3FAF] =	sst s10  }
0x35: {  	s10 =	sld [smem:$0x3FAE];
	_ =	sdelay $0x3  }
0x36: {  	p1 =	seq.s32 s10, $0x1;
	s10 =	sld [smem:$0x3FAF];
	_ =	sdelay $0x3  }
0x37: {  	[smem:$0x3FAF] =	sst s10  }
0x38: {  	s10 =	sld [smem:$0x3FB0]  }
0x39: {  	_ = 	snop;
	(pc) =	sbr.ind lr, $3  }
0x3a: {  	_ = 	snop  }
0x3b: {  	_ = 	snop  }
0x3c: {  	p2 =	seq.s32 s10, $0x1;
	s10 =	sld [smem:$0x3FAF]  }
0x3d: {  	_ =	shalt  }
0x3e: {  	_ =	shalt  }
0x3f: {  	_ =	shalt  }
0x40: {  	_ =	shalt  }
0x41: {  	_ =	shalt  }
0x42: {  	_ =	shalt  }
0x43: {  	_ =	shalt  }
0x44: {  	_ =	shalt  }
0x45: {  	_ =	shalt  }
0x46: {  	_ =	shalt  }
0x47: {  	_ =	shalt  }
0x48: {  	_ =	shalt  }
0x49: {  	_ =	shalt  }
0x4a: {  	_ =	shalt  }
0x4b: {  	_ =	shalt  }
0x4c: {  	_ =	shalt  }
0x4d: {  	_ =	shalt  }
0x4e: {  	_ =	shalt  }
0x4f: {  	_ =	shalt  }
0x50: {  	_ =	shalt  }
0x51: {  	_ =	shalt  }
0x52: {  	_ =	shalt  }
0x53: {  	_ =	shalt  }
0x54: {  	_ =	shalt  }
0x55: {  	_ =	shalt  }
0x56: {  	_ =	shalt  }
0x57: {  	_ =	shalt  }
0x58: {  	_ =	shalt  }
0x59: {  	_ =	shalt  }
0x5a: {  	_ =	shalt  }
0x5b: {  	_ =	shalt  }
0x5c: {  	_ =	shalt  }
0x5d: {  	_ =	shalt  }
0x5e: {  	_ =	shalt  }
0x5f: {  	_ =	shalt  }
0x60: {  	_ =	shalt  }
0x61: {  	_ =	shalt  }
0x62: {  	_ =	shalt  }
0x63: {  	_ =	shalt  }
0x64: {  	_ =	shalt  }
0x65: {  	_ =	shalt  }
0x66: {  	_ =	shalt  }
0x67: {  	_ =	shalt  }
0x68: {  	_ =	shalt  }
0x69: {  	_ =	shalt  }
0x6a: {  	_ =	shalt  }
0x6b: {  	_ =	shalt  }
0x6c: {  	_ =	shalt  }
0x6d: {  	_ =	shalt  }
0x6e: {  	_ =	shalt  }
0x6f: {  	_ =	shalt  }
0x70: {  	_ =	shalt  }
0x71: {  	_ =	shalt  }
0x72: {  	_ =	shalt  }
0x73: {  	_ =	shalt  }
0x74: {  	_ =	shalt  }
0x75: {  	_ =	shalt  }
0x76: {  	_ =	shalt  }
0x77: {  	_ =	shalt  }
0x78: {  	_ =	shalt  }
0x79: {  	_ =	shalt  }
0x7a: {  	_ =	shalt  }
0x7b: {  	_ =	shalt  }
0x7c: {  	_ =	shalt  }
0x7d: {  	_ =	shalt  }
0x7e: {  	_ =	shalt  }
0x7f: {  	_ =	shalt  }
0x80: {  	_ =	shalt  }
0x81: {  	_ =	shalt  }
0x82: {  	_ =	shalt  }
0x83: {  	_ =	shalt  }
0x84: {  	_ =	shalt  }
0x85: {  	_ =	shalt  }
0x86: {  	_ =	shalt  }
0x87: {  	_ =	shalt  }
.Lfunc_end0:
.L_simem_size_0:
called_computation_lowered:
.L_overlay_start_0:
0x88: {  	s2 =	sld [smem:$0x3FD9]  }
0x89: {  	s3 =	sld [smem:$0x3FFE];
	_ =	sdelay $0x1  }
0x8a: {  	s1 =	srdreg.scid  }
0x8b: {  	s0 =	sand.u32 $0x1, s1  }
0x8c: {  	s17 =	sshll.u32 s0, $0xA;
	s2 =	sadd.s32 s3, s2  }
0x8d: {  	s2 =	sadd.s32 s2, s17  }
0x8e: {  	[smem:$0x3FBB] =	sst s2  }
0x8f: {  	_ = 	snop  }
0x90: {  	s2 =	sld [smem:$0x3FC9];
	(tm) =	ssettm $0x1  }
0x91: {  	s18 =	sld [smem:$0x3FFB];
	_ =	sdelay $0x3  }
0x92: {  	_ =	strace s18  }
0x93: {  	s3 =	sld [smem:$0x3FFC];
	_ =	sdelay $0x3  }
0x94: {  	_ =	strace s3  }
0x95: {  	s3 =	sld [smem:$0x3FFD];
	_ =	sdelay $0x3  }
0x96: {  	_ =	strace s3  }
0x97: {  	_ =	strace $0x8FFFFFFF  }
0x98: {  	s19 =	sld [smem:$0x3FDB];
	_ =	sdelay $0x1  }
0x99: {  	s4 =	simm.s32 $_scs_section_size  }
0x9a: {  	s5 =	simm.s32 $_size__tile_overlayer_lowered;
	s6 =	simm.s32 $_tile_overlayer_lowered  }
0x9b: {  	s22 =	simm.s32 $0x1BFF;
	s21 =	sshll.u32 s6, $0x1;
	s3 =	sadd.s32 s4, s19  }
0x9c: {  	s7 =	simm.s32 $0x0;
	s20 =	sshll.u32 s5, $0x1;
	s5 =	sadd.s32 s21, s3  }
0x9d: {  	[timem:s7], [sflag:s22] =	dma.local [hbm:s5], s20  }
0x9e: {  	_ =	swait.ge [sflag:s22], s20  }
0x9f: {  	s4 =	ssub.s32 $0x0, s20;
	[sflag:s22] =	ssyncset.done $0x0  }
0xa0: {  	[sflag:s22] =	ssyncadd.s32 s4;
	_ =	sdelay $0x1  }
0xa1: {  	s23 =	simm.s32 $0x1B8B  }
0xa2: {  	_ =	swait.ge [sflag:s23], $0x1  }
0xa3: {  	[sflag:s23] =	ssyncset.done $0x0  }
0xa4: {  	s25 =	simm.s32 $0x1B8E;
	s24 =	sld [smem:$0x3FFE];
	[sflag:s23] =	ssyncadd.s32 $0xFFFFFFFF  }
0xa5: {  	s26 =	simm.s32 $execute0_lowered;
	[smem:$0x3FD2] =	sst s25  }
0xa6: {  	s5 =	sshll.u32 s26, $0x1;
	_ =	strace $0x80000046;
	[dreg:$0x1] =	wrdreg $0xFFFFFFFF  }
0xa7: {  	s28 =	simm.s32 $_size_execute0_lowered;
	s3 =	sadd.s32 s3, s5;
	[dreg:$0x0] =	wrdreg $0x0  }
0xa8: {  	s5 =	sshll.u32 s28, $0x1;
	[dreg:$0x2] =	wrdreg s3  }
0xa9: {  	[dreg:$0x3] =	wrdreg s5  }
0xaa: {  	[dreg:$0x4] =	wrdreg $0xC0  }
0xab: {  	_ =	task [dreg:s7], $0x5FFFF  }
0xac: {  	[dreg:$0x1] =	wrdreg $0xFFFFFFFF  }
0xad: {  	[dreg:$0x0] =	wrdreg $0x60  }
0xae: {  	[dreg:$0x2] =	wrdreg s2  }
0xaf: {  	[dreg:$0x3] =	wrdreg s24  }
0xb0: {  	[dreg:$0x4] =	wrdreg $0x9  }
0xb1: {  	_ =	task.clear_ibuf [dreg:s7], $0x5FFFF;
	_ =	strace $0x90000046  }
0xb2: {  	s29 =	simm.s32 $0x9;
	_ =	strace $0x80000048  }
0xb3: {  	_ =	swait.ge [sflag:s29], $0x1  }
0xb4: {  	[sflag:s29] =	ssyncadd.s32 $0xFFFFFFFF  }
0xb5: {  	_ =	strace $0x90000048  }
0xb6: {  	_ =	sfence  }
0xb7: {  	s30 =	sld [smem:$0x0];
	_ =	sdelay $0x2  }
0xb8: {  	s31 =	sshll.u32 s1, $0xD;
	s1 =	sshrl.u32 s1, $0x2  }
0xb9: {  	s3 =	sand.u32 $0x4000, s31;
	s1 =	sadd.s32 s1, s30  }
0xba: {  	s0 =	sor.u32 s3, s0;
	s1 =	sshll.u32 s1, $0x11  }
0xbb: {  	s0 =	sor.u32 s1, s0  }
0xbc: {  	s0 =	sadd.s32 $0x8F2B, s0  }
0xbd: {  	[sflag:s0] =	ssyncadd.remote.s32 $0x1  }
0xbe: {  	_ =	sfence.sel $0xFFFF  }
0xbf: {  	[dreg:$0x0] =	wrdreg $0xFFFFFFFF;
	(pc) =	sbr.abs _section_cstart, $3  }
0xc0: {  	[dreg:$0x1] =	wrdreg $0xFFFFFFFF  }
0xc1: {  	_ =	task.clear_ibuf [dreg:s7], $0x2FFFF;
	_ =	strace $0x9FFFFFFF  }
0xc2: {  	(tm) =	ssettm $0x7FFFFFFF  }
0xc3: {  	_ =	shalt  }
tec
execute0_lowered:
.L_overlay_start_1:
0x0: {  	(tag) =	ssettag $0x1  }
0x1: {  	s1 =	rddreg [dreg:$0x0]  }
0x2: {  	s4 =	rddreg [dreg:$0x1]  }
0x3: {  	s2 =	srdreg.scid;
	s0 =	rddreg [dreg:$0x2]  }
0x4: {  	s3 =	simm.s32 $0x0;
	s13 =	simm.s32 $0x80;
	s14 =	simm.s32 $0x2800  }
0x5: {  	s15 =	simm.s32 $0x6800;
	s16 =	simm.s32 $0x1;
	s17 =	simm.s32 $0x3  }
0x6: {  	s18 =	simm.s32 $0x2;
	s5 =	sand.u32 $0x1, s2;
	s2 =	stileid.u32  }
0x7: {  	s19 =	simm.s32 $0x0;
	[smem:$0x7FF] =	sst s3;
	s6 =	smul.u32 $0x5000, s5  }
0x8: {  	s7 =	smul.u32 $0x500, s2;
	_ =	strace $0x80000047;
	s8 =	ssub.s32 $0x2, s5  }
0x9: {  	s9 =	smul.u32 $0x1388000, s5;
	p0 =	seq.s32 s2, $0xF;
	s5 =	simm.s32 $0x32  }
0xa: {  	s10 =	smul.u32 $0x140000, s2;
	s28 =	sshrl.u32 s8, $0x1;
	s5 =	simm.s32 @!p0 $0x50  }
0xb: {  	s6 =	sadd.s32 s6, s4;
	s4 =	sadd.s32 $0x13000, s4;
	s8 =	ssub.s32 s8, s28  }
0xc: {  	s29 =	sshll.u32 s5, $0xB;
	s7 =	sadd.s32 s7, s6;
	s6 =	sadd.s32 s10, s9  }
0xd: {  	s8 =	smax.u32 s8, $0x1;
	s7 =	sadd.s32 $0x9000, s7;
	s9 =	sadd.s32 $0xC000, s6  }
0xe: {  	s31 =	sor.u32 $0x4000, s6;
	s12 =	sshrl.u32 s6, $0x3;
	s11 =	sshrl.u32 s9, $0x3  }
0xf: {  	s9 =	sadd.s32 $0xFFFFF000, s29;
	s30 =	sadd.s32 s11, s4;
	s11 =	sshrl.u32 s31, $0x3  }
0x10: {  	s12 =	sadd.s32 s12, s4;
	s10 =	sadd.s32 $0xFFFFF000, s30;
	s11 =	sadd.s32 s11, s4  }
.LBB2_1:
0x11: {  	[tilespmem:s3], [sflag:$0x3] =	stream.linear.gather [hbm4b:s7+s3], $0x2800, $0x38;
	[tilespmem:$0xA800] =	vst v63  }
0x12: {  	_ =	swait.ge [sflag:s17], $0x2800  }
0x13: {  	[sflag:s17] =	ssyncset.done $0x0  }
0x14: {  	[sflag:s17] =	ssyncadd.s32 $0xFFFFD800  }
0x15: {  	[tilespmem:s14], [sflag:$0x1] =	stream.indirect.gather [hbm4b:s1+s13], $0x80, s3, s13, $0xb8;
	[tilespmem:$0xA800] =	vst v63  }
0x16: {  	_ = 	snop  }
0x17: {  	[tilespmem:s15], [sflag:$0x2] =	stream.indirect.gather [hbm4b:s1+s13], $0x80, s13, s13, $0xb8;
	[tilespmem:$0xA800] =	vst v63  }
0x18: {  	_ =	swait.ge [sflag:s16], $0x4000  }
0x19: {  	[sflag:s16] =	ssyncset.done $0x0  }
0x1a: {  	s20 =	sadd.s32 $0x0, s12;
	[sflag:s16] =	ssyncadd.s32 $0xFFFFC000  }
0x1b: {  	[hbm4b:s20+s3] =	stream.linear.scatter [tilespmem:s14], [sflag:$0x3], $0x4000, $0x38;
	[tilespmem:$0xA800] =	vst v63  }
0x1c: {  	p0 =	sle.u32 s5, $0x2;
	s31 =	sadd.s32 $0x0, s11;
	_ =	swait.ge [sflag:s17], $0x4000  }
0x1d: {  	s23 =	sadd.s32 $0x8000, s6;
	s21 =	simm.s32 @!p0 $0x80;
	[sflag:s17] =	ssyncset.done $0x0  }
0x1e: {  	s22 =	simm.s32 @!p0 $0x2800;
	s20 =	simm.s32 @!p0 $0x100;
	[sflag:s17] =	ssyncadd.s32 $0xFFFFC000  }
0x1f: {  	[tilespmem:s22], [sflag:$0x1] =	stream.indirect.gather @!p0 [hbm4b:s1+s21], $0x80, s20, s21, $0xb8;
	[tilespmem:$0xA800] =	vst v63  }
0x20: {  	p1 =	sle.u32 s5, $0x3;
	p0 =	sne.s32 s9, $0x1000;
	_ =	swait.ge [sflag:s18], $0x4000  }
.Ltmp0:
0x21: {  	s25 =	simm.s32 $0x180;
	[sflag:s18] =	ssyncset.done $0x0;
	(pc) =	sbr.rel @!p0 .LBB2_3-.Ltmp0, $4  }
0x22: {  	s24 =	simm.s32 $0x180;
	s26 =	simm.s32 @!p1 $0x80;
	[sflag:s18] =	ssyncadd.s32 $0xFFFFC000  }
0x23: {  	[hbm4b:s31+s3] =	stream.linear.scatter [tilespmem:s15], [sflag:$0x3], $0x4000, $0x38;
	[tilespmem:$0xA800] =	vst v63  }
0x24: {  	s28 =	simm.s32 @!p1 $0x6800;
	s20 =	simm.s32 $0x180;
	_ =	swait.ge [sflag:s17], $0x4000  }
0x25: {  	s21 =	simm.s32 $0x1000;
	s22 =	simm.s32 $0x5;
	[sflag:s17] =	ssyncset.done $0x0  }
.LBB2_2:
0x26: {  	s24 =	smov.u32 s20;
	s20 =	sadd.s32 $0x100, s20  }
0x27: {  	s29 =	smov.u32 s21;
	s21 =	sadd.s32 $0x1000, s21;
	[sflag:s17] =	ssyncadd.s32 $0xFFFFC000  }
0x28: {  	[tilespmem:s28], [sflag:$0x2] =	stream.indirect.gather @!p1 [hbm4b:s1+s26], $0x80, s25, s26, $0xb8;
	[tilespmem:$0xA800] =	vst v63  }
0x29: {  	p0 =	sne.s32 s9, s21;
	s25 =	smov.u32 s20;
	_ =	swait.ge [sflag:s16], $0x4000  }
0x2a: {  	s26 =	sadd.s32 s29, s12;
	[sflag:s16] =	ssyncset.done $0x0  }
0x2b: {  	s28 =	sadd.s32 $0xFFFFFFFF, s22;
	[sflag:s16] =	ssyncadd.s32 $0xFFFFC000  }
0x2c: {  	[hbm4b:s26+s3] =	stream.linear.scatter [tilespmem:s14], [sflag:$0x3], $0x4000, $0x38;
	[tilespmem:$0xA800] =	vst v63  }
0x2d: {  	p1 =	sge.u32 s28, s5;
	_ =	swait.ge [sflag:s17], $0x4000  }
0x2e: {  	s28 =	simm.s32 @!p1 $0x80;
	s26 =	sadd.s32 @!p1 $0xFFFFFF80, s20;
	[sflag:s17] =	ssyncset.done $0x0  }
0x2f: {  	s30 =	simm.s32 @!p1 $0x2800;
	[sflag:s17] =	ssyncadd.s32 $0xFFFFC000  }
0x30: {  	[tilespmem:s30], [sflag:$0x1] =	stream.indirect.gather @!p1 [hbm4b:s1+s28], $0x80, s26, s28, $0xb8;
	[tilespmem:$0xA800] =	vst v63  }
0x31: {  	_ =	swait.ge [sflag:s18], $0x4000  }
.Ltmp1:
0x32: {  	s26 =	sadd.s32 s29, s11;
	[sflag:s18] =	ssyncset.done $0x0;
	(pc) =	sbr.rel @p0 .LBB2_2-.Ltmp1, $4  }
0x33: {  	s23 =	sadd.s32 $0x8000, s23;
	[sflag:s18] =	ssyncadd.s32 $0xFFFFC000  }
0x34: {  	[hbm4b:s26+s3] =	stream.linear.scatter [tilespmem:s15], [sflag:$0x3], $0x4000, $0x38;
	[tilespmem:$0xA800] =	vst v63  }
0x35: {  	p1 =	sge.u32 s22, s5;
	s22 =	sadd.s32 $0x2, s22;
	_ =	swait.ge [sflag:s17], $0x4000  }
0x36: {  	s28 =	simm.s32 @!p1 $0x6800;
	s26 =	simm.s32 @!p1 $0x80;
	[sflag:s17] =	ssyncset.done $0x0  }
.LBB2_3:
0x37: {  	[sflag:s17] =	ssyncadd.s32 $0xFFFFC000  }
0x38: {  	[tilespmem:s28], [sflag:$0x2] =	stream.indirect.gather @!p1 [hbm4b:s1+s26], $0x80, s25, s26, $0xb8;
	[tilespmem:$0xA800] =	vst v63  }
0x39: {  	_ =	swait.ge [sflag:s16], $0x4000  }
0x3a: {  	s23 =	sshrl.u32 s23, $0x3;
	[sflag:s16] =	ssyncset.done $0x0  }
0x3b: {  	s31 =	sadd.s32 $0xFFFFFFFF, s22;
	s23 =	sadd.s32 s4, s23;
	[sflag:s16] =	ssyncadd.s32 $0xFFFFC000  }
0x3c: {  	[hbm4b:s23+s3] =	stream.linear.scatter [tilespmem:s14], [sflag:$0x3], $0x4000, $0x38;
	[tilespmem:$0xA800] =	vst v63  }
0x3d: {  	p0 =	sge.u32 s31, s5;
	_ =	swait.ge [sflag:s17], $0x4000  }
0x3e: {  	s25 =	simm.s32 @!p0 $0x2800;
	[sflag:s17] =	ssyncset.done $0x0  }
0x3f: {  	s23 =	sadd.s32 @!p0 $0x80, s24;
	s24 =	simm.s32 @!p0 $0x80;
	[sflag:s17] =	ssyncadd.s32 $0xFFFFC000  }
0x40: {  	[tilespmem:s25], [sflag:$0x1] =	stream.indirect.gather @!p0 [hbm4b:s1+s24], $0x80, s23, s24, $0xb8;
	[tilespmem:$0xA800] =	vst v63  }
0x41: {  	_ =	swait.ge [sflag:s18], $0x4000  }
0x42: {  	[sflag:s18] =	ssyncset.done $0x0  }
0x43: {  	s21 =	sadd.s32 s21, s10;
	[sflag:s18] =	ssyncadd.s32 $0xFFFFC000  }
0x44: {  	[hbm4b:s21+s3] =	stream.linear.scatter [tilespmem:s15], [sflag:$0x3], $0x4000, $0x38;
	[tilespmem:$0xA800] =	vst v63  }
0x45: {  	s20 =	sadd.s32 $0x100, s20;
	_ =	swait.ge [sflag:s17], $0x4000  }
0x46: {  	s19 =	sadd.s32 $0x1, s19;
	p0 =	sge.u32 s22, s5;
	[sflag:s17] =	ssyncset.done $0x0  }
0x47: {  	s22 =	simm.s32 @!p0 $0x6800;
	s21 =	simm.s32 @!p0 $0x80;
	[sflag:s17] =	ssyncadd.s32 $0xFFFFC000  }
0x48: {  	[tilespmem:s22], [sflag:$0x2] =	stream.indirect.gather @!p0 [hbm4b:s1+s21], $0x80, s20, s21, $0xb8;
	[tilespmem:$0xA800] =	vst v63  }
0x49: {  	p0 =	sne.s32 s19, s8  }
.Ltmp2:
0x4a: {  	_ = 	snop;
	(pc) =	sbr.rel @p0 .LBB2_1-.Ltmp2, $1  }
0x4b: {  	_ =	sdelay $0x3  }
0x4c: {  	_ =	sfence.sel $0x180000  }
0x4d: {  	[bflag:$0x0] =	sbarrier.arrive $0xFFFF  }
0x4e: {  	p0 =	sne.s32 s2, $0x0;
	_ =	strace $0x90000047  }
0x4f: {  	s0 =	sadd.s32 @!p0 $0x100000, s0;
	[bflag:$0x2] =	sbarrier.arrive $0xFFFF  }
0x50: {  	[sflag:s0] =	ssyncadd.tile.s32 @!p0 $0x1;
	_ =	shalt  }
.Lfunc_end2:
_tile_overlayer_lowered:
.L_overlay_start_2:
0x51: {  	(tag) =	ssettag $0x2  }
0x52: {  	s0 =	rddreg [dreg:$0x0];
	s2 =	stileid.u32  }
0x53: {  	s1 =	rddreg [dreg:$0x1];
	p0 =	sne.s32 s2, $0x0  }
0x54: {  	s3 =	rddreg [dreg:$0x2];
	[bflag:$0x3] =	sbarrier.arrive $0xFFFF;
	s2 =	simm.s32 @!p0 $0x1C03  }
0x55: {  	[timem:s3], [sflag:s2] =	dma.local @!p0 [hbm:s0], s1  }
0x56: {  	s0 =	simm.s32 @!p0 $0x3  }
0x57: {  	_ =	swait.ge @!p0 [sflag:s0], s1  }
0x58: {  	s1 =	ssub.s32 @!p0 $0x0, s1;
	[sflag:s0] =	ssyncset.done @!p0 $0x0  }
0x59: {  	[sflag:s0] =	ssyncadd.s32 @!p0 s1  }
0x5a: {  	[bflag:$0x3] =	sbarrier.arrive $0xFFFF  }
0x5b: {  	_ =	shalt  }

</sc_bundles>
